<compile_context>
chip_gen: v7x
topology: tpu7x:2x2x1
jax: 0.10.2.dev20260603
libtpu: 0.0.44.dev20260713+nightly
codegen_flags: <defaults>
</compile_context>

<pallas_src>
import functools

import jax
import jax.numpy as jnp
from jax import lax
from jax.experimental import pallas as pl
from jax.experimental.pallas import tpu as pltpu
from jax.experimental.pallas import tpu_sc as plsc

VOCAB = 100000
EMB = 128
HID = 512
NTPL = 1000
B = 4096
L = 50

NC, NS = 2, 16
NW = NC * NS
ROWS_W = B // NW
CHUNK = 2
IDS_CHUNK = CHUNK * L
NCHUNK = ROWS_W // CHUNK
NBUF = 4
UNROLL = 2
NLANE = 16
NVEC = EMB // NLANE

_mesh = plsc.VectorSubcoreMesh(
    core_axis_name="c", subcore_axis_name="s", num_cores=NC, num_subcores=NS)


@functools.partial(
    pl.kernel,
    mesh=_mesh,
    out_type=jax.ShapeDtypeStruct((B, EMB), jnp.float32),
    scratch_types=[
        [pltpu.VMEM((IDS_CHUNK,), jnp.int32) for _ in range(NBUF)],
        [pltpu.VMEM((IDS_CHUNK, EMB), jnp.float32) for _ in range(NBUF)],
        pltpu.VMEM((ROWS_W, EMB), jnp.float32),
        [pltpu.SemaphoreType.DMA for _ in range(NBUF)],
        [pltpu.SemaphoreType.DMA for _ in range(NBUF)],
    ],
)
def _sc_mean_pool(ids_hbm, table_hbm, out_hbm, idxb, rowsb, acc, gsem, isem):
    wid = lax.axis_index("s") * NC + lax.axis_index("c")
    cbase = wid * NCHUNK

    for b in range(NBUF):
        pltpu.async_copy(ids_hbm.at[cbase + b], idxb[b], isem[b])
    for b in range(NBUF):
        pltpu.make_async_copy(ids_hbm.at[cbase + b], idxb[b], isem[b]).wait()
        pltpu.async_copy(table_hbm.at[idxb[b]], rowsb[b], gsem[b])

    def step(i, z):
        c = i * NBUF
        for b in range(NBUF):
            cc = c + b
            pltpu.make_async_copy(
                table_hbm.at[idxb[b]], rowsb[b], gsem[b]).wait()

            @pl.when(cc + NBUF < NCHUNK)
            def _(_b=b, _cc=cc):
                pltpu.async_copy(
                    ids_hbm.at[cbase + _cc + NBUF], idxb[_b], isem[_b])

            def red(j, accs, _b=b):
                out = list(accs)
                for u in range(UNROLL):
                    l = j * UNROLL + u
                    for r in range(CHUNK):
                        for d in range(NVEC):
                            out[r * NVEC + d] = (
                                out[r * NVEC + d]
                                + rowsb[_b][r * L + l, pl.ds(d * NLANE, NLANE)])
                return tuple(out)
            accs = lax.fori_loop(
                0, L // UNROLL, red,
                tuple(jnp.zeros((NLANE,), jnp.float32)
                      for _ in range(CHUNK * NVEC)))
            for r in range(CHUNK):
                orow = cc * CHUNK + r
                for d in range(NVEC):
                    acc[orow, pl.ds(d * NLANE, NLANE)] = (
                        accs[r * NVEC + d] * (1.0 / L))

            @pl.when(cc + NBUF < NCHUNK)
            def _(_b=b, _cc=cc):
                pltpu.make_async_copy(
                    ids_hbm.at[cbase + _cc + NBUF], idxb[_b], isem[_b]).wait()
                pltpu.async_copy(table_hbm.at[idxb[_b]], rowsb[_b], gsem[_b])
        return z

    lax.fori_loop(0, NCHUNK // NBUF, step, 0)
    pltpu.sync_copy(acc, out_hbm.at[pl.ds(wid * ROWS_W, ROWS_W)])


def _mlp_body(x_ref, w1_ref, b1_ref, w2_ref, b2_ref, o_ref):
    h = jnp.maximum(
        jnp.dot(x_ref[...].astype(jnp.bfloat16), w1_ref[...],
                preferred_element_type=jnp.float32)
        + b1_ref[...], 0.0)
    o_ref[...] = (
        jnp.dot(h.astype(jnp.bfloat16), w2_ref[...],
                preferred_element_type=jnp.float32)
        + b2_ref[...])


BM = 512
_mlp = pl.pallas_call(
    _mlp_body,
    grid=(B // BM,),
    in_specs=[
        pl.BlockSpec((BM, EMB), lambda i: (i, 0)),
        pl.BlockSpec((EMB, HID), lambda i: (0, 0)),
        pl.BlockSpec((1, HID), lambda i: (0, 0)),
        pl.BlockSpec((HID, NTPL), lambda i: (0, 0)),
        pl.BlockSpec((1, NTPL), lambda i: (0, 0)),
    ],
    out_specs=pl.BlockSpec((BM, NTPL), lambda i: (i, 0)),
    out_shape=jax.ShapeDtypeStruct((B, NTPL), jnp.float32),
)


def kernel(input_ids, emb_table, W1, b1, W2, b2):
    ids = input_ids.astype(jnp.int32).reshape(NW * NCHUNK, IDS_CHUNK)
    mean_emb = _sc_mean_pool(ids, emb_table)
    return _mlp(mean_emb, W1.astype(jnp.bfloat16), b1.reshape(1, HID),
                W2.astype(jnp.bfloat16), b2.reshape(1, NTPL))

# --- scband reference (transcript-rebuilt; emitter-appended) ---
"""Pipeline reference for scband-fftemplate-classifier-33174327394824 (READ-ONLY COPY).

The authoritative reference and input builder live on the scoring server;
editing this copy changes nothing except your own understanding.
"""

import jax, jax.numpy as jnp
import numpy as np

VOCAB = 100000
EMB = 128
HID = 512
NTPL = 1000
B = 4096
L = 50

def setup_inputs(seed: int = 0) -> dict:
    key = jax.random.key(seed)
    k1, k2, k3, k4, k5 = jax.random.split(key, 5)
    input_ids = jax.random.randint(k1, (B, L), 0, VOCAB, dtype=jnp.int64 if jax.config.jax_enable_x64 else jnp.int32)
    emb_table = jax.random.normal(k2, (VOCAB, EMB), dtype=jnp.float32) * 0.02
    # padding_idx=0: row 0 is zeros like nn.Embedding(padding_idx=0)
    emb_table = emb_table.at[0].set(0.0)
    W1 = jax.random.normal(k3, (EMB, HID), dtype=jnp.float32) * 0.05
    b1 = jnp.zeros((HID,), dtype=jnp.float32)
    W2 = jax.random.normal(k4, (HID, NTPL), dtype=jnp.float32) * 0.05
    b2 = jnp.zeros((NTPL,), dtype=jnp.float32)
    return {"input_ids": input_ids, "emb_table": emb_table, "W1": W1, "b1": b1, "W2": W2, "b2": b2}

def reference(input_ids, emb_table, W1, b1, W2, b2):
    # embedding lookup (gather)
    emb = jnp.take(emb_table, input_ids, axis=0)  # [B, L, EMB]
    # mean over sequence dim (note: torch divides by full L regardless of padding)
    mean_emb = emb.mean(axis=1)  # [B, EMB]
    h = jnp.maximum(mean_emb @ W1 + b1, 0.0)
    out = h @ W2 + b2  # [B, NTPL]
    return out

if __name__ == "__main__":
    import jax
    _d = setup_inputs()
    print(jax.jit(kernel)(*tuple(_d.values())))

</pallas_src>

<mosaic_0001>
#map = affine_map<(d0, d1) -> (0, 0)>
module attributes {stable_mosaic.version = 14 : i64} {
  func.func @_sc_mean_pool(%arg0: i32, %arg1: i32, %arg2: memref<2048x100xi32, #tpu.memory_space<hbm>>, %arg3: memref<100000x128xf32, #tpu.memory_space<hbm>>, %arg4: memref<4096x128xf32, #tpu.memory_space<hbm>>, %arg5: memref<100xi32, #tpu.memory_space<vmem>>, %arg6: memref<100xi32, #tpu.memory_space<vmem>>, %arg7: memref<100xi32, #tpu.memory_space<vmem>>, %arg8: memref<100xi32, #tpu.memory_space<vmem>>, %arg9: memref<100x128xf32, #tpu.memory_space<vmem>>, %arg10: memref<100x128xf32, #tpu.memory_space<vmem>>, %arg11: memref<100x128xf32, #tpu.memory_space<vmem>>, %arg12: memref<100x128xf32, #tpu.memory_space<vmem>>, %arg13: memref<128x128xf32, #tpu.memory_space<vmem>>, %arg14: memref<!tpu.dma_semaphore, #tpu.memory_space<semaphore_mem>>, %arg15: memref<!tpu.dma_semaphore, #tpu.memory_space<semaphore_mem>>, %arg16: memref<!tpu.dma_semaphore, #tpu.memory_space<semaphore_mem>>, %arg17: memref<!tpu.dma_semaphore, #tpu.memory_space<semaphore_mem>>, %arg18: memref<!tpu.dma_semaphore, #tpu.memory_space<semaphore_mem>>, %arg19: memref<!tpu.dma_semaphore, #tpu.memory_space<semaphore_mem>>, %arg20: memref<!tpu.dma_semaphore, #tpu.memory_space<semaphore_mem>>, %arg21: memref<!tpu.dma_semaphore, #tpu.memory_space<semaphore_mem>>) attributes {dimension_semantics = [#tpu.dimension_semantics<core_parallel>, #tpu.dimension_semantics<subcore_parallel>], iteration_bounds = array<i64: 2, 16>, scalar_prefetch = 0 : i64, scratch_operands = 17 : i64, tpu.core_type = #tpu.core_type<sc_vector_subcore>, window_params = [{transform_indices = #map}, {transform_indices = #map}, {transform_indices = #map}]} {
    %mul3A = arith.constant 2 : i32
    %mul3A_0 = arith.muli %arg1, %mul3A : i32
    %add3A = arith.addi %mul3A_0, %arg0 : i32
    %mul3A_1 = arith.constant 64 : i32
    %mul3A_2 = arith.muli %add3A, %mul3A_1 : i32
    %add3A_3 = arith.constant 0 : i32
    %add3A_4 = arith.addi %mul3A_2, %add3A_3 : i32
    %dma_start3A = arith.constant 0 : i32
    %dma_start3A_5 = tpu.memref_slice %arg2[%add3A_4, %dma_start3A] : memref<2048x100xi32, #tpu.memory_space<hbm>> -> memref<1x100xi32, #tpu.memory_space<hbm>>
    %dma_start3A_6 = tpu.memref_squeeze %dma_start3A_5 : memref<1x100xi32, #tpu.memory_space<hbm>> -> memref<100xi32, #tpu.memory_space<hbm>>
    %dma_start3A_7 = arith.constant 0 : i32
    %dma_start3A_8 = tpu.memref_slice %arg2[%add3A_4, %dma_start3A_7] : memref<2048x100xi32, #tpu.memory_space<hbm>> -> memref<1x100xi32, #tpu.memory_space<hbm>>
    %dma_start3A_9 = tpu.memref_squeeze %dma_start3A_8 : memref<1x100xi32, #tpu.memory_space<hbm>> -> memref<100xi32, #tpu.memory_space<hbm>>
    tpu.enqueue_dma source(%dma_start3A_9 : memref<100xi32, #tpu.memory_space<hbm>>) target(%arg5 : memref<100xi32, #tpu.memory_space<vmem>>) target_semaphore(%arg18 : memref<!tpu.dma_semaphore, #tpu.memory_space<semaphore_mem>>)
    %add3A_10 = arith.constant 1 : i32
    %add3A_11 = arith.addi %mul3A_2, %add3A_10 : i32
    %dma_start3A_12 = arith.constant 0 : i32
    %dma_start3A_13 = tpu.memref_slice %arg2[%add3A_11, %dma_start3A_12] : memref<2048x100xi32, #tpu.memory_space<hbm>> -> memref<1x100xi32, #tpu.memory_space<hbm>>
    %dma_start3A_14 = tpu.memref_squeeze %dma_start3A_13 : memref<1x100xi32, #tpu.memory_space<hbm>> -> memref<100xi32, #tpu.memory_space<hbm>>
    %dma_start3A_15 = arith.constant 0 : i32
    %dma_start3A_16 = tpu.memref_slice %arg2[%add3A_11, %dma_start3A_15] : memref<2048x100xi32, #tpu.memory_space<hbm>> -> memref<1x100xi32, #tpu.memory_space<hbm>>
    %dma_start3A_17 = tpu.memref_squeeze %dma_start3A_16 : memref<1x100xi32, #tpu.memory_space<hbm>> -> memref<100xi32, #tpu.memory_space<hbm>>
    tpu.enqueue_dma source(%dma_start3A_17 : memref<100xi32, #tpu.memory_space<hbm>>) target(%arg6 : memref<100xi32, #tpu.memory_space<vmem>>) target_semaphore(%arg19 : memref<!tpu.dma_semaphore, #tpu.memory_space<semaphore_mem>>)
    %add3A_18 = arith.constant 2 : i32
    %add3A_19 = arith.addi %mul3A_2, %add3A_18 : i32
    %dma_start3A_20 = arith.constant 0 : i32
    %dma_start3A_21 = tpu.memref_slice %arg2[%add3A_19, %dma_start3A_20] : memref<2048x100xi32, #tpu.memory_space<hbm>> -> memref<1x100xi32, #tpu.memory_space<hbm>>
    %dma_start3A_22 = tpu.memref_squeeze %dma_start3A_21 : memref<1x100xi32, #tpu.memory_space<hbm>> -> memref<100xi32, #tpu.memory_space<hbm>>
    %dma_start3A_23 = arith.constant 0 : i32
    %dma_start3A_24 = tpu.memref_slice %arg2[%add3A_19, %dma_start3A_23] : memref<2048x100xi32, #tpu.memory_space<hbm>> -> memref<1x100xi32, #tpu.memory_space<hbm>>
    %dma_start3A_25 = tpu.memref_squeeze %dma_start3A_24 : memref<1x100xi32, #tpu.memory_space<hbm>> -> memref<100xi32, #tpu.memory_space<hbm>>
    tpu.enqueue_dma source(%dma_start3A_25 : memref<100xi32, #tpu.memory_space<hbm>>) target(%arg7 : memref<100xi32, #tpu.memory_space<vmem>>) target_semaphore(%arg20 : memref<!tpu.dma_semaphore, #tpu.memory_space<semaphore_mem>>)
    %add3A_26 = arith.constant 3 : i32
    %add3A_27 = arith.addi %mul3A_2, %add3A_26 : i32
    %dma_start3A_28 = arith.constant 0 : i32
    %dma_start3A_29 = tpu.memref_slice %arg2[%add3A_27, %dma_start3A_28] : memref<2048x100xi32, #tpu.memory_space<hbm>> -> memref<1x100xi32, #tpu.memory_space<hbm>>
    %dma_start3A_30 = tpu.memref_squeeze %dma_start3A_29 : memref<1x100xi32, #tpu.memory_space<hbm>> -> memref<100xi32, #tpu.memory_space<hbm>>
    %dma_start3A_31 = arith.constant 0 : i32
    %dma_start3A_32 = tpu.memref_slice %arg2[%add3A_27, %dma_start3A_31] : memref<2048x100xi32, #tpu.memory_space<hbm>> -> memref<1x100xi32, #tpu.memory_space<hbm>>
    %dma_start3A_33 = tpu.memref_squeeze %dma_start3A_32 : memref<1x100xi32, #tpu.memory_space<hbm>> -> memref<100xi32, #tpu.memory_space<hbm>>
    tpu.enqueue_dma source(%dma_start3A_33 : memref<100xi32, #tpu.memory_space<hbm>>) target(%arg8 : memref<100xi32, #tpu.memory_space<vmem>>) target_semaphore(%arg21 : memref<!tpu.dma_semaphore, #tpu.memory_space<semaphore_mem>>)
    %add3A_34 = arith.constant 0 : i32
    %add3A_35 = arith.addi %mul3A_2, %add3A_34 : i32
    %dma_wait3A = arith.constant 0 : i32
    %dma_wait3A_36 = tpu.memref_slice %arg2[%add3A_35, %dma_wait3A] : memref<2048x100xi32, #tpu.memory_space<hbm>> -> memref<1x100xi32, #tpu.memory_space<hbm>>
    %dma_wait3A_37 = tpu.memref_squeeze %dma_wait3A_36 : memref<1x100xi32, #tpu.memory_space<hbm>> -> memref<100xi32, #tpu.memory_space<hbm>>
    %dma_wait3A_38 = arith.constant 0 : i32
    %dma_wait3A_39 = tpu.memref_slice %arg2[%add3A_35, %dma_wait3A_38] : memref<2048x100xi32, #tpu.memory_space<hbm>> -> memref<1x100xi32, #tpu.memory_space<hbm>>
    %dma_wait3A_40 = tpu.memref_squeeze %dma_wait3A_39 : memref<1x100xi32, #tpu.memory_space<hbm>> -> memref<100xi32, #tpu.memory_space<hbm>>
    tpu.wait_dma2 semaphore(%arg18 : memref<!tpu.dma_semaphore, #tpu.memory_space<semaphore_mem>>) src(%dma_wait3A_40 : memref<100xi32, #tpu.memory_space<hbm>>) dst(%arg5 : memref<100xi32, #tpu.memory_space<vmem>>)
    %dma_start3A_41 = arith.constant 0 : i32
    %dma_start3A_42 = arith.constant 0 : i32
    %dma_start3A_43 = tpu.memref_slice %arg3[%dma_start3A_41, %dma_start3A_42] : memref<100000x128xf32, #tpu.memory_space<hbm>> -> memref<100000x128xf32, #tpu.memory_space<hbm>>
    tpu.enqueue_indirect_dma source(%dma_start3A_43 : memref<100000x128xf32, #tpu.memory_space<hbm>>) target(%arg9 : memref<100x128xf32, #tpu.memory_space<vmem>>) offsets(%arg5 : memref<100xi32, #tpu.memory_space<vmem>>) semaphore(%arg14 : memref<!tpu.dma_semaphore, #tpu.memory_space<semaphore_mem>>)
    %add3A_44 = arith.constant 1 : i32
    %add3A_45 = arith.addi %mul3A_2, %add3A_44 : i32
    %dma_wait3A_46 = arith.constant 0 : i32
    %dma_wait3A_47 = tpu.memref_slice %arg2[%add3A_45, %dma_wait3A_46] : memref<2048x100xi32, #tpu.memory_space<hbm>> -> memref<1x100xi32, #tpu.memory_space<hbm>>
    %dma_wait3A_48 = tpu.memref_squeeze %dma_wait3A_47 : memref<1x100xi32, #tpu.memory_space<hbm>> -> memref<100xi32, #tpu.memory_space<hbm>>
    %dma_wait3A_49 = arith.constant 0 : i32
    %dma_wait3A_50 = tpu.memref_slice %arg2[%add3A_45, %dma_wait3A_49] : memref<2048x100xi32, #tpu.memory_space<hbm>> -> memref<1x100xi32, #tpu.memory_space<hbm>>
    %dma_wait3A_51 = tpu.memref_squeeze %dma_wait3A_50 : memref<1x100xi32, #tpu.memory_space<hbm>> -> memref<100xi32, #tpu.memory_space<hbm>>
    tpu.wait_dma2 semaphore(%arg19 : memref<!tpu.dma_semaphore, #tpu.memory_space<semaphore_mem>>) src(%dma_wait3A_51 : memref<100xi32, #tpu.memory_space<hbm>>) dst(%arg6 : memref<100xi32, #tpu.memory_space<vmem>>)
    %dma_start3A_52 = arith.constant 0 : i32
    %dma_start3A_53 = arith.constant 0 : i32
    %dma_start3A_54 = tpu.memref_slice %arg3[%dma_start3A_52, %dma_start3A_53] : memref<100000x128xf32, #tpu.memory_space<hbm>> -> memref<100000x128xf32, #tpu.memory_space<hbm>>
    tpu.enqueue_indirect_dma source(%dma_start3A_54 : memref<100000x128xf32, #tpu.memory_space<hbm>>) target(%arg10 : memref<100x128xf32, #tpu.memory_space<vmem>>) offsets(%arg6 : memref<100xi32, #tpu.memory_space<vmem>>) semaphore(%arg15 : memref<!tpu.dma_semaphore, #tpu.memory_space<semaphore_mem>>)
    %add3A_55 = arith.constant 2 : i32
    %add3A_56 = arith.addi %mul3A_2, %add3A_55 : i32
    %dma_wait3A_57 = arith.constant 0 : i32
    %dma_wait3A_58 = tpu.memref_slice %arg2[%add3A_56, %dma_wait3A_57] : memref<2048x100xi32, #tpu.memory_space<hbm>> -> memref<1x100xi32, #tpu.memory_space<hbm>>
    %dma_wait3A_59 = tpu.memref_squeeze %dma_wait3A_58 : memref<1x100xi32, #tpu.memory_space<hbm>> -> memref<100xi32, #tpu.memory_space<hbm>>
    %dma_wait3A_60 = arith.constant 0 : i32
    %dma_wait3A_61 = tpu.memref_slice %arg2[%add3A_56, %dma_wait3A_60] : memref<2048x100xi32, #tpu.memory_space<hbm>> -> memref<1x100xi32, #tpu.memory_space<hbm>>
    %dma_wait3A_62 = tpu.memref_squeeze %dma_wait3A_61 : memref<1x100xi32, #tpu.memory_space<hbm>> -> memref<100xi32, #tpu.memory_space<hbm>>
    tpu.wait_dma2 semaphore(%arg20 : memref<!tpu.dma_semaphore, #tpu.memory_space<semaphore_mem>>) src(%dma_wait3A_62 : memref<100xi32, #tpu.memory_space<hbm>>) dst(%arg7 : memref<100xi32, #tpu.memory_space<vmem>>)
    %dma_start3A_63 = arith.constant 0 : i32
    %dma_start3A_64 = arith.constant 0 : i32
    %dma_start3A_65 = tpu.memref_slice %arg3[%dma_start3A_63, %dma_start3A_64] : memref<100000x128xf32, #tpu.memory_space<hbm>> -> memref<100000x128xf32, #tpu.memory_space<hbm>>
    tpu.enqueue_indirect_dma source(%dma_start3A_65 : memref<100000x128xf32, #tpu.memory_space<hbm>>) target(%arg11 : memref<100x128xf32, #tpu.memory_space<vmem>>) offsets(%arg7 : memref<100xi32, #tpu.memory_space<vmem>>) semaphore(%arg16 : memref<!tpu.dma_semaphore, #tpu.memory_space<semaphore_mem>>)
    %add3A_66 = arith.constant 3 : i32
    %add3A_67 = arith.addi %mul3A_2, %add3A_66 : i32
    %dma_wait3A_68 = arith.constant 0 : i32
    %dma_wait3A_69 = tpu.memref_slice %arg2[%add3A_67, %dma_wait3A_68] : memref<2048x100xi32, #tpu.memory_space<hbm>> -> memref<1x100xi32, #tpu.memory_space<hbm>>
    %dma_wait3A_70 = tpu.memref_squeeze %dma_wait3A_69 : memref<1x100xi32, #tpu.memory_space<hbm>> -> memref<100xi32, #tpu.memory_space<hbm>>
    %dma_wait3A_71 = arith.constant 0 : i32
    %dma_wait3A_72 = tpu.memref_slice %arg2[%add3A_67, %dma_wait3A_71] : memref<2048x100xi32, #tpu.memory_space<hbm>> -> memref<1x100xi32, #tpu.memory_space<hbm>>
    %dma_wait3A_73 = tpu.memref_squeeze %dma_wait3A_72 : memref<1x100xi32, #tpu.memory_space<hbm>> -> memref<100xi32, #tpu.memory_space<hbm>>
    tpu.wait_dma2 semaphore(%arg21 : memref<!tpu.dma_semaphore, #tpu.memory_space<semaphore_mem>>) src(%dma_wait3A_73 : memref<100xi32, #tpu.memory_space<hbm>>) dst(%arg8 : memref<100xi32, #tpu.memory_space<vmem>>)
    %dma_start3A_74 = arith.constant 0 : i32
    %dma_start3A_75 = arith.constant 0 : i32
    %dma_start3A_76 = tpu.memref_slice %arg3[%dma_start3A_74, %dma_start3A_75] : memref<100000x128xf32, #tpu.memory_space<hbm>> -> memref<100000x128xf32, #tpu.memory_space<hbm>>
    tpu.enqueue_indirect_dma source(%dma_start3A_76 : memref<100000x128xf32, #tpu.memory_space<hbm>>) target(%arg12 : memref<100x128xf32, #tpu.memory_space<vmem>>) offsets(%arg8 : memref<100xi32, #tpu.memory_space<vmem>>) semaphore(%arg17 : memref<!tpu.dma_semaphore, #tpu.memory_space<semaphore_mem>>)
    %scan3A = arith.constant 0 : i32
    %scan3A_77 = arith.constant 0 : i32
    %scan3A_78 = arith.constant 16 : i32
    %scan3A_79 = arith.addi %scan3A_77, %scan3A_78 : i32
    %scan3A_80 = arith.constant 1 : i32
    scf.for %scan3A_84 = %scan3A_77 to %scan3A_79 step %scan3A_80  : i32 {
      %mul3A_85 = arith.constant 4 : i32
      %mul3A_86 = arith.muli %scan3A_84, %mul3A_85 : i32
      %add3A_87 = arith.constant 0 : i32
      %add3A_88 = arith.addi %mul3A_86, %add3A_87 : i32
      %dma_wait3A_89 = arith.constant 0 : i32
      %dma_wait3A_90 = arith.constant 0 : i32
      %dma_wait3A_91 = tpu.memref_slice %arg3[%dma_wait3A_89, %dma_wait3A_90] : memref<100000x128xf32, #tpu.memory_space<hbm>> -> memref<100000x128xf32, #tpu.memory_space<hbm>>
      tpu.wait_indirect_dma semaphore(%arg14 : memref<!tpu.dma_semaphore, #tpu.memory_space<semaphore_mem>>) src(%dma_wait3A_91 : memref<100000x128xf32, #tpu.memory_space<hbm>>) dst(%arg9 : memref<100x128xf32, #tpu.memory_space<vmem>>)
      %add3A_92 = arith.constant 4 : i32
      %add3A_93 = arith.addi %add3A_88, %add3A_92 : i32
      %lt3A = arith.constant 64 : i32
      %lt3A_94 = arith.cmpi slt, %add3A_93, %lt3A : i32
      %convert_element_type3A = arith.extui %lt3A_94 : i1 to i32
      %cond3A = arith.constant 0 : i32
      %cond3A_95 = arith.cmpi ne, %convert_element_type3A, %cond3A : i32
      scf.if %cond3A_95 {
        %add3A_854 = arith.addi %mul3A_2, %add3A_88 : i32
        %add3A_855 = arith.constant 4 : i32
        %add3A_856 = arith.addi %add3A_854, %add3A_855 : i32
        %dma_start3A_857 = arith.constant 0 : i32
        %dma_start3A_858 = tpu.memref_slice %arg2[%add3A_856, %dma_start3A_857] : memref<2048x100xi32, #tpu.memory_space<hbm>> -> memref<1x100xi32, #tpu.memory_space<hbm>>
        %dma_start3A_859 = tpu.memref_squeeze %dma_start3A_858 : memref<1x100xi32, #tpu.memory_space<hbm>> -> memref<100xi32, #tpu.memory_space<hbm>>
        %dma_start3A_860 = arith.constant 0 : i32
        %dma_start3A_861 = tpu.memref_slice %arg2[%add3A_856, %dma_start3A_860] : memref<2048x100xi32, #tpu.memory_space<hbm>> -> memref<1x100xi32, #tpu.memory_space<hbm>>
        %dma_start3A_862 = tpu.memref_squeeze %dma_start3A_861 : memref<1x100xi32, #tpu.memory_space<hbm>> -> memref<100xi32, #tpu.memory_space<hbm>>
        tpu.enqueue_dma source(%dma_start3A_862 : memref<100xi32, #tpu.memory_space<hbm>>) target(%arg5 : memref<100xi32, #tpu.memory_space<vmem>>) target_semaphore(%arg18 : memref<!tpu.dma_semaphore, #tpu.memory_space<semaphore_mem>>)
      } else {
      }
      %broadcast_in_dim3A = arith.constant 0.000000e+00 : f32
      %broadcast_in_dim3A_96 = vector.broadcast %broadcast_in_dim3A : f32 to vector<16xf32>
      %broadcast_in_dim3A_97 = arith.constant 0.000000e+00 : f32
      %broadcast_in_dim3A_98 = vector.broadcast %broadcast_in_dim3A_97 : f32 to vector<16xf32>
      %broadcast_in_dim3A_99 = arith.constant 0.000000e+00 : f32
      %broadcast_in_dim3A_100 = vector.broadcast %broadcast_in_dim3A_99 : f32 to vector<16xf32>
      %broadcast_in_dim3A_101 = arith.constant 0.000000e+00 : f32
      %broadcast_in_dim3A_102 = vector.broadcast %broadcast_in_dim3A_101 : f32 to vector<16xf32>
      %broadcast_in_dim3A_103 = arith.constant 0.000000e+00 : f32
      %broadcast_in_dim3A_104 = vector.broadcast %broadcast_in_dim3A_103 : f32 to vector<16xf32>
      %broadcast_in_dim3A_105 = arith.constant 0.000000e+00 : f32
      %broadcast_in_dim3A_106 = vector.broadcast %broadcast_in_dim3A_105 : f32 to vector<16xf32>
      %broadcast_in_dim3A_107 = arith.constant 0.000000e+00 : f32
      %broadcast_in_dim3A_108 = vector.broadcast %broadcast_in_dim3A_107 : f32 to vector<16xf32>
      %broadcast_in_dim3A_109 = arith.constant 0.000000e+00 : f32
      %broadcast_in_dim3A_110 = vector.broadcast %broadcast_in_dim3A_109 : f32 to vector<16xf32>
      %broadcast_in_dim3A_111 = arith.constant 0.000000e+00 : f32
      %broadcast_in_dim3A_112 = vector.broadcast %broadcast_in_dim3A_111 : f32 to vector<16xf32>
      %broadcast_in_dim3A_113 = arith.constant 0.000000e+00 : f32
      %broadcast_in_dim3A_114 = vector.broadcast %broadcast_in_dim3A_113 : f32 to vector<16xf32>
      %broadcast_in_dim3A_115 = arith.constant 0.000000e+00 : f32
      %broadcast_in_dim3A_116 = vector.broadcast %broadcast_in_dim3A_115 : f32 to vector<16xf32>
      %broadcast_in_dim3A_117 = arith.constant 0.000000e+00 : f32
      %broadcast_in_dim3A_118 = vector.broadcast %broadcast_in_dim3A_117 : f32 to vector<16xf32>
      %broadcast_in_dim3A_119 = arith.constant 0.000000e+00 : f32
      %broadcast_in_dim3A_120 = vector.broadcast %broadcast_in_dim3A_119 : f32 to vector<16xf32>
      %broadcast_in_dim3A_121 = arith.constant 0.000000e+00 : f32
      %broadcast_in_dim3A_122 = vector.broadcast %broadcast_in_dim3A_121 : f32 to vector<16xf32>
      %broadcast_in_dim3A_123 = arith.constant 0.000000e+00 : f32
      %broadcast_in_dim3A_124 = vector.broadcast %broadcast_in_dim3A_123 : f32 to vector<16xf32>
      %broadcast_in_dim3A_125 = arith.constant 0.000000e+00 : f32
      %broadcast_in_dim3A_126 = vector.broadcast %broadcast_in_dim3A_125 : f32 to vector<16xf32>
      %scan3A_127 = arith.constant 0 : i32
      %scan3A_128 = arith.constant 25 : i32
      %scan3A_129 = arith.addi %scan3A_127, %scan3A_128 : i32
      %scan3A_130 = arith.constant 1 : i32
      %scan3A_131:16 = scf.for %scan3A_854 = %scan3A_127 to %scan3A_129 step %scan3A_130 iter_args(%scan3A_855 = %broadcast_in_dim3A_96, %scan3A_856 = %broadcast_in_dim3A_98, %scan3A_857 = %broadcast_in_dim3A_100, %scan3A_858 = %broadcast_in_dim3A_102, %scan3A_859 = %broadcast_in_dim3A_104, %scan3A_860 = %broadcast_in_dim3A_106, %scan3A_861 = %broadcast_in_dim3A_108, %scan3A_862 = %broadcast_in_dim3A_110, %scan3A_863 = %broadcast_in_dim3A_112, %scan3A_864 = %broadcast_in_dim3A_114, %scan3A_865 = %broadcast_in_dim3A_116, %scan3A_866 = %broadcast_in_dim3A_118, %scan3A_867 = %broadcast_in_dim3A_120, %scan3A_868 = %broadcast_in_dim3A_122, %scan3A_869 = %broadcast_in_dim3A_124, %scan3A_870 = %broadcast_in_dim3A_126) -> (vector<16xf32>, vector<16xf32>, vector<16xf32>, vector<16xf32>, vector<16xf32>, vector<16xf32>, vector<16xf32>, vector<16xf32>, vector<16xf32>, vector<16xf32>, vector<16xf32>, vector<16xf32>, vector<16xf32>, vector<16xf32>, vector<16xf32>, vector<16xf32>)  : i32 {
        %mul3A_871 = arith.constant 2 : i32
        %mul3A_872 = arith.muli %scan3A_854, %mul3A_871 : i32
        %add3A_873 = arith.constant 0 : i32
        %add3A_874 = arith.addi %mul3A_872, %add3A_873 : i32
        %add3A_875 = arith.constant 0 : i32
        %add3A_876 = arith.addi %add3A_875, %add3A_874 : i32
        %get3A = arith.index_cast %add3A_876 : i32 to index
        %get3A_877 = arith.constant 0 : index
        %get3A_878 = tpu.vector_load %arg9[%get3A, %get3A_877] {strides = array<i32>} : memref<100x128xf32, #tpu.memory_space<vmem>>, vector<1x16xf32>,
        %get3A_879 = vector.shape_cast %get3A_878 : vector<1x16xf32> to vector<16xf32>
        %add3A_880 = arith.addf %scan3A_855, %get3A_879 : vector<16xf32>
        %add3A_881 = arith.constant 0 : i32
        %add3A_882 = arith.addi %add3A_881, %add3A_874 : i32
        %get3A_883 = arith.index_cast %add3A_882 : i32 to index
        %get3A_884 = arith.constant 16 : index
        %get3A_885 = tpu.vector_load %arg9[%get3A_883, %get3A_884] {strides = array<i32>} : memref<100x128xf32, #tpu.memory_space<vmem>>, vector<1x16xf32>,
        %get3A_886 = vector.shape_cast %get3A_885 : vector<1x16xf32> to vector<16xf32>
        %add3A_887 = arith.addf %scan3A_856, %get3A_886 : vector<16xf32>
        %add3A_888 = arith.constant 0 : i32
        %add3A_889 = arith.addi %add3A_888, %add3A_874 : i32
        %get3A_890 = arith.index_cast %add3A_889 : i32 to index
        %get3A_891 = arith.constant 32 : index
        %get3A_892 = tpu.vector_load %arg9[%get3A_890, %get3A_891] {strides = array<i32>} : memref<100x128xf32, #tpu.memory_space<vmem>>, vector<1x16xf32>,
        %get3A_893 = vector.shape_cast %get3A_892 : vector<1x16xf32> to vector<16xf32>
        %add3A_894 = arith.addf %scan3A_857, %get3A_893 : vector<16xf32>
        %add3A_895 = arith.constant 0 : i32
        %add3A_896 = arith.addi %add3A_895, %add3A_874 : i32
        %get3A_897 = arith.index_cast %add3A_896 : i32 to index
        %get3A_898 = arith.constant 48 : index
        %get3A_899 = tpu.vector_load %arg9[%get3A_897, %get3A_898] {strides = array<i32>} : memref<100x128xf32, #tpu.memory_space<vmem>>, vector<1x16xf32>,
        %get3A_900 = vector.shape_cast %get3A_899 : vector<1x16xf32> to vector<16xf32>
        %add3A_901 = arith.addf %scan3A_858, %get3A_900 : vector<16xf32>
        %add3A_902 = arith.constant 0 : i32
        %add3A_903 = arith.addi %add3A_902, %add3A_874 : i32
        %get3A_904 = arith.index_cast %add3A_903 : i32 to index
        %get3A_905 = arith.constant 64 : index
        %get3A_906 = tpu.vector_load %arg9[%get3A_904, %get3A_905] {strides = array<i32>} : memref<100x128xf32, #tpu.memory_space<vmem>>, vector<1x16xf32>,
        %get3A_907 = vector.shape_cast %get3A_906 : vector<1x16xf32> to vector<16xf32>
        %add3A_908 = arith.addf %scan3A_859, %get3A_907 : vector<16xf32>
        %add3A_909 = arith.constant 0 : i32
        %add3A_910 = arith.addi %add3A_909, %add3A_874 : i32
        %get3A_911 = arith.index_cast %add3A_910 : i32 to index
        %get3A_912 = arith.constant 80 : index
        %get3A_913 = tpu.vector_load %arg9[%get3A_911, %get3A_912] {strides = array<i32>} : memref<100x128xf32, #tpu.memory_space<vmem>>, vector<1x16xf32>,
        %get3A_914 = vector.shape_cast %get3A_913 : vector<1x16xf32> to vector<16xf32>
        %add3A_915 = arith.addf %scan3A_860, %get3A_914 : vector<16xf32>
        %add3A_916 = arith.constant 0 : i32
        %add3A_917 = arith.addi %add3A_916, %add3A_874 : i32
        %get3A_918 = arith.index_cast %add3A_917 : i32 to index
        %get3A_919 = arith.constant 96 : index
        %get3A_920 = tpu.vector_load %arg9[%get3A_918, %get3A_919] {strides = array<i32>} : memref<100x128xf32, #tpu.memory_space<vmem>>, vector<1x16xf32>,
        %get3A_921 = vector.shape_cast %get3A_920 : vector<1x16xf32> to vector<16xf32>
        %add3A_922 = arith.addf %scan3A_861, %get3A_921 : vector<16xf32>
        %add3A_923 = arith.constant 0 : i32
        %add3A_924 = arith.addi %add3A_923, %add3A_874 : i32
        %get3A_925 = arith.index_cast %add3A_924 : i32 to index
        %get3A_926 = arith.constant 112 : index
        %get3A_927 = tpu.vector_load %arg9[%get3A_925, %get3A_926] {strides = array<i32>} : memref<100x128xf32, #tpu.memory_space<vmem>>, vector<1x16xf32>,
        %get3A_928 = vector.shape_cast %get3A_927 : vector<1x16xf32> to vector<16xf32>
        %add3A_929 = arith.addf %scan3A_862, %get3A_928 : vector<16xf32>
        %add3A_930 = arith.constant 50 : i32
        %add3A_931 = arith.addi %add3A_930, %add3A_874 : i32
        %get3A_932 = arith.index_cast %add3A_931 : i32 to index
        %get3A_933 = arith.constant 0 : index
        %get3A_934 = tpu.vector_load %arg9[%get3A_932, %get3A_933] {strides = array<i32>} : memref<100x128xf32, #tpu.memory_space<vmem>>, vector<1x16xf32>,
        %get3A_935 = vector.shape_cast %get3A_934 : vector<1x16xf32> to vector<16xf32>
        %add3A_936 = arith.addf %scan3A_863, %get3A_935 : vector<16xf32>
        %add3A_937 = arith.constant 50 : i32
        %add3A_938 = arith.addi %add3A_937, %add3A_874 : i32
        %get3A_939 = arith.index_cast %add3A_938 : i32 to index
        %get3A_940 = arith.constant 16 : index
        %get3A_941 = tpu.vector_load %arg9[%get3A_939, %get3A_940] {strides = array<i32>} : memref<100x128xf32, #tpu.memory_space<vmem>>, vector<1x16xf32>,
        %get3A_942 = vector.shape_cast %get3A_941 : vector<1x16xf32> to vector<16xf32>
        %add3A_943 = arith.addf %scan3A_864, %get3A_942 : vector<16xf32>
        %add3A_944 = arith.constant 50 : i32
        %add3A_945 = arith.addi %add3A_944, %add3A_874 : i32
        %get3A_946 = arith.index_cast %add3A_945 : i32 to index
        %get3A_947 = arith.constant 32 : index
        %get3A_948 = tpu.vector_load %arg9[%get3A_946, %get3A_947] {strides = array<i32>} : memref<100x128xf32, #tpu.memory_space<vmem>>, vector<1x16xf32>,
        %get3A_949 = vector.shape_cast %get3A_948 : vector<1x16xf32> to vector<16xf32>
        %add3A_950 = arith.addf %scan3A_865, %get3A_949 : vector<16xf32>
        %add3A_951 = arith.constant 50 : i32
        %add3A_952 = arith.addi %add3A_951, %add3A_874 : i32
        %get3A_953 = arith.index_cast %add3A_952 : i32 to index
        %get3A_954 = arith.constant 48 : index
        %get3A_955 = tpu.vector_load %arg9[%get3A_953, %get3A_954] {strides = array<i32>} : memref<100x128xf32, #tpu.memory_space<vmem>>, vector<1x16xf32>,
        %get3A_956 = vector.shape_cast %get3A_955 : vector<1x16xf32> to vector<16xf32>
        %add3A_957 = arith.addf %scan3A_866, %get3A_956 : vector<16xf32>
        %add3A_958 = arith.constant 50 : i32
        %add3A_959 = arith.addi %add3A_958, %add3A_874 : i32
        %get3A_960 = arith.index_cast %add3A_959 : i32 to index
        %get3A_961 = arith.constant 64 : index
        %get3A_962 = tpu.vector_load %arg9[%get3A_960, %get3A_961] {strides = array<i32>} : memref<100x128xf32, #tpu.memory_space<vmem>>, vector<1x16xf32>,
        %get3A_963 = vector.shape_cast %get3A_962 : vector<1x16xf32> to vector<16xf32>
        %add3A_964 = arith.addf %scan3A_867, %get3A_963 : vector<16xf32>
        %add3A_965 = arith.constant 50 : i32
        %add3A_966 = arith.addi %add3A_965, %add3A_874 : i32
        %get3A_967 = arith.index_cast %add3A_966 : i32 to index
        %get3A_968 = arith.constant 80 : index
        %get3A_969 = tpu.vector_load %arg9[%get3A_967, %get3A_968] {strides = array<i32>} : memref<100x128xf32, #tpu.memory_space<vmem>>, vector<1x16xf32>,
        %get3A_970 = vector.shape_cast %get3A_969 : vector<1x16xf32> to vector<16xf32>
        %add3A_971 = arith.addf %scan3A_868, %get3A_970 : vector<16xf32>
        %add3A_972 = arith.constant 50 : i32
        %add3A_973 = arith.addi %add3A_972, %add3A_874 : i32
        %get3A_974 = arith.index_cast %add3A_973 : i32 to index
        %get3A_975 = arith.constant 96 : index
        %get3A_976 = tpu.vector_load %arg9[%get3A_974, %get3A_975] {strides = array<i32>} : memref<100x128xf32, #tpu.memory_space<vmem>>, vector<1x16xf32>,
        %get3A_977 = vector.shape_cast %get3A_976 : vector<1x16xf32> to vector<16xf32>
        %add3A_978 = arith.addf %scan3A_869, %get3A_977 : vector<16xf32>
        %add3A_979 = arith.constant 50 : i32
        %add3A_980 = arith.addi %add3A_979, %add3A_874 : i32
        %get3A_981 = arith.index_cast %add3A_980 : i32 to index
        %get3A_982 = arith.constant 112 : index
        %get3A_983 = tpu.vector_load %arg9[%get3A_981, %get3A_982] {strides = array<i32>} : memref<100x128xf32, #tpu.memory_space<vmem>>, vector<1x16xf32>,
        %get3A_984 = vector.shape_cast %get3A_983 : vector<1x16xf32> to vector<16xf32>
        %add3A_985 = arith.addf %scan3A_870, %get3A_984 : vector<16xf32>
        %mul3A_986 = arith.constant 2 : i32
        %mul3A_987 = arith.muli %scan3A_854, %mul3A_986 : i32
        %add3A_988 = arith.constant 1 : i32
        %add3A_989 = arith.addi %mul3A_987, %add3A_988 : i32
        %add3A_990 = arith.constant 0 : i32
        %add3A_991 = arith.addi %add3A_990, %add3A_989 : i32
        %get3A_992 = arith.index_cast %add3A_991 : i32 to index
        %get3A_993 = arith.constant 0 : index
        %get3A_994 = tpu.vector_load %arg9[%get3A_992, %get3A_993] {strides = array<i32>} : memref<100x128xf32, #tpu.memory_space<vmem>>, vector<1x16xf32>,
        %get3A_995 = vector.shape_cast %get3A_994 : vector<1x16xf32> to vector<16xf32>
        %add3A_996 = arith.addf %add3A_880, %get3A_995 : vector<16xf32>
        %add3A_997 = arith.constant 0 : i32
        %add3A_998 = arith.addi %add3A_997, %add3A_989 : i32
        %get3A_999 = arith.index_cast %add3A_998 : i32 to index
        %get3A_1000 = arith.constant 16 : index
        %get3A_1001 = tpu.vector_load %arg9[%get3A_999, %get3A_1000] {strides = array<i32>} : memref<100x128xf32, #tpu.memory_space<vmem>>, vector<1x16xf32>,
        %get3A_1002 = vector.shape_cast %get3A_1001 : vector<1x16xf32> to vector<16xf32>
        %add3A_1003 = arith.addf %add3A_887, %get3A_1002 : vector<16xf32>
        %add3A_1004 = arith.constant 0 : i32
        %add3A_1005 = arith.addi %add3A_1004, %add3A_989 : i32
        %get3A_1006 = arith.index_cast %add3A_1005 : i32 to index
        %get3A_1007 = arith.constant 32 : index
        %get3A_1008 = tpu.vector_load %arg9[%get3A_1006, %get3A_1007] {strides = array<i32>} : memref<100x128xf32, #tpu.memory_space<vmem>>, vector<1x16xf32>,
        %get3A_1009 = vector.shape_cast %get3A_1008 : vector<1x16xf32> to vector<16xf32>
        %add3A_1010 = arith.addf %add3A_894, %get3A_1009 : vector<16xf32>
        %add3A_1011 = arith.constant 0 : i32
        %add3A_1012 = arith.addi %add3A_1011, %add3A_989 : i32
        %get3A_1013 = arith.index_cast %add3A_1012 : i32 to index
        %get3A_1014 = arith.constant 48 : index
        %get3A_1015 = tpu.vector_load %arg9[%get3A_1013, %get3A_1014] {strides = array<i32>} : memref<100x128xf32, #tpu.memory_space<vmem>>, vector<1x16xf32>,
        %get3A_1016 = vector.shape_cast %get3A_1015 : vector<1x16xf32> to vector<16xf32>
        %add3A_1017 = arith.addf %add3A_901, %get3A_1016 : vector<16xf32>
        %add3A_1018 = arith.constant 0 : i32
        %add3A_1019 = arith.addi %add3A_1018, %add3A_989 : i32
        %get3A_1020 = arith.index_cast %add3A_1019 : i32 to index
        %get3A_1021 = arith.constant 64 : index
        %get3A_1022 = tpu.vector_load %arg9[%get3A_1020, %get3A_1021] {strides = array<i32>} : memref<100x128xf32, #tpu.memory_space<vmem>>, vector<1x16xf32>,
        %get3A_1023 = vector.shape_cast %get3A_1022 : vector<1x16xf32> to vector<16xf32>
        %add3A_1024 = arith.addf %add3A_908, %get3A_1023 : vector<16xf32>
        %add3A_1025 = arith.constant 0 : i32
        %add3A_1026 = arith.addi %add3A_1025, %add3A_989 : i32
        %get3A_1027 = arith.index_cast %add3A_1026 : i32 to index
        %get3A_1028 = arith.constant 80 : index
        %get3A_1029 = tpu.vector_load %arg9[%get3A_1027, %get3A_1028] {strides = array<i32>} : memref<100x128xf32, #tpu.memory_space<vmem>>, vector<1x16xf32>,
        %get3A_1030 = vector.shape_cast %get3A_1029 : vector<1x16xf32> to vector<16xf32>
        %add3A_1031 = arith.addf %add3A_915, %get3A_1030 : vector<16xf32>
        %add3A_1032 = arith.constant 0 : i32
        %add3A_1033 = arith.addi %add3A_1032, %add3A_989 : i32
        %get3A_1034 = arith.index_cast %add3A_1033 : i32 to index
        %get3A_1035 = arith.constant 96 : index
        %get3A_1036 = tpu.vector_load %arg9[%get3A_1034, %get3A_1035] {strides = array<i32>} : memref<100x128xf32, #tpu.memory_space<vmem>>, vector<1x16xf32>,
        %get3A_1037 = vector.shape_cast %get3A_1036 : vector<1x16xf32> to vector<16xf32>
        %add3A_1038 = arith.addf %add3A_922, %get3A_1037 : vector<16xf32>
        %add3A_1039 = arith.constant 0 : i32
        %add3A_1040 = arith.addi %add3A_1039, %add3A_989 : i32
        %get3A_1041 = arith.index_cast %add3A_1040 : i32 to index
        %get3A_1042 = arith.constant 112 : index
        %get3A_1043 = tpu.vector_load %arg9[%get3A_1041, %get3A_1042] {strides = array<i32>} : memref<100x128xf32, #tpu.memory_space<vmem>>, vector<1x16xf32>,
        %get3A_1044 = vector.shape_cast %get3A_1043 : vector<1x16xf32> to vector<16xf32>
        %add3A_1045 = arith.addf %add3A_929, %get3A_1044 : vector<16xf32>
        %add3A_1046 = arith.constant 50 : i32
        %add3A_1047 = arith.addi %add3A_1046, %add3A_989 : i32
        %get3A_1048 = arith.index_cast %add3A_1047 : i32 to index
        %get3A_1049 = arith.constant 0 : index
        %get3A_1050 = tpu.vector_load %arg9[%get3A_1048, %get3A_1049] {strides = array<i32>} : memref<100x128xf32, #tpu.memory_space<vmem>>, vector<1x16xf32>,
        %get3A_1051 = vector.shape_cast %get3A_1050 : vector<1x16xf32> to vector<16xf32>
        %add3A_1052 = arith.addf %add3A_936, %get3A_1051 : vector<16xf32>
        %add3A_1053 = arith.constant 50 : i32
        %add3A_1054 = arith.addi %add3A_1053, %add3A_989 : i32
        %get3A_1055 = arith.index_cast %add3A_1054 : i32 to index
        %get3A_1056 = arith.constant 16 : index
        %get3A_1057 = tpu.vector_load %arg9[%get3A_1055, %get3A_1056] {strides = array<i32>} : memref<100x128xf32, #tpu.memory_space<vmem>>, vector<1x16xf32>,
        %get3A_1058 = vector.shape_cast %get3A_1057 : vector<1x16xf32> to vector<16xf32>
        %add3A_1059 = arith.addf %add3A_943, %get3A_1058 : vector<16xf32>
        %add3A_1060 = arith.constant 50 : i32
        %add3A_1061 = arith.addi %add3A_1060, %add3A_989 : i32
        %get3A_1062 = arith.index_cast %add3A_1061 : i32 to index
        %get3A_1063 = arith.constant 32 : index
        %get3A_1064 = tpu.vector_load %arg9[%get3A_1062, %get3A_1063] {strides = array<i32>} : memref<100x128xf32, #tpu.memory_space<vmem>>, vector<1x16xf32>,
        %get3A_1065 = vector.shape_cast %get3A_1064 : vector<1x16xf32> to vector<16xf32>
        %add3A_1066 = arith.addf %add3A_950, %get3A_1065 : vector<16xf32>
        %add3A_1067 = arith.constant 50 : i32
        %add3A_1068 = arith.addi %add3A_1067, %add3A_989 : i32
        %get3A_1069 = arith.index_cast %add3A_1068 : i32 to index
        %get3A_1070 = arith.constant 48 : index
        %get3A_1071 = tpu.vector_load %arg9[%get3A_1069, %get3A_1070] {strides = array<i32>} : memref<100x128xf32, #tpu.memory_space<vmem>>, vector<1x16xf32>,
        %get3A_1072 = vector.shape_cast %get3A_1071 : vector<1x16xf32> to vector<16xf32>
        %add3A_1073 = arith.addf %add3A_957, %get3A_1072 : vector<16xf32>
        %add3A_1074 = arith.constant 50 : i32
        %add3A_1075 = arith.addi %add3A_1074, %add3A_989 : i32
        %get3A_1076 = arith.index_cast %add3A_1075 : i32 to index
        %get3A_1077 = arith.constant 64 : index
        %get3A_1078 = tpu.vector_load %arg9[%get3A_1076, %get3A_1077] {strides = array<i32>} : memref<100x128xf32, #tpu.memory_space<vmem>>, vector<1x16xf32>,
        %get3A_1079 = vector.shape_cast %get3A_1078 : vector<1x16xf32> to vector<16xf32>
        %add3A_1080 = arith.addf %add3A_964, %get3A_1079 : vector<16xf32>
        %add3A_1081 = arith.constant 50 : i32
        %add3A_1082 = arith.addi %add3A_1081, %add3A_989 : i32
        %get3A_1083 = arith.index_cast %add3A_1082 : i32 to index
        %get3A_1084 = arith.constant 80 : index
        %get3A_1085 = tpu.vector_load %arg9[%get3A_1083, %get3A_1084] {strides = array<i32>} : memref<100x128xf32, #tpu.memory_space<vmem>>, vector<1x16xf32>,
        %get3A_1086 = vector.shape_cast %get3A_1085 : vector<1x16xf32> to vector<16xf32>
        %add3A_1087 = arith.addf %add3A_971, %get3A_1086 : vector<16xf32>
        %add3A_1088 = arith.constant 50 : i32
        %add3A_1089 = arith.addi %add3A_1088, %add3A_989 : i32
        %get3A_1090 = arith.index_cast %add3A_1089 : i32 to index
        %get3A_1091 = arith.constant 96 : index
        %get3A_1092 = tpu.vector_load %arg9[%get3A_1090, %get3A_1091] {strides = array<i32>} : memref<100x128xf32, #tpu.memory_space<vmem>>, vector<1x16xf32>,
        %get3A_1093 = vector.shape_cast %get3A_1092 : vector<1x16xf32> to vector<16xf32>
        %add3A_1094 = arith.addf %add3A_978, %get3A_1093 : vector<16xf32>
        %add3A_1095 = arith.constant 50 : i32
        %add3A_1096 = arith.addi %add3A_1095, %add3A_989 : i32
        %get3A_1097 = arith.index_cast %add3A_1096 : i32 to index
        %get3A_1098 = arith.constant 112 : index
        %get3A_1099 = tpu.vector_load %arg9[%get3A_1097, %get3A_1098] {strides = array<i32>} : memref<100x128xf32, #tpu.memory_space<vmem>>, vector<1x16xf32>,
        %get3A_1100 = vector.shape_cast %get3A_1099 : vector<1x16xf32> to vector<16xf32>
        %add3A_1101 = arith.addf %add3A_985, %get3A_1100 : vector<16xf32>
        scf.yield %add3A_996, %add3A_1003, %add3A_1010, %add3A_1017, %add3A_1024, %add3A_1031, %add3A_1038, %add3A_1045, %add3A_1052, %add3A_1059, %add3A_1066, %add3A_1073, %add3A_1080, %add3A_1087, %add3A_1094, %add3A_1101 : vector<16xf32>, vector<16xf32>, vector<16xf32>, vector<16xf32>, vector<16xf32>, vector<16xf32>, vector<16xf32>, vector<16xf32>, vector<16xf32>, vector<16xf32>, vector<16xf32>, vector<16xf32>, vector<16xf32>, vector<16xf32>, vector<16xf32>, vector<16xf32>
      }
      %scan3A_132 = arith.constant 25 : i32
      %mul3A_133 = arith.constant 2 : i32
      %mul3A_134 = arith.muli %add3A_88, %mul3A_133 : i32
      %add3A_135 = arith.constant 0 : i32
      %add3A_136 = arith.addi %mul3A_134, %add3A_135 : i32
      %mul3A_137 = arith.constant 2.000000e-02 : f32
      %mul3A_138 = vector.broadcast %mul3A_137 : f32 to vector<16xf32>
      %mul3A_139 = arith.mulf %scan3A_131#0, %mul3A_138 : vector<16xf32>
      %swap3A = arith.index_cast %add3A_136 : i32 to index
      %swap3A_140 = arith.constant 0 : index
      %swap3A_141 = tpu.vector_load %arg13[%swap3A, %swap3A_140] {strides = array<i32>} : memref<128x128xf32, #tpu.memory_space<vmem>>, vector<1x16xf32>,
      %swap3A_142 = vector.shape_cast %swap3A_141 : vector<1x16xf32> to vector<16xf32>
      %swap3A_143 = vector.shape_cast %mul3A_139 : vector<16xf32> to vector<1x16xf32>
      tpu.vector_store %arg13[%swap3A, %swap3A_140], %swap3A_143 {strides = array<i32>} : memref<128x128xf32, #tpu.memory_space<vmem>>, vector<1x16xf32>,
      %mul3A_144 = arith.constant 2.000000e-02 : f32
      %mul3A_145 = vector.broadcast %mul3A_144 : f32 to vector<16xf32>
      %mul3A_146 = arith.mulf %scan3A_131#1, %mul3A_145 : vector<16xf32>
      %swap3A_147 = arith.index_cast %add3A_136 : i32 to index
      %swap3A_148 = arith.constant 16 : index
      %swap3A_149 = tpu.vector_load %arg13[%swap3A_147, %swap3A_148] {strides = array<i32>} : memref<128x128xf32, #tpu.memory_space<vmem>>, vector<1x16xf32>,
      %swap3A_150 = vector.shape_cast %swap3A_149 : vector<1x16xf32> to vector<16xf32>
      %swap3A_151 = vector.shape_cast %mul3A_146 : vector<16xf32> to vector<1x16xf32>
      tpu.vector_store %arg13[%swap3A_147, %swap3A_148], %swap3A_151 {strides = array<i32>} : memref<128x128xf32, #tpu.memory_space<vmem>>, vector<1x16xf32>,
      %mul3A_152 = arith.constant 2.000000e-02 : f32
      %mul3A_153 = vector.broadcast %mul3A_152 : f32 to vector<16xf32>
      %mul3A_154 = arith.mulf %scan3A_131#2, %mul3A_153 : vector<16xf32>
      %swap3A_155 = arith.index_cast %add3A_136 : i32 to index
      %swap3A_156 = arith.constant 32 : index
      %swap3A_157 = tpu.vector_load %arg13[%swap3A_155, %swap3A_156] {strides = array<i32>} : memref<128x128xf32, #tpu.memory_space<vmem>>, vector<1x16xf32>,
      %swap3A_158 = vector.shape_cast %swap3A_157 : vector<1x16xf32> to vector<16xf32>
      %swap3A_159 = vector.shape_cast %mul3A_154 : vector<16xf32> to vector<1x16xf32>
      tpu.vector_store %arg13[%swap3A_155, %swap3A_156], %swap3A_159 {strides = array<i32>} : memref<128x128xf32, #tpu.memory_space<vmem>>, vector<1x16xf32>,
      %mul3A_160 = arith.constant 2.000000e-02 : f32
      %mul3A_161 = vector.broadcast %mul3A_160 : f32 to vector<16xf32>
      %mul3A_162 = arith.mulf %scan3A_131#3, %mul3A_161 : vector<16xf32>
      %swap3A_163 = arith.index_cast %add3A_136 : i32 to index
      %swap3A_164 = arith.constant 48 : index
      %swap3A_165 = tpu.vector_load %arg13[%swap3A_163, %swap3A_164] {strides = array<i32>} : memref<128x128xf32, #tpu.memory_space<vmem>>, vector<1x16xf32>,
      %swap3A_166 = vector.shape_cast %swap3A_165 : vector<1x16xf32> to vector<16xf32>
      %swap3A_167 = vector.shape_cast %mul3A_162 : vector<16xf32> to vector<1x16xf32>
      tpu.vector_store %arg13[%swap3A_163, %swap3A_164], %swap3A_167 {strides = array<i32>} : memref<128x128xf32, #tpu.memory_space<vmem>>, vector<1x16xf32>,
      %mul3A_168 = arith.constant 2.000000e-02 : f32
      %mul3A_169 = vector.broadcast %mul3A_168 : f32 to vector<16xf32>
      %mul3A_170 = arith.mulf %scan3A_131#4, %mul3A_169 : vector<16xf32>
      %swap3A_171 = arith.index_cast %add3A_136 : i32 to index
      %swap3A_172 = arith.constant 64 : index
      %swap3A_173 = tpu.vector_load %arg13[%swap3A_171, %swap3A_172] {strides = array<i32>} : memref<128x128xf32, #tpu.memory_space<vmem>>, vector<1x16xf32>,
      %swap3A_174 = vector.shape_cast %swap3A_173 : vector<1x16xf32> to vector<16xf32>
      %swap3A_175 = vector.shape_cast %mul3A_170 : vector<16xf32> to vector<1x16xf32>
      tpu.vector_store %arg13[%swap3A_171, %swap3A_172], %swap3A_175 {strides = array<i32>} : memref<128x128xf32, #tpu.memory_space<vmem>>, vector<1x16xf32>,
      %mul3A_176 = arith.constant 2.000000e-02 : f32
      %mul3A_177 = vector.broadcast %mul3A_176 : f32 to vector<16xf32>
      %mul3A_178 = arith.mulf %scan3A_131#5, %mul3A_177 : vector<16xf32>
      %swap3A_179 = arith.index_cast %add3A_136 : i32 to index
      %swap3A_180 = arith.constant 80 : index
      %swap3A_181 = tpu.vector_load %arg13[%swap3A_179, %swap3A_180] {strides = array<i32>} : memref<128x128xf32, #tpu.memory_space<vmem>>, vector<1x16xf32>,
      %swap3A_182 = vector.shape_cast %swap3A_181 : vector<1x16xf32> to vector<16xf32>
      %swap3A_183 = vector.shape_cast %mul3A_178 : vector<16xf32> to vector<1x16xf32>
      tpu.vector_store %arg13[%swap3A_179, %swap3A_180], %swap3A_183 {strides = array<i32>} : memref<128x128xf32, #tpu.memory_space<vmem>>, vector<1x16xf32>,
      %mul3A_184 = arith.constant 2.000000e-02 : f32
      %mul3A_185 = vector.broadcast %mul3A_184 : f32 to vector<16xf32>
      %mul3A_186 = arith.mulf %scan3A_131#6, %mul3A_185 : vector<16xf32>
      %swap3A_187 = arith.index_cast %add3A_136 : i32 to index
      %swap3A_188 = arith.constant 96 : index
      %swap3A_189 = tpu.vector_load %arg13[%swap3A_187, %swap3A_188] {strides = array<i32>} : memref<128x128xf32, #tpu.memory_space<vmem>>, vector<1x16xf32>,
      %swap3A_190 = vector.shape_cast %swap3A_189 : vector<1x16xf32> to vector<16xf32>
      %swap3A_191 = vector.shape_cast %mul3A_186 : vector<16xf32> to vector<1x16xf32>
      tpu.vector_store %arg13[%swap3A_187, %swap3A_188], %swap3A_191 {strides = array<i32>} : memref<128x128xf32, #tpu.memory_space<vmem>>, vector<1x16xf32>,
      %mul3A_192 = arith.constant 2.000000e-02 : f32
      %mul3A_193 = vector.broadcast %mul3A_192 : f32 to vector<16xf32>
      %mul3A_194 = arith.mulf %scan3A_131#7, %mul3A_193 : vector<16xf32>
      %swap3A_195 = arith.index_cast %add3A_136 : i32 to index
      %swap3A_196 = arith.constant 112 : index
      %swap3A_197 = tpu.vector_load %arg13[%swap3A_195, %swap3A_196] {strides = array<i32>} : memref<128x128xf32, #tpu.memory_space<vmem>>, vector<1x16xf32>,
      %swap3A_198 = vector.shape_cast %swap3A_197 : vector<1x16xf32> to vector<16xf32>
      %swap3A_199 = vector.shape_cast %mul3A_194 : vector<16xf32> to vector<1x16xf32>
      tpu.vector_store %arg13[%swap3A_195, %swap3A_196], %swap3A_199 {strides = array<i32>} : memref<128x128xf32, #tpu.memory_space<vmem>>, vector<1x16xf32>,
      %mul3A_200 = arith.constant 2 : i32
      %mul3A_201 = arith.muli %add3A_88, %mul3A_200 : i32
      %add3A_202 = arith.constant 1 : i32
      %add3A_203 = arith.addi %mul3A_201, %add3A_202 : i32
      %mul3A_204 = arith.constant 2.000000e-02 : f32
      %mul3A_205 = vector.broadcast %mul3A_204 : f32 to vector<16xf32>
      %mul3A_206 = arith.mulf %scan3A_131#8, %mul3A_205 : vector<16xf32>
      %swap3A_207 = arith.index_cast %add3A_203 : i32 to index
      %swap3A_208 = arith.constant 0 : index
      %swap3A_209 = tpu.vector_load %arg13[%swap3A_207, %swap3A_208] {strides = array<i32>} : memref<128x128xf32, #tpu.memory_space<vmem>>, vector<1x16xf32>,
      %swap3A_210 = vector.shape_cast %swap3A_209 : vector<1x16xf32> to vector<16xf32>
      %swap3A_211 = vector.shape_cast %mul3A_206 : vector<16xf32> to vector<1x16xf32>
      tpu.vector_store %arg13[%swap3A_207, %swap3A_208], %swap3A_211 {strides = array<i32>} : memref<128x128xf32, #tpu.memory_space<vmem>>, vector<1x16xf32>,
      %mul3A_212 = arith.constant 2.000000e-02 : f32
      %mul3A_213 = vector.broadcast %mul3A_212 : f32 to vector<16xf32>
      %mul3A_214 = arith.mulf %scan3A_131#9, %mul3A_213 : vector<16xf32>
      %swap3A_215 = arith.index_cast %add3A_203 : i32 to index
      %swap3A_216 = arith.constant 16 : index
      %swap3A_217 = tpu.vector_load %arg13[%swap3A_215, %swap3A_216] {strides = array<i32>} : memref<128x128xf32, #tpu.memory_space<vmem>>, vector<1x16xf32>,
      %swap3A_218 = vector.shape_cast %swap3A_217 : vector<1x16xf32> to vector<16xf32>
      %swap3A_219 = vector.shape_cast %mul3A_214 : vector<16xf32> to vector<1x16xf32>
      tpu.vector_store %arg13[%swap3A_215, %swap3A_216], %swap3A_219 {strides = array<i32>} : memref<128x128xf32, #tpu.memory_space<vmem>>, vector<1x16xf32>,
      %mul3A_220 = arith.constant 2.000000e-02 : f32
      %mul3A_221 = vector.broadcast %mul3A_220 : f32 to vector<16xf32>
      %mul3A_222 = arith.mulf %scan3A_131#10, %mul3A_221 : vector<16xf32>
      %swap3A_223 = arith.index_cast %add3A_203 : i32 to index
      %swap3A_224 = arith.constant 32 : index
      %swap3A_225 = tpu.vector_load %arg13[%swap3A_223, %swap3A_224] {strides = array<i32>} : memref<128x128xf32, #tpu.memory_space<vmem>>, vector<1x16xf32>,
      %swap3A_226 = vector.shape_cast %swap3A_225 : vector<1x16xf32> to vector<16xf32>
      %swap3A_227 = vector.shape_cast %mul3A_222 : vector<16xf32> to vector<1x16xf32>
      tpu.vector_store %arg13[%swap3A_223, %swap3A_224], %swap3A_227 {strides = array<i32>} : memref<128x128xf32, #tpu.memory_space<vmem>>, vector<1x16xf32>,
      %mul3A_228 = arith.constant 2.000000e-02 : f32
      %mul3A_229 = vector.broadcast %mul3A_228 : f32 to vector<16xf32>
      %mul3A_230 = arith.mulf %scan3A_131#11, %mul3A_229 : vector<16xf32>
      %swap3A_231 = arith.index_cast %add3A_203 : i32 to index
      %swap3A_232 = arith.constant 48 : index
      %swap3A_233 = tpu.vector_load %arg13[%swap3A_231, %swap3A_232] {strides = array<i32>} : memref<128x128xf32, #tpu.memory_space<vmem>>, vector<1x16xf32>,
      %swap3A_234 = vector.shape_cast %swap3A_233 : vector<1x16xf32> to vector<16xf32>
      %swap3A_235 = vector.shape_cast %mul3A_230 : vector<16xf32> to vector<1x16xf32>
      tpu.vector_store %arg13[%swap3A_231, %swap3A_232], %swap3A_235 {strides = array<i32>} : memref<128x128xf32, #tpu.memory_space<vmem>>, vector<1x16xf32>,
      %mul3A_236 = arith.constant 2.000000e-02 : f32
      %mul3A_237 = vector.broadcast %mul3A_236 : f32 to vector<16xf32>
      %mul3A_238 = arith.mulf %scan3A_131#12, %mul3A_237 : vector<16xf32>
      %swap3A_239 = arith.index_cast %add3A_203 : i32 to index
      %swap3A_240 = arith.constant 64 : index
      %swap3A_241 = tpu.vector_load %arg13[%swap3A_239, %swap3A_240] {strides = array<i32>} : memref<128x128xf32, #tpu.memory_space<vmem>>, vector<1x16xf32>,
      %swap3A_242 = vector.shape_cast %swap3A_241 : vector<1x16xf32> to vector<16xf32>
      %swap3A_243 = vector.shape_cast %mul3A_238 : vector<16xf32> to vector<1x16xf32>
      tpu.vector_store %arg13[%swap3A_239, %swap3A_240], %swap3A_243 {strides = array<i32>} : memref<128x128xf32, #tpu.memory_space<vmem>>, vector<1x16xf32>,
      %mul3A_244 = arith.constant 2.000000e-02 : f32
      %mul3A_245 = vector.broadcast %mul3A_244 : f32 to vector<16xf32>
      %mul3A_246 = arith.mulf %scan3A_131#13, %mul3A_245 : vector<16xf32>
      %swap3A_247 = arith.index_cast %add3A_203 : i32 to index
      %swap3A_248 = arith.constant 80 : index
      %swap3A_249 = tpu.vector_load %arg13[%swap3A_247, %swap3A_248] {strides = array<i32>} : memref<128x128xf32, #tpu.memory_space<vmem>>, vector<1x16xf32>,
      %swap3A_250 = vector.shape_cast %swap3A_249 : vector<1x16xf32> to vector<16xf32>
      %swap3A_251 = vector.shape_cast %mul3A_246 : vector<16xf32> to vector<1x16xf32>
      tpu.vector_store %arg13[%swap3A_247, %swap3A_248], %swap3A_251 {strides = array<i32>} : memref<128x128xf32, #tpu.memory_space<vmem>>, vector<1x16xf32>,
      %mul3A_252 = arith.constant 2.000000e-02 : f32
      %mul3A_253 = vector.broadcast %mul3A_252 : f32 to vector<16xf32>
      %mul3A_254 = arith.mulf %scan3A_131#14, %mul3A_253 : vector<16xf32>
      %swap3A_255 = arith.index_cast %add3A_203 : i32 to index
      %swap3A_256 = arith.constant 96 : index
      %swap3A_257 = tpu.vector_load %arg13[%swap3A_255, %swap3A_256] {strides = array<i32>} : memref<128x128xf32, #tpu.memory_space<vmem>>, vector<1x16xf32>,
      %swap3A_258 = vector.shape_cast %swap3A_257 : vector<1x16xf32> to vector<16xf32>
      %swap3A_259 = vector.shape_cast %mul3A_254 : vector<16xf32> to vector<1x16xf32>
      tpu.vector_store %arg13[%swap3A_255, %swap3A_256], %swap3A_259 {strides = array<i32>} : memref<128x128xf32, #tpu.memory_space<vmem>>, vector<1x16xf32>,
      %mul3A_260 = arith.constant 2.000000e-02 : f32
      %mul3A_261 = vector.broadcast %mul3A_260 : f32 to vector<16xf32>
      %mul3A_262 = arith.mulf %scan3A_131#15, %mul3A_261 : vector<16xf32>
      %swap3A_263 = arith.index_cast %add3A_203 : i32 to index
      %swap3A_264 = arith.constant 112 : index
      %swap3A_265 = tpu.vector_load %arg13[%swap3A_263, %swap3A_264] {strides = array<i32>} : memref<128x128xf32, #tpu.memory_space<vmem>>, vector<1x16xf32>,
      %swap3A_266 = vector.shape_cast %swap3A_265 : vector<1x16xf32> to vector<16xf32>
      %swap3A_267 = vector.shape_cast %mul3A_262 : vector<16xf32> to vector<1x16xf32>
      tpu.vector_store %arg13[%swap3A_263, %swap3A_264], %swap3A_267 {strides = array<i32>} : memref<128x128xf32, #tpu.memory_space<vmem>>, vector<1x16xf32>,
      %add3A_268 = arith.constant 4 : i32
      %add3A_269 = arith.addi %add3A_88, %add3A_268 : i32
      %lt3A_270 = arith.constant 64 : i32
      %lt3A_271 = arith.cmpi slt, %add3A_269, %lt3A_270 : i32
      %convert_element_type3A_272 = arith.extui %lt3A_271 : i1 to i32
      %cond3A_273 = arith.constant 0 : i32
      %cond3A_274 = arith.cmpi ne, %convert_element_type3A_272, %cond3A_273 : i32
      scf.if %cond3A_274 {
        %add3A_854 = arith.addi %mul3A_2, %add3A_88 : i32
        %add3A_855 = arith.constant 4 : i32
        %add3A_856 = arith.addi %add3A_854, %add3A_855 : i32
        %dma_wait3A_857 = arith.constant 0 : i32
        %dma_wait3A_858 = tpu.memref_slice %arg2[%add3A_856, %dma_wait3A_857] : memref<2048x100xi32, #tpu.memory_space<hbm>> -> memref<1x100xi32, #tpu.memory_space<hbm>>
        %dma_wait3A_859 = tpu.memref_squeeze %dma_wait3A_858 : memref<1x100xi32, #tpu.memory_space<hbm>> -> memref<100xi32, #tpu.memory_space<hbm>>
        %dma_wait3A_860 = arith.constant 0 : i32
        %dma_wait3A_861 = tpu.memref_slice %arg2[%add3A_856, %dma_wait3A_860] : memref<2048x100xi32, #tpu.memory_space<hbm>> -> memref<1x100xi32, #tpu.memory_space<hbm>>
        %dma_wait3A_862 = tpu.memref_squeeze %dma_wait3A_861 : memref<1x100xi32, #tpu.memory_space<hbm>> -> memref<100xi32, #tpu.memory_space<hbm>>
        tpu.wait_dma2 semaphore(%arg18 : memref<!tpu.dma_semaphore, #tpu.memory_space<semaphore_mem>>) src(%dma_wait3A_862 : memref<100xi32, #tpu.memory_space<hbm>>) dst(%arg5 : memref<100xi32, #tpu.memory_space<vmem>>)
        %dma_start3A_863 = arith.constant 0 : i32
        %dma_start3A_864 = arith.constant 0 : i32
        %dma_start3A_865 = tpu.memref_slice %arg3[%dma_start3A_863, %dma_start3A_864] : memref<100000x128xf32, #tpu.memory_space<hbm>> -> memref<100000x128xf32, #tpu.memory_space<hbm>>
        tpu.enqueue_indirect_dma source(%dma_start3A_865 : memref<100000x128xf32, #tpu.memory_space<hbm>>) target(%arg9 : memref<100x128xf32, #tpu.memory_space<vmem>>) offsets(%arg5 : memref<100xi32, #tpu.memory_space<vmem>>) semaphore(%arg14 : memref<!tpu.dma_semaphore, #tpu.memory_space<semaphore_mem>>)
      } else {
      }
      %add3A_275 = arith.constant 1 : i32
      %add3A_276 = arith.addi %mul3A_86, %add3A_275 : i32
      %dma_wait3A_277 = arith.constant 0 : i32
      %dma_wait3A_278 = arith.constant 0 : i32
      %dma_wait3A_279 = tpu.memref_slice %arg3[%dma_wait3A_277, %dma_wait3A_278] : memref<100000x128xf32, #tpu.memory_space<hbm>> -> memref<100000x128xf32, #tpu.memory_space<hbm>>
      tpu.wait_indirect_dma semaphore(%arg15 : memref<!tpu.dma_semaphore, #tpu.memory_space<semaphore_mem>>) src(%dma_wait3A_279 : memref<100000x128xf32, #tpu.memory_space<hbm>>) dst(%arg10 : memref<100x128xf32, #tpu.memory_space<vmem>>)
      %add3A_280 = arith.constant 4 : i32
      %add3A_281 = arith.addi %add3A_276, %add3A_280 : i32
      %lt3A_282 = arith.constant 64 : i32
      %lt3A_283 = arith.cmpi slt, %add3A_281, %lt3A_282 : i32
      %convert_element_type3A_284 = arith.extui %lt3A_283 : i1 to i32
      %cond3A_285 = arith.constant 0 : i32
      %cond3A_286 = arith.cmpi ne, %convert_element_type3A_284, %cond3A_285 : i32
      scf.if %cond3A_286 {
        %add3A_854 = arith.addi %mul3A_2, %add3A_276 : i32
        %add3A_855 = arith.constant 4 : i32
        %add3A_856 = arith.addi %add3A_854, %add3A_855 : i32
        %dma_start3A_857 = arith.constant 0 : i32
        %dma_start3A_858 = tpu.memref_slice %arg2[%add3A_856, %dma_start3A_857] : memref<2048x100xi32, #tpu.memory_space<hbm>> -> memref<1x100xi32, #tpu.memory_space<hbm>>
        %dma_start3A_859 = tpu.memref_squeeze %dma_start3A_858 : memref<1x100xi32, #tpu.memory_space<hbm>> -> memref<100xi32, #tpu.memory_space<hbm>>
        %dma_start3A_860 = arith.constant 0 : i32
        %dma_start3A_861 = tpu.memref_slice %arg2[%add3A_856, %dma_start3A_860] : memref<2048x100xi32, #tpu.memory_space<hbm>> -> memref<1x100xi32, #tpu.memory_space<hbm>>
        %dma_start3A_862 = tpu.memref_squeeze %dma_start3A_861 : memref<1x100xi32, #tpu.memory_space<hbm>> -> memref<100xi32, #tpu.memory_space<hbm>>
        tpu.enqueue_dma source(%dma_start3A_862 : memref<100xi32, #tpu.memory_space<hbm>>) target(%arg6 : memref<100xi32, #tpu.memory_space<vmem>>) target_semaphore(%arg19 : memref<!tpu.dma_semaphore, #tpu.memory_space<semaphore_mem>>)
      } else {
      }
      %broadcast_in_dim3A_287 = arith.constant 0.000000e+00 : f32
      %broadcast_in_dim3A_288 = vector.broadcast %broadcast_in_dim3A_287 : f32 to vector<16xf32>
      %broadcast_in_dim3A_289 = arith.constant 0.000000e+00 : f32
      %broadcast_in_dim3A_290 = vector.broadcast %broadcast_in_dim3A_289 : f32 to vector<16xf32>
      %broadcast_in_dim3A_291 = arith.constant 0.000000e+00 : f32
      %broadcast_in_dim3A_292 = vector.broadcast %broadcast_in_dim3A_291 : f32 to vector<16xf32>
      %broadcast_in_dim3A_293 = arith.constant 0.000000e+00 : f32
      %broadcast_in_dim3A_294 = vector.broadcast %broadcast_in_dim3A_293 : f32 to vector<16xf32>
      %broadcast_in_dim3A_295 = arith.constant 0.000000e+00 : f32
      %broadcast_in_dim3A_296 = vector.broadcast %broadcast_in_dim3A_295 : f32 to vector<16xf32>
      %broadcast_in_dim3A_297 = arith.constant 0.000000e+00 : f32
      %broadcast_in_dim3A_298 = vector.broadcast %broadcast_in_dim3A_297 : f32 to vector<16xf32>
      %broadcast_in_dim3A_299 = arith.constant 0.000000e+00 : f32
      %broadcast_in_dim3A_300 = vector.broadcast %broadcast_in_dim3A_299 : f32 to vector<16xf32>
      %broadcast_in_dim3A_301 = arith.constant 0.000000e+00 : f32
      %broadcast_in_dim3A_302 = vector.broadcast %broadcast_in_dim3A_301 : f32 to vector<16xf32>
      %broadcast_in_dim3A_303 = arith.constant 0.000000e+00 : f32
      %broadcast_in_dim3A_304 = vector.broadcast %broadcast_in_dim3A_303 : f32 to vector<16xf32>
      %broadcast_in_dim3A_305 = arith.constant 0.000000e+00 : f32
      %broadcast_in_dim3A_306 = vector.broadcast %broadcast_in_dim3A_305 : f32 to vector<16xf32>
      %broadcast_in_dim3A_307 = arith.constant 0.000000e+00 : f32
      %broadcast_in_dim3A_308 = vector.broadcast %broadcast_in_dim3A_307 : f32 to vector<16xf32>
      %broadcast_in_dim3A_309 = arith.constant 0.000000e+00 : f32
      %broadcast_in_dim3A_310 = vector.broadcast %broadcast_in_dim3A_309 : f32 to vector<16xf32>
      %broadcast_in_dim3A_311 = arith.constant 0.000000e+00 : f32
      %broadcast_in_dim3A_312 = vector.broadcast %broadcast_in_dim3A_311 : f32 to vector<16xf32>
      %broadcast_in_dim3A_313 = arith.constant 0.000000e+00 : f32
      %broadcast_in_dim3A_314 = vector.broadcast %broadcast_in_dim3A_313 : f32 to vector<16xf32>
      %broadcast_in_dim3A_315 = arith.constant 0.000000e+00 : f32
      %broadcast_in_dim3A_316 = vector.broadcast %broadcast_in_dim3A_315 : f32 to vector<16xf32>
      %broadcast_in_dim3A_317 = arith.constant 0.000000e+00 : f32
      %broadcast_in_dim3A_318 = vector.broadcast %broadcast_in_dim3A_317 : f32 to vector<16xf32>
      %scan3A_319 = arith.constant 0 : i32
      %scan3A_320 = arith.constant 25 : i32
      %scan3A_321 = arith.addi %scan3A_319, %scan3A_320 : i32
      %scan3A_322 = arith.constant 1 : i32
      %scan3A_323:16 = scf.for %scan3A_854 = %scan3A_319 to %scan3A_321 step %scan3A_322 iter_args(%scan3A_855 = %broadcast_in_dim3A_288, %scan3A_856 = %broadcast_in_dim3A_290, %scan3A_857 = %broadcast_in_dim3A_292, %scan3A_858 = %broadcast_in_dim3A_294, %scan3A_859 = %broadcast_in_dim3A_296, %scan3A_860 = %broadcast_in_dim3A_298, %scan3A_861 = %broadcast_in_dim3A_300, %scan3A_862 = %broadcast_in_dim3A_302, %scan3A_863 = %broadcast_in_dim3A_304, %scan3A_864 = %broadcast_in_dim3A_306, %scan3A_865 = %broadcast_in_dim3A_308, %scan3A_866 = %broadcast_in_dim3A_310, %scan3A_867 = %broadcast_in_dim3A_312, %scan3A_868 = %broadcast_in_dim3A_314, %scan3A_869 = %broadcast_in_dim3A_316, %scan3A_870 = %broadcast_in_dim3A_318) -> (vector<16xf32>, vector<16xf32>, vector<16xf32>, vector<16xf32>, vector<16xf32>, vector<16xf32>, vector<16xf32>, vector<16xf32>, vector<16xf32>, vector<16xf32>, vector<16xf32>, vector<16xf32>, vector<16xf32>, vector<16xf32>, vector<16xf32>, vector<16xf32>)  : i32 {
        %mul3A_871 = arith.constant 2 : i32
        %mul3A_872 = arith.muli %scan3A_854, %mul3A_871 : i32
        %add3A_873 = arith.constant 0 : i32
        %add3A_874 = arith.addi %mul3A_872, %add3A_873 : i32
        %add3A_875 = arith.constant 0 : i32
        %add3A_876 = arith.addi %add3A_875, %add3A_874 : i32
        %get3A = arith.index_cast %add3A_876 : i32 to index
        %get3A_877 = arith.constant 0 : index
        %get3A_878 = tpu.vector_load %arg10[%get3A, %get3A_877] {strides = array<i32>} : memref<100x128xf32, #tpu.memory_space<vmem>>, vector<1x16xf32>,
        %get3A_879 = vector.shape_cast %get3A_878 : vector<1x16xf32> to vector<16xf32>
        %add3A_880 = arith.addf %scan3A_855, %get3A_879 : vector<16xf32>
        %add3A_881 = arith.constant 0 : i32
        %add3A_882 = arith.addi %add3A_881, %add3A_874 : i32
        %get3A_883 = arith.index_cast %add3A_882 : i32 to index
        %get3A_884 = arith.constant 16 : index
        %get3A_885 = tpu.vector_load %arg10[%get3A_883, %get3A_884] {strides = array<i32>} : memref<100x128xf32, #tpu.memory_space<vmem>>, vector<1x16xf32>,
        %get3A_886 = vector.shape_cast %get3A_885 : vector<1x16xf32> to vector<16xf32>
        %add3A_887 = arith.addf %scan3A_856, %get3A_886 : vector<16xf32>
        %add3A_888 = arith.constant 0 : i32
        %add3A_889 = arith.addi %add3A_888, %add3A_874 : i32
        %get3A_890 = arith.index_cast %add3A_889 : i32 to index
        %get3A_891 = arith.constant 32 : index
        %get3A_892 = tpu.vector_load %arg10[%get3A_890, %get3A_891] {strides = array<i32>} : memref<100x128xf32, #tpu.memory_space<vmem>>, vector<1x16xf32>,
        %get3A_893 = vector.shape_cast %get3A_892 : vector<1x16xf32> to vector<16xf32>
        %add3A_894 = arith.addf %scan3A_857, %get3A_893 : vector<16xf32>
        %add3A_895 = arith.constant 0 : i32
        %add3A_896 = arith.addi %add3A_895, %add3A_874 : i32
        %get3A_897 = arith.index_cast %add3A_896 : i32 to index
        %get3A_898 = arith.constant 48 : index
        %get3A_899 = tpu.vector_load %arg10[%get3A_897, %get3A_898] {strides = array<i32>} : memref<100x128xf32, #tpu.memory_space<vmem>>, vector<1x16xf32>,
        %get3A_900 = vector.shape_cast %get3A_899 : vector<1x16xf32> to vector<16xf32>
        %add3A_901 = arith.addf %scan3A_858, %get3A_900 : vector<16xf32>
        %add3A_902 = arith.constant 0 : i32
        %add3A_903 = arith.addi %add3A_902, %add3A_874 : i32
        %get3A_904 = arith.index_cast %add3A_903 : i32 to index
        %get3A_905 = arith.constant 64 : index
        %get3A_906 = tpu.vector_load %arg10[%get3A_904, %get3A_905] {strides = array<i32>} : memref<100x128xf32, #tpu.memory_space<vmem>>, vector<1x16xf32>,
        %get3A_907 = vector.shape_cast %get3A_906 : vector<1x16xf32> to vector<16xf32>
        %add3A_908 = arith.addf %scan3A_859, %get3A_907 : vector<16xf32>
        %add3A_909 = arith.constant 0 : i32
        %add3A_910 = arith.addi %add3A_909, %add3A_874 : i32
        %get3A_911 = arith.index_cast %add3A_910 : i32 to index
        %get3A_912 = arith.constant 80 : index
        %get3A_913 = tpu.vector_load %arg10[%get3A_911, %get3A_912] {strides = array<i32>} : memref<100x128xf32, #tpu.memory_space<vmem>>, vector<1x16xf32>,
        %get3A_914 = vector.shape_cast %get3A_913 : vector<1x16xf32> to vector<16xf32>
        %add3A_915 = arith.addf %scan3A_860, %get3A_914 : vector<16xf32>
        %add3A_916 = arith.constant 0 : i32
        %add3A_917 = arith.addi %add3A_916, %add3A_874 : i32
        %get3A_918 = arith.index_cast %add3A_917 : i32 to index
        %get3A_919 = arith.constant 96 : index
        %get3A_920 = tpu.vector_load %arg10[%get3A_918, %get3A_919] {strides = array<i32>} : memref<100x128xf32, #tpu.memory_space<vmem>>, vector<1x16xf32>,
        %get3A_921 = vector.shape_cast %get3A_920 : vector<1x16xf32> to vector<16xf32>
        %add3A_922 = arith.addf %scan3A_861, %get3A_921 : vector<16xf32>
        %add3A_923 = arith.constant 0 : i32
        %add3A_924 = arith.addi %add3A_923, %add3A_874 : i32
        %get3A_925 = arith.index_cast %add3A_924 : i32 to index
        %get3A_926 = arith.constant 112 : index
        %get3A_927 = tpu.vector_load %arg10[%get3A_925, %get3A_926] {strides = array<i32>} : memref<100x128xf32, #tpu.memory_space<vmem>>, vector<1x16xf32>,
        %get3A_928 = vector.shape_cast %get3A_927 : vector<1x16xf32> to vector<16xf32>
        %add3A_929 = arith.addf %scan3A_862, %get3A_928 : vector<16xf32>
        %add3A_930 = arith.constant 50 : i32
        %add3A_931 = arith.addi %add3A_930, %add3A_874 : i32
        %get3A_932 = arith.index_cast %add3A_931 : i32 to index
        %get3A_933 = arith.constant 0 : index
        %get3A_934 = tpu.vector_load %arg10[%get3A_932, %get3A_933] {strides = array<i32>} : memref<100x128xf32, #tpu.memory_space<vmem>>, vector<1x16xf32>,
        %get3A_935 = vector.shape_cast %get3A_934 : vector<1x16xf32> to vector<16xf32>
        %add3A_936 = arith.addf %scan3A_863, %get3A_935 : vector<16xf32>
        %add3A_937 = arith.constant 50 : i32
        %add3A_938 = arith.addi %add3A_937, %add3A_874 : i32
        %get3A_939 = arith.index_cast %add3A_938 : i32 to index
        %get3A_940 = arith.constant 16 : index
        %get3A_941 = tpu.vector_load %arg10[%get3A_939, %get3A_940] {strides = array<i32>} : memref<100x128xf32, #tpu.memory_space<vmem>>, vector<1x16xf32>,
        %get3A_942 = vector.shape_cast %get3A_941 : vector<1x16xf32> to vector<16xf32>
        %add3A_943 = arith.addf %scan3A_864, %get3A_942 : vector<16xf32>
        %add3A_944 = arith.constant 50 : i32
        %add3A_945 = arith.addi %add3A_944, %add3A_874 : i32
        %get3A_946 = arith.index_cast %add3A_945 : i32 to index
        %get3A_947 = arith.constant 32 : index
        %get3A_948 = tpu.vector_load %arg10[%get3A_946, %get3A_947] {strides = array<i32>} : memref<100x128xf32, #tpu.memory_space<vmem>>, vector<1x16xf32>,
        %get3A_949 = vector.shape_cast %get3A_948 : vector<1x16xf32> to vector<16xf32>
        %add3A_950 = arith.addf %scan3A_865, %get3A_949 : vector<16xf32>
        %add3A_951 = arith.constant 50 : i32
        %add3A_952 = arith.addi %add3A_951, %add3A_874 : i32
        %get3A_953 = arith.index_cast %add3A_952 : i32 to index
        %get3A_954 = arith.constant 48 : index
        %get3A_955 = tpu.vector_load %arg10[%get3A_953, %get3A_954] {strides = array<i32>} : memref<100x128xf32, #tpu.memory_space<vmem>>, vector<1x16xf32>,
        %get3A_956 = vector.shape_cast %get3A_955 : vector<1x16xf32> to vector<16xf32>
        %add3A_957 = arith.addf %scan3A_866, %get3A_956 : vector<16xf32>
        %add3A_958 = arith.constant 50 : i32
        %add3A_959 = arith.addi %add3A_958, %add3A_874 : i32
        %get3A_960 = arith.index_cast %add3A_959 : i32 to index
        %get3A_961 = arith.constant 64 : index
        %get3A_962 = tpu.vector_load %arg10[%get3A_960, %get3A_961] {strides = array<i32>} : memref<100x128xf32, #tpu.memory_space<vmem>>, vector<1x16xf32>,
        %get3A_963 = vector.shape_cast %get3A_962 : vector<1x16xf32> to vector<16xf32>
        %add3A_964 = arith.addf %scan3A_867, %get3A_963 : vector<16xf32>
        %add3A_965 = arith.constant 50 : i32
        %add3A_966 = arith.addi %add3A_965, %add3A_874 : i32
        %get3A_967 = arith.index_cast %add3A_966 : i32 to index
        %get3A_968 = arith.constant 80 : index
        %get3A_969 = tpu.vector_load %arg10[%get3A_967, %get3A_968] {strides = array<i32>} : memref<100x128xf32, #tpu.memory_space<vmem>>, vector<1x16xf32>,
        %get3A_970 = vector.shape_cast %get3A_969 : vector<1x16xf32> to vector<16xf32>
        %add3A_971 = arith.addf %scan3A_868, %get3A_970 : vector<16xf32>
        %add3A_972 = arith.constant 50 : i32
        %add3A_973 = arith.addi %add3A_972, %add3A_874 : i32
        %get3A_974 = arith.index_cast %add3A_973 : i32 to index
        %get3A_975 = arith.constant 96 : index
        %get3A_976 = tpu.vector_load %arg10[%get3A_974, %get3A_975] {strides = array<i32>} : memref<100x128xf32, #tpu.memory_space<vmem>>, vector<1x16xf32>,
        %get3A_977 = vector.shape_cast %get3A_976 : vector<1x16xf32> to vector<16xf32>
        %add3A_978 = arith.addf %scan3A_869, %get3A_977 : vector<16xf32>
        %add3A_979 = arith.constant 50 : i32
        %add3A_980 = arith.addi %add3A_979, %add3A_874 : i32
        %get3A_981 = arith.index_cast %add3A_980 : i32 to index
        %get3A_982 = arith.constant 112 : index
        %get3A_983 = tpu.vector_load %arg10[%get3A_981, %get3A_982] {strides = array<i32>} : memref<100x128xf32, #tpu.memory_space<vmem>>, vector<1x16xf32>,
        %get3A_984 = vector.shape_cast %get3A_983 : vector<1x16xf32> to vector<16xf32>
        %add3A_985 = arith.addf %scan3A_870, %get3A_984 : vector<16xf32>
        %mul3A_986 = arith.constant 2 : i32
        %mul3A_987 = arith.muli %scan3A_854, %mul3A_986 : i32
        %add3A_988 = arith.constant 1 : i32
        %add3A_989 = arith.addi %mul3A_987, %add3A_988 : i32
        %add3A_990 = arith.constant 0 : i32
        %add3A_991 = arith.addi %add3A_990, %add3A_989 : i32
        %get3A_992 = arith.index_cast %add3A_991 : i32 to index
        %get3A_993 = arith.constant 0 : index
        %get3A_994 = tpu.vector_load %arg10[%get3A_992, %get3A_993] {strides = array<i32>} : memref<100x128xf32, #tpu.memory_space<vmem>>, vector<1x16xf32>,
        %get3A_995 = vector.shape_cast %get3A_994 : vector<1x16xf32> to vector<16xf32>
        %add3A_996 = arith.addf %add3A_880, %get3A_995 : vector<16xf32>
        %add3A_997 = arith.constant 0 : i32
        %add3A_998 = arith.addi %add3A_997, %add3A_989 : i32
        %get3A_999 = arith.index_cast %add3A_998 : i32 to index
        %get3A_1000 = arith.constant 16 : index
        %get3A_1001 = tpu.vector_load %arg10[%get3A_999, %get3A_1000] {strides = array<i32>} : memref<100x128xf32, #tpu.memory_space<vmem>>, vector<1x16xf32>,
        %get3A_1002 = vector.shape_cast %get3A_1001 : vector<1x16xf32> to vector<16xf32>
        %add3A_1003 = arith.addf %add3A_887, %get3A_1002 : vector<16xf32>
        %add3A_1004 = arith.constant 0 : i32
        %add3A_1005 = arith.addi %add3A_1004, %add3A_989 : i32
        %get3A_1006 = arith.index_cast %add3A_1005 : i32 to index
        %get3A_1007 = arith.constant 32 : index
        %get3A_1008 = tpu.vector_load %arg10[%get3A_1006, %get3A_1007] {strides = array<i32>} : memref<100x128xf32, #tpu.memory_space<vmem>>, vector<1x16xf32>,
        %get3A_1009 = vector.shape_cast %get3A_1008 : vector<1x16xf32> to vector<16xf32>
        %add3A_1010 = arith.addf %add3A_894, %get3A_1009 : vector<16xf32>
        %add3A_1011 = arith.constant 0 : i32
        %add3A_1012 = arith.addi %add3A_1011, %add3A_989 : i32
        %get3A_1013 = arith.index_cast %add3A_1012 : i32 to index
        %get3A_1014 = arith.constant 48 : index
        %get3A_1015 = tpu.vector_load %arg10[%get3A_1013, %get3A_1014] {strides = array<i32>} : memref<100x128xf32, #tpu.memory_space<vmem>>, vector<1x16xf32>,
        %get3A_1016 = vector.shape_cast %get3A_1015 : vector<1x16xf32> to vector<16xf32>
        %add3A_1017 = arith.addf %add3A_901, %get3A_1016 : vector<16xf32>
        %add3A_1018 = arith.constant 0 : i32
        %add3A_1019 = arith.addi %add3A_1018, %add3A_989 : i32
        %get3A_1020 = arith.index_cast %add3A_1019 : i32 to index
        %get3A_1021 = arith.constant 64 : index
        %get3A_1022 = tpu.vector_load %arg10[%get3A_1020, %get3A_1021] {strides = array<i32>} : memref<100x128xf32, #tpu.memory_space<vmem>>, vector<1x16xf32>,
        %get3A_1023 = vector.shape_cast %get3A_1022 : vector<1x16xf32> to vector<16xf32>
        %add3A_1024 = arith.addf %add3A_908, %get3A_1023 : vector<16xf32>
        %add3A_1025 = arith.constant 0 : i32
        %add3A_1026 = arith.addi %add3A_1025, %add3A_989 : i32
        %get3A_1027 = arith.index_cast %add3A_1026 : i32 to index
        %get3A_1028 = arith.constant 80 : index
        %get3A_1029 = tpu.vector_load %arg10[%get3A_1027, %get3A_1028] {strides = array<i32>} : memref<100x128xf32, #tpu.memory_space<vmem>>, vector<1x16xf32>,
        %get3A_1030 = vector.shape_cast %get3A_1029 : vector<1x16xf32> to vector<16xf32>
        %add3A_1031 = arith.addf %add3A_915, %get3A_1030 : vector<16xf32>
        %add3A_1032 = arith.constant 0 : i32
        %add3A_1033 = arith.addi %add3A_1032, %add3A_989 : i32
        %get3A_1034 = arith.index_cast %add3A_1033 : i32 to index
        %get3A_1035 = arith.constant 96 : index
        %get3A_1036 = tpu.vector_load %arg10[%get3A_1034, %get3A_1035] {strides = array<i32>} : memref<100x128xf32, #tpu.memory_space<vmem>>, vector<1x16xf32>,
        %get3A_1037 = vector.shape_cast %get3A_1036 : vector<1x16xf32> to vector<16xf32>
        %add3A_1038 = arith.addf %add3A_922, %get3A_1037 : vector<16xf32>
        %add3A_1039 = arith.constant 0 : i32
        %add3A_1040 = arith.addi %add3A_1039, %add3A_989 : i32
        %get3A_1041 = arith.index_cast %add3A_1040 : i32 to index
        %get3A_1042 = arith.constant 112 : index
        %get3A_1043 = tpu.vector_load %arg10[%get3A_1041, %get3A_1042] {strides = array<i32>} : memref<100x128xf32, #tpu.memory_space<vmem>>, vector<1x16xf32>,
        %get3A_1044 = vector.shape_cast %get3A_1043 : vector<1x16xf32> to vector<16xf32>
        %add3A_1045 = arith.addf %add3A_929, %get3A_1044 : vector<16xf32>
        %add3A_1046 = arith.constant 50 : i32
        %add3A_1047 = arith.addi %add3A_1046, %add3A_989 : i32
        %get3A_1048 = arith.index_cast %add3A_1047 : i32 to index
        %get3A_1049 = arith.constant 0 : index
        %get3A_1050 = tpu.vector_load %arg10[%get3A_1048, %get3A_1049] {strides = array<i32>} : memref<100x128xf32, #tpu.memory_space<vmem>>, vector<1x16xf32>,
        %get3A_1051 = vector.shape_cast %get3A_1050 : vector<1x16xf32> to vector<16xf32>
        %add3A_1052 = arith.addf %add3A_936, %get3A_1051 : vector<16xf32>
        %add3A_1053 = arith.constant 50 : i32
        %add3A_1054 = arith.addi %add3A_1053, %add3A_989 : i32
        %get3A_1055 = arith.index_cast %add3A_1054 : i32 to index
        %get3A_1056 = arith.constant 16 : index
        %get3A_1057 = tpu.vector_load %arg10[%get3A_1055, %get3A_1056] {strides = array<i32>} : memref<100x128xf32, #tpu.memory_space<vmem>>, vector<1x16xf32>,
        %get3A_1058 = vector.shape_cast %get3A_1057 : vector<1x16xf32> to vector<16xf32>
        %add3A_1059 = arith.addf %add3A_943, %get3A_1058 : vector<16xf32>
        %add3A_1060 = arith.constant 50 : i32
        %add3A_1061 = arith.addi %add3A_1060, %add3A_989 : i32
        %get3A_1062 = arith.index_cast %add3A_1061 : i32 to index
        %get3A_1063 = arith.constant 32 : index
        %get3A_1064 = tpu.vector_load %arg10[%get3A_1062, %get3A_1063] {strides = array<i32>} : memref<100x128xf32, #tpu.memory_space<vmem>>, vector<1x16xf32>,
        %get3A_1065 = vector.shape_cast %get3A_1064 : vector<1x16xf32> to vector<16xf32>
        %add3A_1066 = arith.addf %add3A_950, %get3A_1065 : vector<16xf32>
        %add3A_1067 = arith.constant 50 : i32
        %add3A_1068 = arith.addi %add3A_1067, %add3A_989 : i32
        %get3A_1069 = arith.index_cast %add3A_1068 : i32 to index
        %get3A_1070 = arith.constant 48 : index
        %get3A_1071 = tpu.vector_load %arg10[%get3A_1069, %get3A_1070] {strides = array<i32>} : memref<100x128xf32, #tpu.memory_space<vmem>>, vector<1x16xf32>,
        %get3A_1072 = vector.shape_cast %get3A_1071 : vector<1x16xf32> to vector<16xf32>
        %add3A_1073 = arith.addf %add3A_957, %get3A_1072 : vector<16xf32>
        %add3A_1074 = arith.constant 50 : i32
        %add3A_1075 = arith.addi %add3A_1074, %add3A_989 : i32
        %get3A_1076 = arith.index_cast %add3A_1075 : i32 to index
        %get3A_1077 = arith.constant 64 : index
        %get3A_1078 = tpu.vector_load %arg10[%get3A_1076, %get3A_1077] {strides = array<i32>} : memref<100x128xf32, #tpu.memory_space<vmem>>, vector<1x16xf32>,
        %get3A_1079 = vector.shape_cast %get3A_1078 : vector<1x16xf32> to vector<16xf32>
        %add3A_1080 = arith.addf %add3A_964, %get3A_1079 : vector<16xf32>
        %add3A_1081 = arith.constant 50 : i32
        %add3A_1082 = arith.addi %add3A_1081, %add3A_989 : i32
        %get3A_1083 = arith.index_cast %add3A_1082 : i32 to index
        %get3A_1084 = arith.constant 80 : index
        %get3A_1085 = tpu.vector_load %arg10[%get3A_1083, %get3A_1084] {strides = array<i32>} : memref<100x128xf32, #tpu.memory_space<vmem>>, vector<1x16xf32>,
        %get3A_1086 = vector.shape_cast %get3A_1085 : vector<1x16xf32> to vector<16xf32>
        %add3A_1087 = arith.addf %add3A_971, %get3A_1086 : vector<16xf32>
        %add3A_1088 = arith.constant 50 : i32
        %add3A_1089 = arith.addi %add3A_1088, %add3A_989 : i32
        %get3A_1090 = arith.index_cast %add3A_1089 : i32 to index
        %get3A_1091 = arith.constant 96 : index
        %get3A_1092 = tpu.vector_load %arg10[%get3A_1090, %get3A_1091] {strides = array<i32>} : memref<100x128xf32, #tpu.memory_space<vmem>>, vector<1x16xf32>,
        %get3A_1093 = vector.shape_cast %get3A_1092 : vector<1x16xf32> to vector<16xf32>
        %add3A_1094 = arith.addf %add3A_978, %get3A_1093 : vector<16xf32>
        %add3A_1095 = arith.constant 50 : i32
        %add3A_1096 = arith.addi %add3A_1095, %add3A_989 : i32
        %get3A_1097 = arith.index_cast %add3A_1096 : i32 to index
        %get3A_1098 = arith.constant 112 : index
        %get3A_1099 = tpu.vector_load %arg10[%get3A_1097, %get3A_1098] {strides = array<i32>} : memref<100x128xf32, #tpu.memory_space<vmem>>, vector<1x16xf32>,
        %get3A_1100 = vector.shape_cast %get3A_1099 : vector<1x16xf32> to vector<16xf32>
        %add3A_1101 = arith.addf %add3A_985, %get3A_1100 : vector<16xf32>
        scf.yield %add3A_996, %add3A_1003, %add3A_1010, %add3A_1017, %add3A_1024, %add3A_1031, %add3A_1038, %add3A_1045, %add3A_1052, %add3A_1059, %add3A_1066, %add3A_1073, %add3A_1080, %add3A_1087, %add3A_1094, %add3A_1101 : vector<16xf32>, vector<16xf32>, vector<16xf32>, vector<16xf32>, vector<16xf32>, vector<16xf32>, vector<16xf32>, vector<16xf32>, vector<16xf32>, vector<16xf32>, vector<16xf32>, vector<16xf32>, vector<16xf32>, vector<16xf32>, vector<16xf32>, vector<16xf32>
      }
      %scan3A_324 = arith.constant 25 : i32
      %mul3A_325 = arith.constant 2 : i32
      %mul3A_326 = arith.muli %add3A_276, %mul3A_325 : i32
      %add3A_327 = arith.constant 0 : i32
      %add3A_328 = arith.addi %mul3A_326, %add3A_327 : i32
      %mul3A_329 = arith.constant 2.000000e-02 : f32
      %mul3A_330 = vector.broadcast %mul3A_329 : f32 to vector<16xf32>
      %mul3A_331 = arith.mulf %scan3A_323#0, %mul3A_330 : vector<16xf32>
      %swap3A_332 = arith.index_cast %add3A_328 : i32 to index
      %swap3A_333 = arith.constant 0 : index
      %swap3A_334 = tpu.vector_load %arg13[%swap3A_332, %swap3A_333] {strides = array<i32>} : memref<128x128xf32, #tpu.memory_space<vmem>>, vector<1x16xf32>,
      %swap3A_335 = vector.shape_cast %swap3A_334 : vector<1x16xf32> to vector<16xf32>
      %swap3A_336 = vector.shape_cast %mul3A_331 : vector<16xf32> to vector<1x16xf32>
      tpu.vector_store %arg13[%swap3A_332, %swap3A_333], %swap3A_336 {strides = array<i32>} : memref<128x128xf32, #tpu.memory_space<vmem>>, vector<1x16xf32>,
      %mul3A_337 = arith.constant 2.000000e-02 : f32
      %mul3A_338 = vector.broadcast %mul3A_337 : f32 to vector<16xf32>
      %mul3A_339 = arith.mulf %scan3A_323#1, %mul3A_338 : vector<16xf32>
      %swap3A_340 = arith.index_cast %add3A_328 : i32 to index
      %swap3A_341 = arith.constant 16 : index
      %swap3A_342 = tpu.vector_load %arg13[%swap3A_340, %swap3A_341] {strides = array<i32>} : memref<128x128xf32, #tpu.memory_space<vmem>>, vector<1x16xf32>,
      %swap3A_343 = vector.shape_cast %swap3A_342 : vector<1x16xf32> to vector<16xf32>
      %swap3A_344 = vector.shape_cast %mul3A_339 : vector<16xf32> to vector<1x16xf32>
      tpu.vector_store %arg13[%swap3A_340, %swap3A_341], %swap3A_344 {strides = array<i32>} : memref<128x128xf32, #tpu.memory_space<vmem>>, vector<1x16xf32>,
      %mul3A_345 = arith.constant 2.000000e-02 : f32
      %mul3A_346 = vector.broadcast %mul3A_345 : f32 to vector<16xf32>
      %mul3A_347 = arith.mulf %scan3A_323#2, %mul3A_346 : vector<16xf32>
      %swap3A_348 = arith.index_cast %add3A_328 : i32 to index
      %swap3A_349 = arith.constant 32 : index
      %swap3A_350 = tpu.vector_load %arg13[%swap3A_348, %swap3A_349] {strides = array<i32>} : memref<128x128xf32, #tpu.memory_space<vmem>>, vector<1x16xf32>,
      %swap3A_351 = vector.shape_cast %swap3A_350 : vector<1x16xf32> to vector<16xf32>
      %swap3A_352 = vector.shape_cast %mul3A_347 : vector<16xf32> to vector<1x16xf32>
      tpu.vector_store %arg13[%swap3A_348, %swap3A_349], %swap3A_352 {strides = array<i32>} : memref<128x128xf32, #tpu.memory_space<vmem>>, vector<1x16xf32>,
      %mul3A_353 = arith.constant 2.000000e-02 : f32
      %mul3A_354 = vector.broadcast %mul3A_353 : f32 to vector<16xf32>
      %mul3A_355 = arith.mulf %scan3A_323#3, %mul3A_354 : vector<16xf32>
      %swap3A_356 = arith.index_cast %add3A_328 : i32 to index
      %swap3A_357 = arith.constant 48 : index
      %swap3A_358 = tpu.vector_load %arg13[%swap3A_356, %swap3A_357] {strides = array<i32>} : memref<128x128xf32, #tpu.memory_space<vmem>>, vector<1x16xf32>,
      %swap3A_359 = vector.shape_cast %swap3A_358 : vector<1x16xf32> to vector<16xf32>
      %swap3A_360 = vector.shape_cast %mul3A_355 : vector<16xf32> to vector<1x16xf32>
      tpu.vector_store %arg13[%swap3A_356, %swap3A_357], %swap3A_360 {strides = array<i32>} : memref<128x128xf32, #tpu.memory_space<vmem>>, vector<1x16xf32>,
      %mul3A_361 = arith.constant 2.000000e-02 : f32
      %mul3A_362 = vector.broadcast %mul3A_361 : f32 to vector<16xf32>
      %mul3A_363 = arith.mulf %scan3A_323#4, %mul3A_362 : vector<16xf32>
      %swap3A_364 = arith.index_cast %add3A_328 : i32 to index
      %swap3A_365 = arith.constant 64 : index
      %swap3A_366 = tpu.vector_load %arg13[%swap3A_364, %swap3A_365] {strides = array<i32>} : memref<128x128xf32, #tpu.memory_space<vmem>>, vector<1x16xf32>,
      %swap3A_367 = vector.shape_cast %swap3A_366 : vector<1x16xf32> to vector<16xf32>
      %swap3A_368 = vector.shape_cast %mul3A_363 : vector<16xf32> to vector<1x16xf32>
      tpu.vector_store %arg13[%swap3A_364, %swap3A_365], %swap3A_368 {strides = array<i32>} : memref<128x128xf32, #tpu.memory_space<vmem>>, vector<1x16xf32>,
      %mul3A_369 = arith.constant 2.000000e-02 : f32
      %mul3A_370 = vector.broadcast %mul3A_369 : f32 to vector<16xf32>
      %mul3A_371 = arith.mulf %scan3A_323#5, %mul3A_370 : vector<16xf32>
      %swap3A_372 = arith.index_cast %add3A_328 : i32 to index
      %swap3A_373 = arith.constant 80 : index
      %swap3A_374 = tpu.vector_load %arg13[%swap3A_372, %swap3A_373] {strides = array<i32>} : memref<128x128xf32, #tpu.memory_space<vmem>>, vector<1x16xf32>,
      %swap3A_375 = vector.shape_cast %swap3A_374 : vector<1x16xf32> to vector<16xf32>
      %swap3A_376 = vector.shape_cast %mul3A_371 : vector<16xf32> to vector<1x16xf32>
      tpu.vector_store %arg13[%swap3A_372, %swap3A_373], %swap3A_376 {strides = array<i32>} : memref<128x128xf32, #tpu.memory_space<vmem>>, vector<1x16xf32>,
      %mul3A_377 = arith.constant 2.000000e-02 : f32
      %mul3A_378 = vector.broadcast %mul3A_377 : f32 to vector<16xf32>
      %mul3A_379 = arith.mulf %scan3A_323#6, %mul3A_378 : vector<16xf32>
      %swap3A_380 = arith.index_cast %add3A_328 : i32 to index
      %swap3A_381 = arith.constant 96 : index
      %swap3A_382 = tpu.vector_load %arg13[%swap3A_380, %swap3A_381] {strides = array<i32>} : memref<128x128xf32, #tpu.memory_space<vmem>>, vector<1x16xf32>,
      %swap3A_383 = vector.shape_cast %swap3A_382 : vector<1x16xf32> to vector<16xf32>
      %swap3A_384 = vector.shape_cast %mul3A_379 : vector<16xf32> to vector<1x16xf32>
      tpu.vector_store %arg13[%swap3A_380, %swap3A_381], %swap3A_384 {strides = array<i32>} : memref<128x128xf32, #tpu.memory_space<vmem>>, vector<1x16xf32>,
      %mul3A_385 = arith.constant 2.000000e-02 : f32
      %mul3A_386 = vector.broadcast %mul3A_385 : f32 to vector<16xf32>
      %mul3A_387 = arith.mulf %scan3A_323#7, %mul3A_386 : vector<16xf32>
      %swap3A_388 = arith.index_cast %add3A_328 : i32 to index
      %swap3A_389 = arith.constant 112 : index
      %swap3A_390 = tpu.vector_load %arg13[%swap3A_388, %swap3A_389] {strides = array<i32>} : memref<128x128xf32, #tpu.memory_space<vmem>>, vector<1x16xf32>,
      %swap3A_391 = vector.shape_cast %swap3A_390 : vector<1x16xf32> to vector<16xf32>
      %swap3A_392 = vector.shape_cast %mul3A_387 : vector<16xf32> to vector<1x16xf32>
      tpu.vector_store %arg13[%swap3A_388, %swap3A_389], %swap3A_392 {strides = array<i32>} : memref<128x128xf32, #tpu.memory_space<vmem>>, vector<1x16xf32>,
      %mul3A_393 = arith.constant 2 : i32
      %mul3A_394 = arith.muli %add3A_276, %mul3A_393 : i32
      %add3A_395 = arith.constant 1 : i32
      %add3A_396 = arith.addi %mul3A_394, %add3A_395 : i32
      %mul3A_397 = arith.constant 2.000000e-02 : f32
      %mul3A_398 = vector.broadcast %mul3A_397 : f32 to vector<16xf32>
      %mul3A_399 = arith.mulf %scan3A_323#8, %mul3A_398 : vector<16xf32>
      %swap3A_400 = arith.index_cast %add3A_396 : i32 to index
      %swap3A_401 = arith.constant 0 : index
      %swap3A_402 = tpu.vector_load %arg13[%swap3A_400, %swap3A_401] {strides = array<i32>} : memref<128x128xf32, #tpu.memory_space<vmem>>, vector<1x16xf32>,
      %swap3A_403 = vector.shape_cast %swap3A_402 : vector<1x16xf32> to vector<16xf32>
      %swap3A_404 = vector.shape_cast %mul3A_399 : vector<16xf32> to vector<1x16xf32>
      tpu.vector_store %arg13[%swap3A_400, %swap3A_401], %swap3A_404 {strides = array<i32>} : memref<128x128xf32, #tpu.memory_space<vmem>>, vector<1x16xf32>,
      %mul3A_405 = arith.constant 2.000000e-02 : f32
      %mul3A_406 = vector.broadcast %mul3A_405 : f32 to vector<16xf32>
      %mul3A_407 = arith.mulf %scan3A_323#9, %mul3A_406 : vector<16xf32>
      %swap3A_408 = arith.index_cast %add3A_396 : i32 to index
      %swap3A_409 = arith.constant 16 : index
      %swap3A_410 = tpu.vector_load %arg13[%swap3A_408, %swap3A_409] {strides = array<i32>} : memref<128x128xf32, #tpu.memory_space<vmem>>, vector<1x16xf32>,
      %swap3A_411 = vector.shape_cast %swap3A_410 : vector<1x16xf32> to vector<16xf32>
      %swap3A_412 = vector.shape_cast %mul3A_407 : vector<16xf32> to vector<1x16xf32>
      tpu.vector_store %arg13[%swap3A_408, %swap3A_409], %swap3A_412 {strides = array<i32>} : memref<128x128xf32, #tpu.memory_space<vmem>>, vector<1x16xf32>,
      %mul3A_413 = arith.constant 2.000000e-02 : f32
      %mul3A_414 = vector.broadcast %mul3A_413 : f32 to vector<16xf32>
      %mul3A_415 = arith.mulf %scan3A_323#10, %mul3A_414 : vector<16xf32>
      %swap3A_416 = arith.index_cast %add3A_396 : i32 to index
      %swap3A_417 = arith.constant 32 : index
      %swap3A_418 = tpu.vector_load %arg13[%swap3A_416, %swap3A_417] {strides = array<i32>} : memref<128x128xf32, #tpu.memory_space<vmem>>, vector<1x16xf32>,
      %swap3A_419 = vector.shape_cast %swap3A_418 : vector<1x16xf32> to vector<16xf32>
      %swap3A_420 = vector.shape_cast %mul3A_415 : vector<16xf32> to vector<1x16xf32>
      tpu.vector_store %arg13[%swap3A_416, %swap3A_417], %swap3A_420 {strides = array<i32>} : memref<128x128xf32, #tpu.memory_space<vmem>>, vector<1x16xf32>,
      %mul3A_421 = arith.constant 2.000000e-02 : f32
      %mul3A_422 = vector.broadcast %mul3A_421 : f32 to vector<16xf32>
      %mul3A_423 = arith.mulf %scan3A_323#11, %mul3A_422 : vector<16xf32>
      %swap3A_424 = arith.index_cast %add3A_396 : i32 to index
      %swap3A_425 = arith.constant 48 : index
      %swap3A_426 = tpu.vector_load %arg13[%swap3A_424, %swap3A_425] {strides = array<i32>} : memref<128x128xf32, #tpu.memory_space<vmem>>, vector<1x16xf32>,
      %swap3A_427 = vector.shape_cast %swap3A_426 : vector<1x16xf32> to vector<16xf32>
      %swap3A_428 = vector.shape_cast %mul3A_423 : vector<16xf32> to vector<1x16xf32>
      tpu.vector_store %arg13[%swap3A_424, %swap3A_425], %swap3A_428 {strides = array<i32>} : memref<128x128xf32, #tpu.memory_space<vmem>>, vector<1x16xf32>,
      %mul3A_429 = arith.constant 2.000000e-02 : f32
      %mul3A_430 = vector.broadcast %mul3A_429 : f32 to vector<16xf32>
      %mul3A_431 = arith.mulf %scan3A_323#12, %mul3A_430 : vector<16xf32>
      %swap3A_432 = arith.index_cast %add3A_396 : i32 to index
      %swap3A_433 = arith.constant 64 : index
      %swap3A_434 = tpu.vector_load %arg13[%swap3A_432, %swap3A_433] {strides = array<i32>} : memref<128x128xf32, #tpu.memory_space<vmem>>, vector<1x16xf32>,
      %swap3A_435 = vector.shape_cast %swap3A_434 : vector<1x16xf32> to vector<16xf32>
      %swap3A_436 = vector.shape_cast %mul3A_431 : vector<16xf32> to vector<1x16xf32>
      tpu.vector_store %arg13[%swap3A_432, %swap3A_433], %swap3A_436 {strides = array<i32>} : memref<128x128xf32, #tpu.memory_space<vmem>>, vector<1x16xf32>,
      %mul3A_437 = arith.constant 2.000000e-02 : f32
      %mul3A_438 = vector.broadcast %mul3A_437 : f32 to vector<16xf32>
      %mul3A_439 = arith.mulf %scan3A_323#13, %mul3A_438 : vector<16xf32>
      %swap3A_440 = arith.index_cast %add3A_396 : i32 to index
      %swap3A_441 = arith.constant 80 : index
      %swap3A_442 = tpu.vector_load %arg13[%swap3A_440, %swap3A_441] {strides = array<i32>} : memref<128x128xf32, #tpu.memory_space<vmem>>, vector<1x16xf32>,
      %swap3A_443 = vector.shape_cast %swap3A_442 : vector<1x16xf32> to vector<16xf32>
      %swap3A_444 = vector.shape_cast %mul3A_439 : vector<16xf32> to vector<1x16xf32>
      tpu.vector_store %arg13[%swap3A_440, %swap3A_441], %swap3A_444 {strides = array<i32>} : memref<128x128xf32, #tpu.memory_space<vmem>>, vector<1x16xf32>,
      %mul3A_445 = arith.constant 2.000000e-02 : f32
      %mul3A_446 = vector.broadcast %mul3A_445 : f32 to vector<16xf32>
      %mul3A_447 = arith.mulf %scan3A_323#14, %mul3A_446 : vector<16xf32>
      %swap3A_448 = arith.index_cast %add3A_396 : i32 to index
      %swap3A_449 = arith.constant 96 : index
      %swap3A_450 = tpu.vector_load %arg13[%swap3A_448, %swap3A_449] {strides = array<i32>} : memref<128x128xf32, #tpu.memory_space<vmem>>, vector<1x16xf32>,
      %swap3A_451 = vector.shape_cast %swap3A_450 : vector<1x16xf32> to vector<16xf32>
      %swap3A_452 = vector.shape_cast %mul3A_447 : vector<16xf32> to vector<1x16xf32>
      tpu.vector_store %arg13[%swap3A_448, %swap3A_449], %swap3A_452 {strides = array<i32>} : memref<128x128xf32, #tpu.memory_space<vmem>>, vector<1x16xf32>,
      %mul3A_453 = arith.constant 2.000000e-02 : f32
      %mul3A_454 = vector.broadcast %mul3A_453 : f32 to vector<16xf32>
      %mul3A_455 = arith.mulf %scan3A_323#15, %mul3A_454 : vector<16xf32>
      %swap3A_456 = arith.index_cast %add3A_396 : i32 to index
      %swap3A_457 = arith.constant 112 : index
      %swap3A_458 = tpu.vector_load %arg13[%swap3A_456, %swap3A_457] {strides = array<i32>} : memref<128x128xf32, #tpu.memory_space<vmem>>, vector<1x16xf32>,
      %swap3A_459 = vector.shape_cast %swap3A_458 : vector<1x16xf32> to vector<16xf32>
      %swap3A_460 = vector.shape_cast %mul3A_455 : vector<16xf32> to vector<1x16xf32>
      tpu.vector_store %arg13[%swap3A_456, %swap3A_457], %swap3A_460 {strides = array<i32>} : memref<128x128xf32, #tpu.memory_space<vmem>>, vector<1x16xf32>,
      %add3A_461 = arith.constant 4 : i32
      %add3A_462 = arith.addi %add3A_276, %add3A_461 : i32
      %lt3A_463 = arith.constant 64 : i32
      %lt3A_464 = arith.cmpi slt, %add3A_462, %lt3A_463 : i32
      %convert_element_type3A_465 = arith.extui %lt3A_464 : i1 to i32
      %cond3A_466 = arith.constant 0 : i32
      %cond3A_467 = arith.cmpi ne, %convert_element_type3A_465, %cond3A_466 : i32
      scf.if %cond3A_467 {
        %add3A_854 = arith.addi %mul3A_2, %add3A_276 : i32
        %add3A_855 = arith.constant 4 : i32
        %add3A_856 = arith.addi %add3A_854, %add3A_855 : i32
        %dma_wait3A_857 = arith.constant 0 : i32
        %dma_wait3A_858 = tpu.memref_slice %arg2[%add3A_856, %dma_wait3A_857] : memref<2048x100xi32, #tpu.memory_space<hbm>> -> memref<1x100xi32, #tpu.memory_space<hbm>>
        %dma_wait3A_859 = tpu.memref_squeeze %dma_wait3A_858 : memref<1x100xi32, #tpu.memory_space<hbm>> -> memref<100xi32, #tpu.memory_space<hbm>>
        %dma_wait3A_860 = arith.constant 0 : i32
        %dma_wait3A_861 = tpu.memref_slice %arg2[%add3A_856, %dma_wait3A_860] : memref<2048x100xi32, #tpu.memory_space<hbm>> -> memref<1x100xi32, #tpu.memory_space<hbm>>
        %dma_wait3A_862 = tpu.memref_squeeze %dma_wait3A_861 : memref<1x100xi32, #tpu.memory_space<hbm>> -> memref<100xi32, #tpu.memory_space<hbm>>
        tpu.wait_dma2 semaphore(%arg19 : memref<!tpu.dma_semaphore, #tpu.memory_space<semaphore_mem>>) src(%dma_wait3A_862 : memref<100xi32, #tpu.memory_space<hbm>>) dst(%arg6 : memref<100xi32, #tpu.memory_space<vmem>>)
        %dma_start3A_863 = arith.constant 0 : i32
        %dma_start3A_864 = arith.constant 0 : i32
        %dma_start3A_865 = tpu.memref_slice %arg3[%dma_start3A_863, %dma_start3A_864] : memref<100000x128xf32, #tpu.memory_space<hbm>> -> memref<100000x128xf32, #tpu.memory_space<hbm>>
        tpu.enqueue_indirect_dma source(%dma_start3A_865 : memref<100000x128xf32, #tpu.memory_space<hbm>>) target(%arg10 : memref<100x128xf32, #tpu.memory_space<vmem>>) offsets(%arg6 : memref<100xi32, #tpu.memory_space<vmem>>) semaphore(%arg15 : memref<!tpu.dma_semaphore, #tpu.memory_space<semaphore_mem>>)
      } else {
      }
      %add3A_468 = arith.constant 2 : i32
      %add3A_469 = arith.addi %mul3A_86, %add3A_468 : i32
      %dma_wait3A_470 = arith.constant 0 : i32
      %dma_wait3A_471 = arith.constant 0 : i32
      %dma_wait3A_472 = tpu.memref_slice %arg3[%dma_wait3A_470, %dma_wait3A_471] : memref<100000x128xf32, #tpu.memory_space<hbm>> -> memref<100000x128xf32, #tpu.memory_space<hbm>>
      tpu.wait_indirect_dma semaphore(%arg16 : memref<!tpu.dma_semaphore, #tpu.memory_space<semaphore_mem>>) src(%dma_wait3A_472 : memref<100000x128xf32, #tpu.memory_space<hbm>>) dst(%arg11 : memref<100x128xf32, #tpu.memory_space<vmem>>)
      %add3A_473 = arith.constant 4 : i32
      %add3A_474 = arith.addi %add3A_469, %add3A_473 : i32
      %lt3A_475 = arith.constant 64 : i32
      %lt3A_476 = arith.cmpi slt, %add3A_474, %lt3A_475 : i32
      %convert_element_type3A_477 = arith.extui %lt3A_476 : i1 to i32
      %cond3A_478 = arith.constant 0 : i32
      %cond3A_479 = arith.cmpi ne, %convert_element_type3A_477, %cond3A_478 : i32
      scf.if %cond3A_479 {
        %add3A_854 = arith.addi %mul3A_2, %add3A_469 : i32
        %add3A_855 = arith.constant 4 : i32
        %add3A_856 = arith.addi %add3A_854, %add3A_855 : i32
        %dma_start3A_857 = arith.constant 0 : i32
        %dma_start3A_858 = tpu.memref_slice %arg2[%add3A_856, %dma_start3A_857] : memref<2048x100xi32, #tpu.memory_space<hbm>> -> memref<1x100xi32, #tpu.memory_space<hbm>>
        %dma_start3A_859 = tpu.memref_squeeze %dma_start3A_858 : memref<1x100xi32, #tpu.memory_space<hbm>> -> memref<100xi32, #tpu.memory_space<hbm>>
        %dma_start3A_860 = arith.constant 0 : i32
        %dma_start3A_861 = tpu.memref_slice %arg2[%add3A_856, %dma_start3A_860] : memref<2048x100xi32, #tpu.memory_space<hbm>> -> memref<1x100xi32, #tpu.memory_space<hbm>>
        %dma_start3A_862 = tpu.memref_squeeze %dma_start3A_861 : memref<1x100xi32, #tpu.memory_space<hbm>> -> memref<100xi32, #tpu.memory_space<hbm>>
        tpu.enqueue_dma source(%dma_start3A_862 : memref<100xi32, #tpu.memory_space<hbm>>) target(%arg7 : memref<100xi32, #tpu.memory_space<vmem>>) target_semaphore(%arg20 : memref<!tpu.dma_semaphore, #tpu.memory_space<semaphore_mem>>)
      } else {
      }
      %broadcast_in_dim3A_480 = arith.constant 0.000000e+00 : f32
      %broadcast_in_dim3A_481 = vector.broadcast %broadcast_in_dim3A_480 : f32 to vector<16xf32>
      %broadcast_in_dim3A_482 = arith.constant 0.000000e+00 : f32
      %broadcast_in_dim3A_483 = vector.broadcast %broadcast_in_dim3A_482 : f32 to vector<16xf32>
      %broadcast_in_dim3A_484 = arith.constant 0.000000e+00 : f32
      %broadcast_in_dim3A_485 = vector.broadcast %broadcast_in_dim3A_484 : f32 to vector<16xf32>
      %broadcast_in_dim3A_486 = arith.constant 0.000000e+00 : f32
      %broadcast_in_dim3A_487 = vector.broadcast %broadcast_in_dim3A_486 : f32 to vector<16xf32>
      %broadcast_in_dim3A_488 = arith.constant 0.000000e+00 : f32
      %broadcast_in_dim3A_489 = vector.broadcast %broadcast_in_dim3A_488 : f32 to vector<16xf32>
      %broadcast_in_dim3A_490 = arith.constant 0.000000e+00 : f32
      %broadcast_in_dim3A_491 = vector.broadcast %broadcast_in_dim3A_490 : f32 to vector<16xf32>
      %broadcast_in_dim3A_492 = arith.constant 0.000000e+00 : f32
      %broadcast_in_dim3A_493 = vector.broadcast %broadcast_in_dim3A_492 : f32 to vector<16xf32>
      %broadcast_in_dim3A_494 = arith.constant 0.000000e+00 : f32
      %broadcast_in_dim3A_495 = vector.broadcast %broadcast_in_dim3A_494 : f32 to vector<16xf32>
      %broadcast_in_dim3A_496 = arith.constant 0.000000e+00 : f32
      %broadcast_in_dim3A_497 = vector.broadcast %broadcast_in_dim3A_496 : f32 to vector<16xf32>
      %broadcast_in_dim3A_498 = arith.constant 0.000000e+00 : f32
      %broadcast_in_dim3A_499 = vector.broadcast %broadcast_in_dim3A_498 : f32 to vector<16xf32>
      %broadcast_in_dim3A_500 = arith.constant 0.000000e+00 : f32
      %broadcast_in_dim3A_501 = vector.broadcast %broadcast_in_dim3A_500 : f32 to vector<16xf32>
      %broadcast_in_dim3A_502 = arith.constant 0.000000e+00 : f32
      %broadcast_in_dim3A_503 = vector.broadcast %broadcast_in_dim3A_502 : f32 to vector<16xf32>
      %broadcast_in_dim3A_504 = arith.constant 0.000000e+00 : f32
      %broadcast_in_dim3A_505 = vector.broadcast %broadcast_in_dim3A_504 : f32 to vector<16xf32>
      %broadcast_in_dim3A_506 = arith.constant 0.000000e+00 : f32
      %broadcast_in_dim3A_507 = vector.broadcast %broadcast_in_dim3A_506 : f32 to vector<16xf32>
      %broadcast_in_dim3A_508 = arith.constant 0.000000e+00 : f32
      %broadcast_in_dim3A_509 = vector.broadcast %broadcast_in_dim3A_508 : f32 to vector<16xf32>
      %broadcast_in_dim3A_510 = arith.constant 0.000000e+00 : f32
      %broadcast_in_dim3A_511 = vector.broadcast %broadcast_in_dim3A_510 : f32 to vector<16xf32>
      %scan3A_512 = arith.constant 0 : i32
      %scan3A_513 = arith.constant 25 : i32
      %scan3A_514 = arith.addi %scan3A_512, %scan3A_513 : i32
      %scan3A_515 = arith.constant 1 : i32
      %scan3A_516:16 = scf.for %scan3A_854 = %scan3A_512 to %scan3A_514 step %scan3A_515 iter_args(%scan3A_855 = %broadcast_in_dim3A_481, %scan3A_856 = %broadcast_in_dim3A_483, %scan3A_857 = %broadcast_in_dim3A_485, %scan3A_858 = %broadcast_in_dim3A_487, %scan3A_859 = %broadcast_in_dim3A_489, %scan3A_860 = %broadcast_in_dim3A_491, %scan3A_861 = %broadcast_in_dim3A_493, %scan3A_862 = %broadcast_in_dim3A_495, %scan3A_863 = %broadcast_in_dim3A_497, %scan3A_864 = %broadcast_in_dim3A_499, %scan3A_865 = %broadcast_in_dim3A_501, %scan3A_866 = %broadcast_in_dim3A_503, %scan3A_867 = %broadcast_in_dim3A_505, %scan3A_868 = %broadcast_in_dim3A_507, %scan3A_869 = %broadcast_in_dim3A_509, %scan3A_870 = %broadcast_in_dim3A_511) -> (vector<16xf32>, vector<16xf32>, vector<16xf32>, vector<16xf32>, vector<16xf32>, vector<16xf32>, vector<16xf32>, vector<16xf32>, vector<16xf32>, vector<16xf32>, vector<16xf32>, vector<16xf32>, vector<16xf32>, vector<16xf32>, vector<16xf32>, vector<16xf32>)  : i32 {
        %mul3A_871 = arith.constant 2 : i32
        %mul3A_872 = arith.muli %scan3A_854, %mul3A_871 : i32
        %add3A_873 = arith.constant 0 : i32
        %add3A_874 = arith.addi %mul3A_872, %add3A_873 : i32
        %add3A_875 = arith.constant 0 : i32
        %add3A_876 = arith.addi %add3A_875, %add3A_874 : i32
        %get3A = arith.index_cast %add3A_876 : i32 to index
        %get3A_877 = arith.constant 0 : index
        %get3A_878 = tpu.vector_load %arg11[%get3A, %get3A_877] {strides = array<i32>} : memref<100x128xf32, #tpu.memory_space<vmem>>, vector<1x16xf32>,
        %get3A_879 = vector.shape_cast %get3A_878 : vector<1x16xf32> to vector<16xf32>
        %add3A_880 = arith.addf %scan3A_855, %get3A_879 : vector<16xf32>
        %add3A_881 = arith.constant 0 : i32
        %add3A_882 = arith.addi %add3A_881, %add3A_874 : i32
        %get3A_883 = arith.index_cast %add3A_882 : i32 to index
        %get3A_884 = arith.constant 16 : index
        %get3A_885 = tpu.vector_load %arg11[%get3A_883, %get3A_884] {strides = array<i32>} : memref<100x128xf32, #tpu.memory_space<vmem>>, vector<1x16xf32>,
        %get3A_886 = vector.shape_cast %get3A_885 : vector<1x16xf32> to vector<16xf32>
        %add3A_887 = arith.addf %scan3A_856, %get3A_886 : vector<16xf32>
        %add3A_888 = arith.constant 0 : i32
        %add3A_889 = arith.addi %add3A_888, %add3A_874 : i32
        %get3A_890 = arith.index_cast %add3A_889 : i32 to index
        %get3A_891 = arith.constant 32 : index
        %get3A_892 = tpu.vector_load %arg11[%get3A_890, %get3A_891] {strides = array<i32>} : memref<100x128xf32, #tpu.memory_space<vmem>>, vector<1x16xf32>,
        %get3A_893 = vector.shape_cast %get3A_892 : vector<1x16xf32> to vector<16xf32>
        %add3A_894 = arith.addf %scan3A_857, %get3A_893 : vector<16xf32>
        %add3A_895 = arith.constant 0 : i32
        %add3A_896 = arith.addi %add3A_895, %add3A_874 : i32
        %get3A_897 = arith.index_cast %add3A_896 : i32 to index
        %get3A_898 = arith.constant 48 : index
        %get3A_899 = tpu.vector_load %arg11[%get3A_897, %get3A_898] {strides = array<i32>} : memref<100x128xf32, #tpu.memory_space<vmem>>, vector<1x16xf32>,
        %get3A_900 = vector.shape_cast %get3A_899 : vector<1x16xf32> to vector<16xf32>
        %add3A_901 = arith.addf %scan3A_858, %get3A_900 : vector<16xf32>
        %add3A_902 = arith.constant 0 : i32
        %add3A_903 = arith.addi %add3A_902, %add3A_874 : i32
        %get3A_904 = arith.index_cast %add3A_903 : i32 to index
        %get3A_905 = arith.constant 64 : index
        %get3A_906 = tpu.vector_load %arg11[%get3A_904, %get3A_905] {strides = array<i32>} : memref<100x128xf32, #tpu.memory_space<vmem>>, vector<1x16xf32>,
        %get3A_907 = vector.shape_cast %get3A_906 : vector<1x16xf32> to vector<16xf32>
        %add3A_908 = arith.addf %scan3A_859, %get3A_907 : vector<16xf32>
        %add3A_909 = arith.constant 0 : i32
        %add3A_910 = arith.addi %add3A_909, %add3A_874 : i32
        %get3A_911 = arith.index_cast %add3A_910 : i32 to index
        %get3A_912 = arith.constant 80 : index
        %get3A_913 = tpu.vector_load %arg11[%get3A_911, %get3A_912] {strides = array<i32>} : memref<100x128xf32, #tpu.memory_space<vmem>>, vector<1x16xf32>,
        %get3A_914 = vector.shape_cast %get3A_913 : vector<1x16xf32> to vector<16xf32>
        %add3A_915 = arith.addf %scan3A_860, %get3A_914 : vector<16xf32>
        %add3A_916 = arith.constant 0 : i32
        %add3A_917 = arith.addi %add3A_916, %add3A_874 : i32
        %get3A_918 = arith.index_cast %add3A_917 : i32 to index
        %get3A_919 = arith.constant 96 : index
        %get3A_920 = tpu.vector_load %arg11[%get3A_918, %get3A_919] {strides = array<i32>} : memref<100x128xf32, #tpu.memory_space<vmem>>, vector<1x16xf32>,
        %get3A_921 = vector.shape_cast %get3A_920 : vector<1x16xf32> to vector<16xf32>
        %add3A_922 = arith.addf %scan3A_861, %get3A_921 : vector<16xf32>
        %add3A_923 = arith.constant 0 : i32
        %add3A_924 = arith.addi %add3A_923, %add3A_874 : i32
        %get3A_925 = arith.index_cast %add3A_924 : i32 to index
        %get3A_926 = arith.constant 112 : index
        %get3A_927 = tpu.vector_load %arg11[%get3A_925, %get3A_926] {strides = array<i32>} : memref<100x128xf32, #tpu.memory_space<vmem>>, vector<1x16xf32>,
        %get3A_928 = vector.shape_cast %get3A_927 : vector<1x16xf32> to vector<16xf32>
        %add3A_929 = arith.addf %scan3A_862, %get3A_928 : vector<16xf32>
        %add3A_930 = arith.constant 50 : i32
        %add3A_931 = arith.addi %add3A_930, %add3A_874 : i32
        %get3A_932 = arith.index_cast %add3A_931 : i32 to index
        %get3A_933 = arith.constant 0 : index
        %get3A_934 = tpu.vector_load %arg11[%get3A_932, %get3A_933] {strides = array<i32>} : memref<100x128xf32, #tpu.memory_space<vmem>>, vector<1x16xf32>,
        %get3A_935 = vector.shape_cast %get3A_934 : vector<1x16xf32> to vector<16xf32>
        %add3A_936 = arith.addf %scan3A_863, %get3A_935 : vector<16xf32>
        %add3A_937 = arith.constant 50 : i32
        %add3A_938 = arith.addi %add3A_937, %add3A_874 : i32
        %get3A_939 = arith.index_cast %add3A_938 : i32 to index
        %get3A_940 = arith.constant 16 : index
        %get3A_941 = tpu.vector_load %arg11[%get3A_939, %get3A_940] {strides = array<i32>} : memref<100x128xf32, #tpu.memory_space<vmem>>, vector<1x16xf32>,
        %get3A_942 = vector.shape_cast %get3A_941 : vector<1x16xf32> to vector<16xf32>
        %add3A_943 = arith.addf %scan3A_864, %get3A_942 : vector<16xf32>
        %add3A_944 = arith.constant 50 : i32
        %add3A_945 = arith.addi %add3A_944, %add3A_874 : i32
        %get3A_946 = arith.index_cast %add3A_945 : i32 to index
        %get3A_947 = arith.constant 32 : index
        %get3A_948 = tpu.vector_load %arg11[%get3A_946, %get3A_947] {strides = array<i32>} : memref<100x128xf32, #tpu.memory_space<vmem>>, vector<1x16xf32>,
        %get3A_949 = vector.shape_cast %get3A_948 : vector<1x16xf32> to vector<16xf32>
        %add3A_950 = arith.addf %scan3A_865, %get3A_949 : vector<16xf32>
        %add3A_951 = arith.constant 50 : i32
        %add3A_952 = arith.addi %add3A_951, %add3A_874 : i32
        %get3A_953 = arith.index_cast %add3A_952 : i32 to index
        %get3A_954 = arith.constant 48 : index
        %get3A_955 = tpu.vector_load %arg11[%get3A_953, %get3A_954] {strides = array<i32>} : memref<100x128xf32, #tpu.memory_space<vmem>>, vector<1x16xf32>,
        %get3A_956 = vector.shape_cast %get3A_955 : vector<1x16xf32> to vector<16xf32>
        %add3A_957 = arith.addf %scan3A_866, %get3A_956 : vector<16xf32>
        %add3A_958 = arith.constant 50 : i32
        %add3A_959 = arith.addi %add3A_958, %add3A_874 : i32
        %get3A_960 = arith.index_cast %add3A_959 : i32 to index
        %get3A_961 = arith.constant 64 : index
        %get3A_962 = tpu.vector_load %arg11[%get3A_960, %get3A_961] {strides = array<i32>} : memref<100x128xf32, #tpu.memory_space<vmem>>, vector<1x16xf32>,
        %get3A_963 = vector.shape_cast %get3A_962 : vector<1x16xf32> to vector<16xf32>
        %add3A_964 = arith.addf %scan3A_867, %get3A_963 : vector<16xf32>
        %add3A_965 = arith.constant 50 : i32
        %add3A_966 = arith.addi %add3A_965, %add3A_874 : i32
        %get3A_967 = arith.index_cast %add3A_966 : i32 to index
        %get3A_968 = arith.constant 80 : index
        %get3A_969 = tpu.vector_load %arg11[%get3A_967, %get3A_968] {strides = array<i32>} : memref<100x128xf32, #tpu.memory_space<vmem>>, vector<1x16xf32>,
        %get3A_970 = vector.shape_cast %get3A_969 : vector<1x16xf32> to vector<16xf32>
        %add3A_971 = arith.addf %scan3A_868, %get3A_970 : vector<16xf32>
        %add3A_972 = arith.constant 50 : i32
        %add3A_973 = arith.addi %add3A_972, %add3A_874 : i32
        %get3A_974 = arith.index_cast %add3A_973 : i32 to index
        %get3A_975 = arith.constant 96 : index
        %get3A_976 = tpu.vector_load %arg11[%get3A_974, %get3A_975] {strides = array<i32>} : memref<100x128xf32, #tpu.memory_space<vmem>>, vector<1x16xf32>,
        %get3A_977 = vector.shape_cast %get3A_976 : vector<1x16xf32> to vector<16xf32>
        %add3A_978 = arith.addf %scan3A_869, %get3A_977 : vector<16xf32>
        %add3A_979 = arith.constant 50 : i32
        %add3A_980 = arith.addi %add3A_979, %add3A_874 : i32
        %get3A_981 = arith.index_cast %add3A_980 : i32 to index
        %get3A_982 = arith.constant 112 : index
        %get3A_983 = tpu.vector_load %arg11[%get3A_981, %get3A_982] {strides = array<i32>} : memref<100x128xf32, #tpu.memory_space<vmem>>, vector<1x16xf32>,
        %get3A_984 = vector.shape_cast %get3A_983 : vector<1x16xf32> to vector<16xf32>
        %add3A_985 = arith.addf %scan3A_870, %get3A_984 : vector<16xf32>
        %mul3A_986 = arith.constant 2 : i32
        %mul3A_987 = arith.muli %scan3A_854, %mul3A_986 : i32
        %add3A_988 = arith.constant 1 : i32
        %add3A_989 = arith.addi %mul3A_987, %add3A_988 : i32
        %add3A_990 = arith.constant 0 : i32
        %add3A_991 = arith.addi %add3A_990, %add3A_989 : i32
        %get3A_992 = arith.index_cast %add3A_991 : i32 to index
        %get3A_993 = arith.constant 0 : index
        %get3A_994 = tpu.vector_load %arg11[%get3A_992, %get3A_993] {strides = array<i32>} : memref<100x128xf32, #tpu.memory_space<vmem>>, vector<1x16xf32>,
        %get3A_995 = vector.shape_cast %get3A_994 : vector<1x16xf32> to vector<16xf32>
        %add3A_996 = arith.addf %add3A_880, %get3A_995 : vector<16xf32>
        %add3A_997 = arith.constant 0 : i32
        %add3A_998 = arith.addi %add3A_997, %add3A_989 : i32
        %get3A_999 = arith.index_cast %add3A_998 : i32 to index
        %get3A_1000 = arith.constant 16 : index
        %get3A_1001 = tpu.vector_load %arg11[%get3A_999, %get3A_1000] {strides = array<i32>} : memref<100x128xf32, #tpu.memory_space<vmem>>, vector<1x16xf32>,
        %get3A_1002 = vector.shape_cast %get3A_1001 : vector<1x16xf32> to vector<16xf32>
        %add3A_1003 = arith.addf %add3A_887, %get3A_1002 : vector<16xf32>
        %add3A_1004 = arith.constant 0 : i32
        %add3A_1005 = arith.addi %add3A_1004, %add3A_989 : i32
        %get3A_1006 = arith.index_cast %add3A_1005 : i32 to index
        %get3A_1007 = arith.constant 32 : index
        %get3A_1008 = tpu.vector_load %arg11[%get3A_1006, %get3A_1007] {strides = array<i32>} : memref<100x128xf32, #tpu.memory_space<vmem>>, vector<1x16xf32>,
        %get3A_1009 = vector.shape_cast %get3A_1008 : vector<1x16xf32> to vector<16xf32>
        %add3A_1010 = arith.addf %add3A_894, %get3A_1009 : vector<16xf32>
        %add3A_1011 = arith.constant 0 : i32
        %add3A_1012 = arith.addi %add3A_1011, %add3A_989 : i32
        %get3A_1013 = arith.index_cast %add3A_1012 : i32 to index
        %get3A_1014 = arith.constant 48 : index
        %get3A_1015 = tpu.vector_load %arg11[%get3A_1013, %get3A_1014] {strides = array<i32>} : memref<100x128xf32, #tpu.memory_space<vmem>>, vector<1x16xf32>,
        %get3A_1016 = vector.shape_cast %get3A_1015 : vector<1x16xf32> to vector<16xf32>
        %add3A_1017 = arith.addf %add3A_901, %get3A_1016 : vector<16xf32>
        %add3A_1018 = arith.constant 0 : i32
        %add3A_1019 = arith.addi %add3A_1018, %add3A_989 : i32
        %get3A_1020 = arith.index_cast %add3A_1019 : i32 to index
        %get3A_1021 = arith.constant 64 : index
        %get3A_1022 = tpu.vector_load %arg11[%get3A_1020, %get3A_1021] {strides = array<i32>} : memref<100x128xf32, #tpu.memory_space<vmem>>, vector<1x16xf32>,
        %get3A_1023 = vector.shape_cast %get3A_1022 : vector<1x16xf32> to vector<16xf32>
        %add3A_1024 = arith.addf %add3A_908, %get3A_1023 : vector<16xf32>
        %add3A_1025 = arith.constant 0 : i32
        %add3A_1026 = arith.addi %add3A_1025, %add3A_989 : i32
        %get3A_1027 = arith.index_cast %add3A_1026 : i32 to index
        %get3A_1028 = arith.constant 80 : index
        %get3A_1029 = tpu.vector_load %arg11[%get3A_1027, %get3A_1028] {strides = array<i32>} : memref<100x128xf32, #tpu.memory_space<vmem>>, vector<1x16xf32>,
        %get3A_1030 = vector.shape_cast %get3A_1029 : vector<1x16xf32> to vector<16xf32>
        %add3A_1031 = arith.addf %add3A_915, %get3A_1030 : vector<16xf32>
        %add3A_1032 = arith.constant 0 : i32
        %add3A_1033 = arith.addi %add3A_1032, %add3A_989 : i32
        %get3A_1034 = arith.index_cast %add3A_1033 : i32 to index
        %get3A_1035 = arith.constant 96 : index
        %get3A_1036 = tpu.vector_load %arg11[%get3A_1034, %get3A_1035] {strides = array<i32>} : memref<100x128xf32, #tpu.memory_space<vmem>>, vector<1x16xf32>,
        %get3A_1037 = vector.shape_cast %get3A_1036 : vector<1x16xf32> to vector<16xf32>
        %add3A_1038 = arith.addf %add3A_922, %get3A_1037 : vector<16xf32>
        %add3A_1039 = arith.constant 0 : i32
        %add3A_1040 = arith.addi %add3A_1039, %add3A_989 : i32
        %get3A_1041 = arith.index_cast %add3A_1040 : i32 to index
        %get3A_1042 = arith.constant 112 : index
        %get3A_1043 = tpu.vector_load %arg11[%get3A_1041, %get3A_1042] {strides = array<i32>} : memref<100x128xf32, #tpu.memory_space<vmem>>, vector<1x16xf32>,
        %get3A_1044 = vector.shape_cast %get3A_1043 : vector<1x16xf32> to vector<16xf32>
        %add3A_1045 = arith.addf %add3A_929, %get3A_1044 : vector<16xf32>
        %add3A_1046 = arith.constant 50 : i32
        %add3A_1047 = arith.addi %add3A_1046, %add3A_989 : i32
        %get3A_1048 = arith.index_cast %add3A_1047 : i32 to index
        %get3A_1049 = arith.constant 0 : index
        %get3A_1050 = tpu.vector_load %arg11[%get3A_1048, %get3A_1049] {strides = array<i32>} : memref<100x128xf32, #tpu.memory_space<vmem>>, vector<1x16xf32>,
        %get3A_1051 = vector.shape_cast %get3A_1050 : vector<1x16xf32> to vector<16xf32>
        %add3A_1052 = arith.addf %add3A_936, %get3A_1051 : vector<16xf32>
        %add3A_1053 = arith.constant 50 : i32
        %add3A_1054 = arith.addi %add3A_1053, %add3A_989 : i32
        %get3A_1055 = arith.index_cast %add3A_1054 : i32 to index
        %get3A_1056 = arith.constant 16 : index
        %get3A_1057 = tpu.vector_load %arg11[%get3A_1055, %get3A_1056] {strides = array<i32>} : memref<100x128xf32, #tpu.memory_space<vmem>>, vector<1x16xf32>,
        %get3A_1058 = vector.shape_cast %get3A_1057 : vector<1x16xf32> to vector<16xf32>
        %add3A_1059 = arith.addf %add3A_943, %get3A_1058 : vector<16xf32>
        %add3A_1060 = arith.constant 50 : i32
        %add3A_1061 = arith.addi %add3A_1060, %add3A_989 : i32
        %get3A_1062 = arith.index_cast %add3A_1061 : i32 to index
        %get3A_1063 = arith.constant 32 : index
        %get3A_1064 = tpu.vector_load %arg11[%get3A_1062, %get3A_1063] {strides = array<i32>} : memref<100x128xf32, #tpu.memory_space<vmem>>, vector<1x16xf32>,
        %get3A_1065 = vector.shape_cast %get3A_1064 : vector<1x16xf32> to vector<16xf32>
        %add3A_1066 = arith.addf %add3A_950, %get3A_1065 : vector<16xf32>
        %add3A_1067 = arith.constant 50 : i32
        %add3A_1068 = arith.addi %add3A_1067, %add3A_989 : i32
        %get3A_1069 = arith.index_cast %add3A_1068 : i32 to index
        %get3A_1070 = arith.constant 48 : index
        %get3A_1071 = tpu.vector_load %arg11[%get3A_1069, %get3A_1070] {strides = array<i32>} : memref<100x128xf32, #tpu.memory_space<vmem>>, vector<1x16xf32>,
        %get3A_1072 = vector.shape_cast %get3A_1071 : vector<1x16xf32> to vector<16xf32>
        %add3A_1073 = arith.addf %add3A_957, %get3A_1072 : vector<16xf32>
        %add3A_1074 = arith.constant 50 : i32
        %add3A_1075 = arith.addi %add3A_1074, %add3A_989 : i32
        %get3A_1076 = arith.index_cast %add3A_1075 : i32 to index
        %get3A_1077 = arith.constant 64 : index
        %get3A_1078 = tpu.vector_load %arg11[%get3A_1076, %get3A_1077] {strides = array<i32>} : memref<100x128xf32, #tpu.memory_space<vmem>>, vector<1x16xf32>,
        %get3A_1079 = vector.shape_cast %get3A_1078 : vector<1x16xf32> to vector<16xf32>
        %add3A_1080 = arith.addf %add3A_964, %get3A_1079 : vector<16xf32>
        %add3A_1081 = arith.constant 50 : i32
        %add3A_1082 = arith.addi %add3A_1081, %add3A_989 : i32
        %get3A_1083 = arith.index_cast %add3A_1082 : i32 to index
        %get3A_1084 = arith.constant 80 : index
        %get3A_1085 = tpu.vector_load %arg11[%get3A_1083, %get3A_1084] {strides = array<i32>} : memref<100x128xf32, #tpu.memory_space<vmem>>, vector<1x16xf32>,
        %get3A_1086 = vector.shape_cast %get3A_1085 : vector<1x16xf32> to vector<16xf32>
        %add3A_1087 = arith.addf %add3A_971, %get3A_1086 : vector<16xf32>
        %add3A_1088 = arith.constant 50 : i32
        %add3A_1089 = arith.addi %add3A_1088, %add3A_989 : i32
        %get3A_1090 = arith.index_cast %add3A_1089 : i32 to index
        %get3A_1091 = arith.constant 96 : index
        %get3A_1092 = tpu.vector_load %arg11[%get3A_1090, %get3A_1091] {strides = array<i32>} : memref<100x128xf32, #tpu.memory_space<vmem>>, vector<1x16xf32>,
        %get3A_1093 = vector.shape_cast %get3A_1092 : vector<1x16xf32> to vector<16xf32>
        %add3A_1094 = arith.addf %add3A_978, %get3A_1093 : vector<16xf32>
        %add3A_1095 = arith.constant 50 : i32
        %add3A_1096 = arith.addi %add3A_1095, %add3A_989 : i32
        %get3A_1097 = arith.index_cast %add3A_1096 : i32 to index
        %get3A_1098 = arith.constant 112 : index
        %get3A_1099 = tpu.vector_load %arg11[%get3A_1097, %get3A_1098] {strides = array<i32>} : memref<100x128xf32, #tpu.memory_space<vmem>>, vector<1x16xf32>,
        %get3A_1100 = vector.shape_cast %get3A_1099 : vector<1x16xf32> to vector<16xf32>
        %add3A_1101 = arith.addf %add3A_985, %get3A_1100 : vector<16xf32>
        scf.yield %add3A_996, %add3A_1003, %add3A_1010, %add3A_1017, %add3A_1024, %add3A_1031, %add3A_1038, %add3A_1045, %add3A_1052, %add3A_1059, %add3A_1066, %add3A_1073, %add3A_1080, %add3A_1087, %add3A_1094, %add3A_1101 : vector<16xf32>, vector<16xf32>, vector<16xf32>, vector<16xf32>, vector<16xf32>, vector<16xf32>, vector<16xf32>, vector<16xf32>, vector<16xf32>, vector<16xf32>, vector<16xf32>, vector<16xf32>, vector<16xf32>, vector<16xf32>, vector<16xf32>, vector<16xf32>
      }
      %scan3A_517 = arith.constant 25 : i32
      %mul3A_518 = arith.constant 2 : i32
      %mul3A_519 = arith.muli %add3A_469, %mul3A_518 : i32
      %add3A_520 = arith.constant 0 : i32
      %add3A_521 = arith.addi %mul3A_519, %add3A_520 : i32
      %mul3A_522 = arith.constant 2.000000e-02 : f32
      %mul3A_523 = vector.broadcast %mul3A_522 : f32 to vector<16xf32>
      %mul3A_524 = arith.mulf %scan3A_516#0, %mul3A_523 : vector<16xf32>
      %swap3A_525 = arith.index_cast %add3A_521 : i32 to index
      %swap3A_526 = arith.constant 0 : index
      %swap3A_527 = tpu.vector_load %arg13[%swap3A_525, %swap3A_526] {strides = array<i32>} : memref<128x128xf32, #tpu.memory_space<vmem>>, vector<1x16xf32>,
      %swap3A_528 = vector.shape_cast %swap3A_527 : vector<1x16xf32> to vector<16xf32>
      %swap3A_529 = vector.shape_cast %mul3A_524 : vector<16xf32> to vector<1x16xf32>
      tpu.vector_store %arg13[%swap3A_525, %swap3A_526], %swap3A_529 {strides = array<i32>} : memref<128x128xf32, #tpu.memory_space<vmem>>, vector<1x16xf32>,
      %mul3A_530 = arith.constant 2.000000e-02 : f32
      %mul3A_531 = vector.broadcast %mul3A_530 : f32 to vector<16xf32>
      %mul3A_532 = arith.mulf %scan3A_516#1, %mul3A_531 : vector<16xf32>
      %swap3A_533 = arith.index_cast %add3A_521 : i32 to index
      %swap3A_534 = arith.constant 16 : index
      %swap3A_535 = tpu.vector_load %arg13[%swap3A_533, %swap3A_534] {strides = array<i32>} : memref<128x128xf32, #tpu.memory_space<vmem>>, vector<1x16xf32>,
      %swap3A_536 = vector.shape_cast %swap3A_535 : vector<1x16xf32> to vector<16xf32>
      %swap3A_537 = vector.shape_cast %mul3A_532 : vector<16xf32> to vector<1x16xf32>
      tpu.vector_store %arg13[%swap3A_533, %swap3A_534], %swap3A_537 {strides = array<i32>} : memref<128x128xf32, #tpu.memory_space<vmem>>, vector<1x16xf32>,
      %mul3A_538 = arith.constant 2.000000e-02 : f32
      %mul3A_539 = vector.broadcast %mul3A_538 : f32 to vector<16xf32>
      %mul3A_540 = arith.mulf %scan3A_516#2, %mul3A_539 : vector<16xf32>
      %swap3A_541 = arith.index_cast %add3A_521 : i32 to index
      %swap3A_542 = arith.constant 32 : index
      %swap3A_543 = tpu.vector_load %arg13[%swap3A_541, %swap3A_542] {strides = array<i32>} : memref<128x128xf32, #tpu.memory_space<vmem>>, vector<1x16xf32>,
      %swap3A_544 = vector.shape_cast %swap3A_543 : vector<1x16xf32> to vector<16xf32>
      %swap3A_545 = vector.shape_cast %mul3A_540 : vector<16xf32> to vector<1x16xf32>
      tpu.vector_store %arg13[%swap3A_541, %swap3A_542], %swap3A_545 {strides = array<i32>} : memref<128x128xf32, #tpu.memory_space<vmem>>, vector<1x16xf32>,
      %mul3A_546 = arith.constant 2.000000e-02 : f32
      %mul3A_547 = vector.broadcast %mul3A_546 : f32 to vector<16xf32>
      %mul3A_548 = arith.mulf %scan3A_516#3, %mul3A_547 : vector<16xf32>
      %swap3A_549 = arith.index_cast %add3A_521 : i32 to index
      %swap3A_550 = arith.constant 48 : index
      %swap3A_551 = tpu.vector_load %arg13[%swap3A_549, %swap3A_550] {strides = array<i32>} : memref<128x128xf32, #tpu.memory_space<vmem>>, vector<1x16xf32>,
      %swap3A_552 = vector.shape_cast %swap3A_551 : vector<1x16xf32> to vector<16xf32>
      %swap3A_553 = vector.shape_cast %mul3A_548 : vector<16xf32> to vector<1x16xf32>
      tpu.vector_store %arg13[%swap3A_549, %swap3A_550], %swap3A_553 {strides = array<i32>} : memref<128x128xf32, #tpu.memory_space<vmem>>, vector<1x16xf32>,
      %mul3A_554 = arith.constant 2.000000e-02 : f32
      %mul3A_555 = vector.broadcast %mul3A_554 : f32 to vector<16xf32>
      %mul3A_556 = arith.mulf %scan3A_516#4, %mul3A_555 : vector<16xf32>
      %swap3A_557 = arith.index_cast %add3A_521 : i32 to index
      %swap3A_558 = arith.constant 64 : index
      %swap3A_559 = tpu.vector_load %arg13[%swap3A_557, %swap3A_558] {strides = array<i32>} : memref<128x128xf32, #tpu.memory_space<vmem>>, vector<1x16xf32>,
      %swap3A_560 = vector.shape_cast %swap3A_559 : vector<1x16xf32> to vector<16xf32>
      %swap3A_561 = vector.shape_cast %mul3A_556 : vector<16xf32> to vector<1x16xf32>
      tpu.vector_store %arg13[%swap3A_557, %swap3A_558], %swap3A_561 {strides = array<i32>} : memref<128x128xf32, #tpu.memory_space<vmem>>, vector<1x16xf32>,
      %mul3A_562 = arith.constant 2.000000e-02 : f32
      %mul3A_563 = vector.broadcast %mul3A_562 : f32 to vector<16xf32>
      %mul3A_564 = arith.mulf %scan3A_516#5, %mul3A_563 : vector<16xf32>
      %swap3A_565 = arith.index_cast %add3A_521 : i32 to index
      %swap3A_566 = arith.constant 80 : index
      %swap3A_567 = tpu.vector_load %arg13[%swap3A_565, %swap3A_566] {strides = array<i32>} : memref<128x128xf32, #tpu.memory_space<vmem>>, vector<1x16xf32>,
      %swap3A_568 = vector.shape_cast %swap3A_567 : vector<1x16xf32> to vector<16xf32>
      %swap3A_569 = vector.shape_cast %mul3A_564 : vector<16xf32> to vector<1x16xf32>
      tpu.vector_store %arg13[%swap3A_565, %swap3A_566], %swap3A_569 {strides = array<i32>} : memref<128x128xf32, #tpu.memory_space<vmem>>, vector<1x16xf32>,
      %mul3A_570 = arith.constant 2.000000e-02 : f32
      %mul3A_571 = vector.broadcast %mul3A_570 : f32 to vector<16xf32>
      %mul3A_572 = arith.mulf %scan3A_516#6, %mul3A_571 : vector<16xf32>
      %swap3A_573 = arith.index_cast %add3A_521 : i32 to index
      %swap3A_574 = arith.constant 96 : index
      %swap3A_575 = tpu.vector_load %arg13[%swap3A_573, %swap3A_574] {strides = array<i32>} : memref<128x128xf32, #tpu.memory_space<vmem>>, vector<1x16xf32>,
      %swap3A_576 = vector.shape_cast %swap3A_575 : vector<1x16xf32> to vector<16xf32>
      %swap3A_577 = vector.shape_cast %mul3A_572 : vector<16xf32> to vector<1x16xf32>
      tpu.vector_store %arg13[%swap3A_573, %swap3A_574], %swap3A_577 {strides = array<i32>} : memref<128x128xf32, #tpu.memory_space<vmem>>, vector<1x16xf32>,
      %mul3A_578 = arith.constant 2.000000e-02 : f32
      %mul3A_579 = vector.broadcast %mul3A_578 : f32 to vector<16xf32>
      %mul3A_580 = arith.mulf %scan3A_516#7, %mul3A_579 : vector<16xf32>
      %swap3A_581 = arith.index_cast %add3A_521 : i32 to index
      %swap3A_582 = arith.constant 112 : index
      %swap3A_583 = tpu.vector_load %arg13[%swap3A_581, %swap3A_582] {strides = array<i32>} : memref<128x128xf32, #tpu.memory_space<vmem>>, vector<1x16xf32>,
      %swap3A_584 = vector.shape_cast %swap3A_583 : vector<1x16xf32> to vector<16xf32>
      %swap3A_585 = vector.shape_cast %mul3A_580 : vector<16xf32> to vector<1x16xf32>
      tpu.vector_store %arg13[%swap3A_581, %swap3A_582], %swap3A_585 {strides = array<i32>} : memref<128x128xf32, #tpu.memory_space<vmem>>, vector<1x16xf32>,
      %mul3A_586 = arith.constant 2 : i32
      %mul3A_587 = arith.muli %add3A_469, %mul3A_586 : i32
      %add3A_588 = arith.constant 1 : i32
      %add3A_589 = arith.addi %mul3A_587, %add3A_588 : i32
      %mul3A_590 = arith.constant 2.000000e-02 : f32
      %mul3A_591 = vector.broadcast %mul3A_590 : f32 to vector<16xf32>
      %mul3A_592 = arith.mulf %scan3A_516#8, %mul3A_591 : vector<16xf32>
      %swap3A_593 = arith.index_cast %add3A_589 : i32 to index
      %swap3A_594 = arith.constant 0 : index
      %swap3A_595 = tpu.vector_load %arg13[%swap3A_593, %swap3A_594] {strides = array<i32>} : memref<128x128xf32, #tpu.memory_space<vmem>>, vector<1x16xf32>,
      %swap3A_596 = vector.shape_cast %swap3A_595 : vector<1x16xf32> to vector<16xf32>
      %swap3A_597 = vector.shape_cast %mul3A_592 : vector<16xf32> to vector<1x16xf32>
      tpu.vector_store %arg13[%swap3A_593, %swap3A_594], %swap3A_597 {strides = array<i32>} : memref<128x128xf32, #tpu.memory_space<vmem>>, vector<1x16xf32>,
      %mul3A_598 = arith.constant 2.000000e-02 : f32
      %mul3A_599 = vector.broadcast %mul3A_598 : f32 to vector<16xf32>
      %mul3A_600 = arith.mulf %scan3A_516#9, %mul3A_599 : vector<16xf32>
      %swap3A_601 = arith.index_cast %add3A_589 : i32 to index
      %swap3A_602 = arith.constant 16 : index
      %swap3A_603 = tpu.vector_load %arg13[%swap3A_601, %swap3A_602] {strides = array<i32>} : memref<128x128xf32, #tpu.memory_space<vmem>>, vector<1x16xf32>,
      %swap3A_604 = vector.shape_cast %swap3A_603 : vector<1x16xf32> to vector<16xf32>
      %swap3A_605 = vector.shape_cast %mul3A_600 : vector<16xf32> to vector<1x16xf32>
      tpu.vector_store %arg13[%swap3A_601, %swap3A_602], %swap3A_605 {strides = array<i32>} : memref<128x128xf32, #tpu.memory_space<vmem>>, vector<1x16xf32>,
      %mul3A_606 = arith.constant 2.000000e-02 : f32
      %mul3A_607 = vector.broadcast %mul3A_606 : f32 to vector<16xf32>
      %mul3A_608 = arith.mulf %scan3A_516#10, %mul3A_607 : vector<16xf32>
      %swap3A_609 = arith.index_cast %add3A_589 : i32 to index
      %swap3A_610 = arith.constant 32 : index
      %swap3A_611 = tpu.vector_load %arg13[%swap3A_609, %swap3A_610] {strides = array<i32>} : memref<128x128xf32, #tpu.memory_space<vmem>>, vector<1x16xf32>,
      %swap3A_612 = vector.shape_cast %swap3A_611 : vector<1x16xf32> to vector<16xf32>
      %swap3A_613 = vector.shape_cast %mul3A_608 : vector<16xf32> to vector<1x16xf32>
      tpu.vector_store %arg13[%swap3A_609, %swap3A_610], %swap3A_613 {strides = array<i32>} : memref<128x128xf32, #tpu.memory_space<vmem>>, vector<1x16xf32>,
      %mul3A_614 = arith.constant 2.000000e-02 : f32
      %mul3A_615 = vector.broadcast %mul3A_614 : f32 to vector<16xf32>
      %mul3A_616 = arith.mulf %scan3A_516#11, %mul3A_615 : vector<16xf32>
      %swap3A_617 = arith.index_cast %add3A_589 : i32 to index
      %swap3A_618 = arith.constant 48 : index
      %swap3A_619 = tpu.vector_load %arg13[%swap3A_617, %swap3A_618] {strides = array<i32>} : memref<128x128xf32, #tpu.memory_space<vmem>>, vector<1x16xf32>,
      %swap3A_620 = vector.shape_cast %swap3A_619 : vector<1x16xf32> to vector<16xf32>
      %swap3A_621 = vector.shape_cast %mul3A_616 : vector<16xf32> to vector<1x16xf32>
      tpu.vector_store %arg13[%swap3A_617, %swap3A_618], %swap3A_621 {strides = array<i32>} : memref<128x128xf32, #tpu.memory_space<vmem>>, vector<1x16xf32>,
      %mul3A_622 = arith.constant 2.000000e-02 : f32
      %mul3A_623 = vector.broadcast %mul3A_622 : f32 to vector<16xf32>
      %mul3A_624 = arith.mulf %scan3A_516#12, %mul3A_623 : vector<16xf32>
      %swap3A_625 = arith.index_cast %add3A_589 : i32 to index
      %swap3A_626 = arith.constant 64 : index
      %swap3A_627 = tpu.vector_load %arg13[%swap3A_625, %swap3A_626] {strides = array<i32>} : memref<128x128xf32, #tpu.memory_space<vmem>>, vector<1x16xf32>,
      %swap3A_628 = vector.shape_cast %swap3A_627 : vector<1x16xf32> to vector<16xf32>
      %swap3A_629 = vector.shape_cast %mul3A_624 : vector<16xf32> to vector<1x16xf32>
      tpu.vector_store %arg13[%swap3A_625, %swap3A_626], %swap3A_629 {strides = array<i32>} : memref<128x128xf32, #tpu.memory_space<vmem>>, vector<1x16xf32>,
      %mul3A_630 = arith.constant 2.000000e-02 : f32
      %mul3A_631 = vector.broadcast %mul3A_630 : f32 to vector<16xf32>
      %mul3A_632 = arith.mulf %scan3A_516#13, %mul3A_631 : vector<16xf32>
      %swap3A_633 = arith.index_cast %add3A_589 : i32 to index
      %swap3A_634 = arith.constant 80 : index
      %swap3A_635 = tpu.vector_load %arg13[%swap3A_633, %swap3A_634] {strides = array<i32>} : memref<128x128xf32, #tpu.memory_space<vmem>>, vector<1x16xf32>,
      %swap3A_636 = vector.shape_cast %swap3A_635 : vector<1x16xf32> to vector<16xf32>
      %swap3A_637 = vector.shape_cast %mul3A_632 : vector<16xf32> to vector<1x16xf32>
      tpu.vector_store %arg13[%swap3A_633, %swap3A_634], %swap3A_637 {strides = array<i32>} : memref<128x128xf32, #tpu.memory_space<vmem>>, vector<1x16xf32>,
      %mul3A_638 = arith.constant 2.000000e-02 : f32
      %mul3A_639 = vector.broadcast %mul3A_638 : f32 to vector<16xf32>
      %mul3A_640 = arith.mulf %scan3A_516#14, %mul3A_639 : vector<16xf32>
      %swap3A_641 = arith.index_cast %add3A_589 : i32 to index
      %swap3A_642 = arith.constant 96 : index
      %swap3A_643 = tpu.vector_load %arg13[%swap3A_641, %swap3A_642] {strides = array<i32>} : memref<128x128xf32, #tpu.memory_space<vmem>>, vector<1x16xf32>,
      %swap3A_644 = vector.shape_cast %swap3A_643 : vector<1x16xf32> to vector<16xf32>
      %swap3A_645 = vector.shape_cast %mul3A_640 : vector<16xf32> to vector<1x16xf32>
      tpu.vector_store %arg13[%swap3A_641, %swap3A_642], %swap3A_645 {strides = array<i32>} : memref<128x128xf32, #tpu.memory_space<vmem>>, vector<1x16xf32>,
      %mul3A_646 = arith.constant 2.000000e-02 : f32
      %mul3A_647 = vector.broadcast %mul3A_646 : f32 to vector<16xf32>
      %mul3A_648 = arith.mulf %scan3A_516#15, %mul3A_647 : vector<16xf32>
      %swap3A_649 = arith.index_cast %add3A_589 : i32 to index
      %swap3A_650 = arith.constant 112 : index
      %swap3A_651 = tpu.vector_load %arg13[%swap3A_649, %swap3A_650] {strides = array<i32>} : memref<128x128xf32, #tpu.memory_space<vmem>>, vector<1x16xf32>,
      %swap3A_652 = vector.shape_cast %swap3A_651 : vector<1x16xf32> to vector<16xf32>
      %swap3A_653 = vector.shape_cast %mul3A_648 : vector<16xf32> to vector<1x16xf32>
      tpu.vector_store %arg13[%swap3A_649, %swap3A_650], %swap3A_653 {strides = array<i32>} : memref<128x128xf32, #tpu.memory_space<vmem>>, vector<1x16xf32>,
      %add3A_654 = arith.constant 4 : i32
      %add3A_655 = arith.addi %add3A_469, %add3A_654 : i32
      %lt3A_656 = arith.constant 64 : i32
      %lt3A_657 = arith.cmpi slt, %add3A_655, %lt3A_656 : i32
      %convert_element_type3A_658 = arith.extui %lt3A_657 : i1 to i32
      %cond3A_659 = arith.constant 0 : i32
      %cond3A_660 = arith.cmpi ne, %convert_element_type3A_658, %cond3A_659 : i32
      scf.if %cond3A_660 {
        %add3A_854 = arith.addi %mul3A_2, %add3A_469 : i32
        %add3A_855 = arith.constant 4 : i32
        %add3A_856 = arith.addi %add3A_854, %add3A_855 : i32
        %dma_wait3A_857 = arith.constant 0 : i32
        %dma_wait3A_858 = tpu.memref_slice %arg2[%add3A_856, %dma_wait3A_857] : memref<2048x100xi32, #tpu.memory_space<hbm>> -> memref<1x100xi32, #tpu.memory_space<hbm>>
        %dma_wait3A_859 = tpu.memref_squeeze %dma_wait3A_858 : memref<1x100xi32, #tpu.memory_space<hbm>> -> memref<100xi32, #tpu.memory_space<hbm>>
        %dma_wait3A_860 = arith.constant 0 : i32
        %dma_wait3A_861 = tpu.memref_slice %arg2[%add3A_856, %dma_wait3A_860] : memref<2048x100xi32, #tpu.memory_space<hbm>> -> memref<1x100xi32, #tpu.memory_space<hbm>>
        %dma_wait3A_862 = tpu.memref_squeeze %dma_wait3A_861 : memref<1x100xi32, #tpu.memory_space<hbm>> -> memref<100xi32, #tpu.memory_space<hbm>>
        tpu.wait_dma2 semaphore(%arg20 : memref<!tpu.dma_semaphore, #tpu.memory_space<semaphore_mem>>) src(%dma_wait3A_862 : memref<100xi32, #tpu.memory_space<hbm>>) dst(%arg7 : memref<100xi32, #tpu.memory_space<vmem>>)
        %dma_start3A_863 = arith.constant 0 : i32
        %dma_start3A_864 = arith.constant 0 : i32
        %dma_start3A_865 = tpu.memref_slice %arg3[%dma_start3A_863, %dma_start3A_864] : memref<100000x128xf32, #tpu.memory_space<hbm>> -> memref<100000x128xf32, #tpu.memory_space<hbm>>
        tpu.enqueue_indirect_dma source(%dma_start3A_865 : memref<100000x128xf32, #tpu.memory_space<hbm>>) target(%arg11 : memref<100x128xf32, #tpu.memory_space<vmem>>) offsets(%arg7 : memref<100xi32, #tpu.memory_space<vmem>>) semaphore(%arg16 : memref<!tpu.dma_semaphore, #tpu.memory_space<semaphore_mem>>)
      } else {
      }
      %add3A_661 = arith.constant 3 : i32
      %add3A_662 = arith.addi %mul3A_86, %add3A_661 : i32
      %dma_wait3A_663 = arith.constant 0 : i32
      %dma_wait3A_664 = arith.constant 0 : i32
      %dma_wait3A_665 = tpu.memref_slice %arg3[%dma_wait3A_663, %dma_wait3A_664] : memref<100000x128xf32, #tpu.memory_space<hbm>> -> memref<100000x128xf32, #tpu.memory_space<hbm>>
      tpu.wait_indirect_dma semaphore(%arg17 : memref<!tpu.dma_semaphore, #tpu.memory_space<semaphore_mem>>) src(%dma_wait3A_665 : memref<100000x128xf32, #tpu.memory_space<hbm>>) dst(%arg12 : memref<100x128xf32, #tpu.memory_space<vmem>>)
      %add3A_666 = arith.constant 4 : i32
      %add3A_667 = arith.addi %add3A_662, %add3A_666 : i32
      %lt3A_668 = arith.constant 64 : i32
      %lt3A_669 = arith.cmpi slt, %add3A_667, %lt3A_668 : i32
      %convert_element_type3A_670 = arith.extui %lt3A_669 : i1 to i32
      %cond3A_671 = arith.constant 0 : i32
      %cond3A_672 = arith.cmpi ne, %convert_element_type3A_670, %cond3A_671 : i32
      scf.if %cond3A_672 {
        %add3A_854 = arith.addi %mul3A_2, %add3A_662 : i32
        %add3A_855 = arith.constant 4 : i32
        %add3A_856 = arith.addi %add3A_854, %add3A_855 : i32
        %dma_start3A_857 = arith.constant 0 : i32
        %dma_start3A_858 = tpu.memref_slice %arg2[%add3A_856, %dma_start3A_857] : memref<2048x100xi32, #tpu.memory_space<hbm>> -> memref<1x100xi32, #tpu.memory_space<hbm>>
        %dma_start3A_859 = tpu.memref_squeeze %dma_start3A_858 : memref<1x100xi32, #tpu.memory_space<hbm>> -> memref<100xi32, #tpu.memory_space<hbm>>
        %dma_start3A_860 = arith.constant 0 : i32
        %dma_start3A_861 = tpu.memref_slice %arg2[%add3A_856, %dma_start3A_860] : memref<2048x100xi32, #tpu.memory_space<hbm>> -> memref<1x100xi32, #tpu.memory_space<hbm>>
        %dma_start3A_862 = tpu.memref_squeeze %dma_start3A_861 : memref<1x100xi32, #tpu.memory_space<hbm>> -> memref<100xi32, #tpu.memory_space<hbm>>
        tpu.enqueue_dma source(%dma_start3A_862 : memref<100xi32, #tpu.memory_space<hbm>>) target(%arg8 : memref<100xi32, #tpu.memory_space<vmem>>) target_semaphore(%arg21 : memref<!tpu.dma_semaphore, #tpu.memory_space<semaphore_mem>>)
      } else {
      }
      %broadcast_in_dim3A_673 = arith.constant 0.000000e+00 : f32
      %broadcast_in_dim3A_674 = vector.broadcast %broadcast_in_dim3A_673 : f32 to vector<16xf32>
      %broadcast_in_dim3A_675 = arith.constant 0.000000e+00 : f32
      %broadcast_in_dim3A_676 = vector.broadcast %broadcast_in_dim3A_675 : f32 to vector<16xf32>
      %broadcast_in_dim3A_677 = arith.constant 0.000000e+00 : f32
      %broadcast_in_dim3A_678 = vector.broadcast %broadcast_in_dim3A_677 : f32 to vector<16xf32>
      %broadcast_in_dim3A_679 = arith.constant 0.000000e+00 : f32
      %broadcast_in_dim3A_680 = vector.broadcast %broadcast_in_dim3A_679 : f32 to vector<16xf32>
      %broadcast_in_dim3A_681 = arith.constant 0.000000e+00 : f32
      %broadcast_in_dim3A_682 = vector.broadcast %broadcast_in_dim3A_681 : f32 to vector<16xf32>
      %broadcast_in_dim3A_683 = arith.constant 0.000000e+00 : f32
      %broadcast_in_dim3A_684 = vector.broadcast %broadcast_in_dim3A_683 : f32 to vector<16xf32>
      %broadcast_in_dim3A_685 = arith.constant 0.000000e+00 : f32
      %broadcast_in_dim3A_686 = vector.broadcast %broadcast_in_dim3A_685 : f32 to vector<16xf32>
      %broadcast_in_dim3A_687 = arith.constant 0.000000e+00 : f32
      %broadcast_in_dim3A_688 = vector.broadcast %broadcast_in_dim3A_687 : f32 to vector<16xf32>
      %broadcast_in_dim3A_689 = arith.constant 0.000000e+00 : f32
      %broadcast_in_dim3A_690 = vector.broadcast %broadcast_in_dim3A_689 : f32 to vector<16xf32>
      %broadcast_in_dim3A_691 = arith.constant 0.000000e+00 : f32
      %broadcast_in_dim3A_692 = vector.broadcast %broadcast_in_dim3A_691 : f32 to vector<16xf32>
      %broadcast_in_dim3A_693 = arith.constant 0.000000e+00 : f32
      %broadcast_in_dim3A_694 = vector.broadcast %broadcast_in_dim3A_693 : f32 to vector<16xf32>
      %broadcast_in_dim3A_695 = arith.constant 0.000000e+00 : f32
      %broadcast_in_dim3A_696 = vector.broadcast %broadcast_in_dim3A_695 : f32 to vector<16xf32>
      %broadcast_in_dim3A_697 = arith.constant 0.000000e+00 : f32
      %broadcast_in_dim3A_698 = vector.broadcast %broadcast_in_dim3A_697 : f32 to vector<16xf32>
      %broadcast_in_dim3A_699 = arith.constant 0.000000e+00 : f32
      %broadcast_in_dim3A_700 = vector.broadcast %broadcast_in_dim3A_699 : f32 to vector<16xf32>
      %broadcast_in_dim3A_701 = arith.constant 0.000000e+00 : f32
      %broadcast_in_dim3A_702 = vector.broadcast %broadcast_in_dim3A_701 : f32 to vector<16xf32>
      %broadcast_in_dim3A_703 = arith.constant 0.000000e+00 : f32
      %broadcast_in_dim3A_704 = vector.broadcast %broadcast_in_dim3A_703 : f32 to vector<16xf32>
      %scan3A_705 = arith.constant 0 : i32
      %scan3A_706 = arith.constant 25 : i32
      %scan3A_707 = arith.addi %scan3A_705, %scan3A_706 : i32
      %scan3A_708 = arith.constant 1 : i32
      %scan3A_709:16 = scf.for %scan3A_854 = %scan3A_705 to %scan3A_707 step %scan3A_708 iter_args(%scan3A_855 = %broadcast_in_dim3A_674, %scan3A_856 = %broadcast_in_dim3A_676, %scan3A_857 = %broadcast_in_dim3A_678, %scan3A_858 = %broadcast_in_dim3A_680, %scan3A_859 = %broadcast_in_dim3A_682, %scan3A_860 = %broadcast_in_dim3A_684, %scan3A_861 = %broadcast_in_dim3A_686, %scan3A_862 = %broadcast_in_dim3A_688, %scan3A_863 = %broadcast_in_dim3A_690, %scan3A_864 = %broadcast_in_dim3A_692, %scan3A_865 = %broadcast_in_dim3A_694, %scan3A_866 = %broadcast_in_dim3A_696, %scan3A_867 = %broadcast_in_dim3A_698, %scan3A_868 = %broadcast_in_dim3A_700, %scan3A_869 = %broadcast_in_dim3A_702, %scan3A_870 = %broadcast_in_dim3A_704) -> (vector<16xf32>, vector<16xf32>, vector<16xf32>, vector<16xf32>, vector<16xf32>, vector<16xf32>, vector<16xf32>, vector<16xf32>, vector<16xf32>, vector<16xf32>, vector<16xf32>, vector<16xf32>, vector<16xf32>, vector<16xf32>, vector<16xf32>, vector<16xf32>)  : i32 {
        %mul3A_871 = arith.constant 2 : i32
        %mul3A_872 = arith.muli %scan3A_854, %mul3A_871 : i32
        %add3A_873 = arith.constant 0 : i32
        %add3A_874 = arith.addi %mul3A_872, %add3A_873 : i32
        %add3A_875 = arith.constant 0 : i32
        %add3A_876 = arith.addi %add3A_875, %add3A_874 : i32
        %get3A = arith.index_cast %add3A_876 : i32 to index
        %get3A_877 = arith.constant 0 : index
        %get3A_878 = tpu.vector_load %arg12[%get3A, %get3A_877] {strides = array<i32>} : memref<100x128xf32, #tpu.memory_space<vmem>>, vector<1x16xf32>,
        %get3A_879 = vector.shape_cast %get3A_878 : vector<1x16xf32> to vector<16xf32>
        %add3A_880 = arith.addf %scan3A_855, %get3A_879 : vector<16xf32>
        %add3A_881 = arith.constant 0 : i32
        %add3A_882 = arith.addi %add3A_881, %add3A_874 : i32
        %get3A_883 = arith.index_cast %add3A_882 : i32 to index
        %get3A_884 = arith.constant 16 : index
        %get3A_885 = tpu.vector_load %arg12[%get3A_883, %get3A_884] {strides = array<i32>} : memref<100x128xf32, #tpu.memory_space<vmem>>, vector<1x16xf32>,
        %get3A_886 = vector.shape_cast %get3A_885 : vector<1x16xf32> to vector<16xf32>
        %add3A_887 = arith.addf %scan3A_856, %get3A_886 : vector<16xf32>
        %add3A_888 = arith.constant 0 : i32
        %add3A_889 = arith.addi %add3A_888, %add3A_874 : i32
        %get3A_890 = arith.index_cast %add3A_889 : i32 to index
        %get3A_891 = arith.constant 32 : index
        %get3A_892 = tpu.vector_load %arg12[%get3A_890, %get3A_891] {strides = array<i32>} : memref<100x128xf32, #tpu.memory_space<vmem>>, vector<1x16xf32>,
        %get3A_893 = vector.shape_cast %get3A_892 : vector<1x16xf32> to vector<16xf32>
        %add3A_894 = arith.addf %scan3A_857, %get3A_893 : vector<16xf32>
        %add3A_895 = arith.constant 0 : i32
        %add3A_896 = arith.addi %add3A_895, %add3A_874 : i32
        %get3A_897 = arith.index_cast %add3A_896 : i32 to index
        %get3A_898 = arith.constant 48 : index
        %get3A_899 = tpu.vector_load %arg12[%get3A_897, %get3A_898] {strides = array<i32>} : memref<100x128xf32, #tpu.memory_space<vmem>>, vector<1x16xf32>,
        %get3A_900 = vector.shape_cast %get3A_899 : vector<1x16xf32> to vector<16xf32>
        %add3A_901 = arith.addf %scan3A_858, %get3A_900 : vector<16xf32>
        %add3A_902 = arith.constant 0 : i32
        %add3A_903 = arith.addi %add3A_902, %add3A_874 : i32
        %get3A_904 = arith.index_cast %add3A_903 : i32 to index
        %get3A_905 = arith.constant 64 : index
        %get3A_906 = tpu.vector_load %arg12[%get3A_904, %get3A_905] {strides = array<i32>} : memref<100x128xf32, #tpu.memory_space<vmem>>, vector<1x16xf32>,
        %get3A_907 = vector.shape_cast %get3A_906 : vector<1x16xf32> to vector<16xf32>
        %add3A_908 = arith.addf %scan3A_859, %get3A_907 : vector<16xf32>
        %add3A_909 = arith.constant 0 : i32
        %add3A_910 = arith.addi %add3A_909, %add3A_874 : i32
        %get3A_911 = arith.index_cast %add3A_910 : i32 to index
        %get3A_912 = arith.constant 80 : index
        %get3A_913 = tpu.vector_load %arg12[%get3A_911, %get3A_912] {strides = array<i32>} : memref<100x128xf32, #tpu.memory_space<vmem>>, vector<1x16xf32>,
        %get3A_914 = vector.shape_cast %get3A_913 : vector<1x16xf32> to vector<16xf32>
        %add3A_915 = arith.addf %scan3A_860, %get3A_914 : vector<16xf32>
        %add3A_916 = arith.constant 0 : i32
        %add3A_917 = arith.addi %add3A_916, %add3A_874 : i32
        %get3A_918 = arith.index_cast %add3A_917 : i32 to index
        %get3A_919 = arith.constant 96 : index
        %get3A_920 = tpu.vector_load %arg12[%get3A_918, %get3A_919] {strides = array<i32>} : memref<100x128xf32, #tpu.memory_space<vmem>>, vector<1x16xf32>,
        %get3A_921 = vector.shape_cast %get3A_920 : vector<1x16xf32> to vector<16xf32>
        %add3A_922 = arith.addf %scan3A_861, %get3A_921 : vector<16xf32>
        %add3A_923 = arith.constant 0 : i32
        %add3A_924 = arith.addi %add3A_923, %add3A_874 : i32
        %get3A_925 = arith.index_cast %add3A_924 : i32 to index
        %get3A_926 = arith.constant 112 : index
        %get3A_927 = tpu.vector_load %arg12[%get3A_925, %get3A_926] {strides = array<i32>} : memref<100x128xf32, #tpu.memory_space<vmem>>, vector<1x16xf32>,
        %get3A_928 = vector.shape_cast %get3A_927 : vector<1x16xf32> to vector<16xf32>
        %add3A_929 = arith.addf %scan3A_862, %get3A_928 : vector<16xf32>
        %add3A_930 = arith.constant 50 : i32
        %add3A_931 = arith.addi %add3A_930, %add3A_874 : i32
        %get3A_932 = arith.index_cast %add3A_931 : i32 to index
        %get3A_933 = arith.constant 0 : index
        %get3A_934 = tpu.vector_load %arg12[%get3A_932, %get3A_933] {strides = array<i32>} : memref<100x128xf32, #tpu.memory_space<vmem>>, vector<1x16xf32>,
        %get3A_935 = vector.shape_cast %get3A_934 : vector<1x16xf32> to vector<16xf32>
        %add3A_936 = arith.addf %scan3A_863, %get3A_935 : vector<16xf32>
        %add3A_937 = arith.constant 50 : i32
        %add3A_938 = arith.addi %add3A_937, %add3A_874 : i32
        %get3A_939 = arith.index_cast %add3A_938 : i32 to index
        %get3A_940 = arith.constant 16 : index
        %get3A_941 = tpu.vector_load %arg12[%get3A_939, %get3A_940] {strides = array<i32>} : memref<100x128xf32, #tpu.memory_space<vmem>>, vector<1x16xf32>,
        %get3A_942 = vector.shape_cast %get3A_941 : vector<1x16xf32> to vector<16xf32>
        %add3A_943 = arith.addf %scan3A_864, %get3A_942 : vector<16xf32>
        %add3A_944 = arith.constant 50 : i32
        %add3A_945 = arith.addi %add3A_944, %add3A_874 : i32
        %get3A_946 = arith.index_cast %add3A_945 : i32 to index
        %get3A_947 = arith.constant 32 : index
        %get3A_948 = tpu.vector_load %arg12[%get3A_946, %get3A_947] {strides = array<i32>} : memref<100x128xf32, #tpu.memory_space<vmem>>, vector<1x16xf32>,
        %get3A_949 = vector.shape_cast %get3A_948 : vector<1x16xf32> to vector<16xf32>
        %add3A_950 = arith.addf %scan3A_865, %get3A_949 : vector<16xf32>
        %add3A_951 = arith.constant 50 : i32
        %add3A_952 = arith.addi %add3A_951, %add3A_874 : i32
        %get3A_953 = arith.index_cast %add3A_952 : i32 to index
        %get3A_954 = arith.constant 48 : index
        %get3A_955 = tpu.vector_load %arg12[%get3A_953, %get3A_954] {strides = array<i32>} : memref<100x128xf32, #tpu.memory_space<vmem>>, vector<1x16xf32>,
        %get3A_956 = vector.shape_cast %get3A_955 : vector<1x16xf32> to vector<16xf32>
        %add3A_957 = arith.addf %scan3A_866, %get3A_956 : vector<16xf32>
        %add3A_958 = arith.constant 50 : i32
        %add3A_959 = arith.addi %add3A_958, %add3A_874 : i32
        %get3A_960 = arith.index_cast %add3A_959 : i32 to index
        %get3A_961 = arith.constant 64 : index
        %get3A_962 = tpu.vector_load %arg12[%get3A_960, %get3A_961] {strides = array<i32>} : memref<100x128xf32, #tpu.memory_space<vmem>>, vector<1x16xf32>,
        %get3A_963 = vector.shape_cast %get3A_962 : vector<1x16xf32> to vector<16xf32>
        %add3A_964 = arith.addf %scan3A_867, %get3A_963 : vector<16xf32>
        %add3A_965 = arith.constant 50 : i32
        %add3A_966 = arith.addi %add3A_965, %add3A_874 : i32
        %get3A_967 = arith.index_cast %add3A_966 : i32 to index
        %get3A_968 = arith.constant 80 : index
        %get3A_969 = tpu.vector_load %arg12[%get3A_967, %get3A_968] {strides = array<i32>} : memref<100x128xf32, #tpu.memory_space<vmem>>, vector<1x16xf32>,
        %get3A_970 = vector.shape_cast %get3A_969 : vector<1x16xf32> to vector<16xf32>
        %add3A_971 = arith.addf %scan3A_868, %get3A_970 : vector<16xf32>
        %add3A_972 = arith.constant 50 : i32
        %add3A_973 = arith.addi %add3A_972, %add3A_874 : i32
        %get3A_974 = arith.index_cast %add3A_973 : i32 to index
        %get3A_975 = arith.constant 96 : index
        %get3A_976 = tpu.vector_load %arg12[%get3A_974, %get3A_975] {strides = array<i32>} : memref<100x128xf32, #tpu.memory_space<vmem>>, vector<1x16xf32>,
        %get3A_977 = vector.shape_cast %get3A_976 : vector<1x16xf32> to vector<16xf32>
        %add3A_978 = arith.addf %scan3A_869, %get3A_977 : vector<16xf32>
        %add3A_979 = arith.constant 50 : i32
        %add3A_980 = arith.addi %add3A_979, %add3A_874 : i32
        %get3A_981 = arith.index_cast %add3A_980 : i32 to index
        %get3A_982 = arith.constant 112 : index
        %get3A_983 = tpu.vector_load %arg12[%get3A_981, %get3A_982] {strides = array<i32>} : memref<100x128xf32, #tpu.memory_space<vmem>>, vector<1x16xf32>,
        %get3A_984 = vector.shape_cast %get3A_983 : vector<1x16xf32> to vector<16xf32>
        %add3A_985 = arith.addf %scan3A_870, %get3A_984 : vector<16xf32>
        %mul3A_986 = arith.constant 2 : i32
        %mul3A_987 = arith.muli %scan3A_854, %mul3A_986 : i32
        %add3A_988 = arith.constant 1 : i32
        %add3A_989 = arith.addi %mul3A_987, %add3A_988 : i32
        %add3A_990 = arith.constant 0 : i32
        %add3A_991 = arith.addi %add3A_990, %add3A_989 : i32
        %get3A_992 = arith.index_cast %add3A_991 : i32 to index
        %get3A_993 = arith.constant 0 : index
        %get3A_994 = tpu.vector_load %arg12[%get3A_992, %get3A_993] {strides = array<i32>} : memref<100x128xf32, #tpu.memory_space<vmem>>, vector<1x16xf32>,
        %get3A_995 = vector.shape_cast %get3A_994 : vector<1x16xf32> to vector<16xf32>
        %add3A_996 = arith.addf %add3A_880, %get3A_995 : vector<16xf32>
        %add3A_997 = arith.constant 0 : i32
        %add3A_998 = arith.addi %add3A_997, %add3A_989 : i32
        %get3A_999 = arith.index_cast %add3A_998 : i32 to index
        %get3A_1000 = arith.constant 16 : index
        %get3A_1001 = tpu.vector_load %arg12[%get3A_999, %get3A_1000] {strides = array<i32>} : memref<100x128xf32, #tpu.memory_space<vmem>>, vector<1x16xf32>,
        %get3A_1002 = vector.shape_cast %get3A_1001 : vector<1x16xf32> to vector<16xf32>
        %add3A_1003 = arith.addf %add3A_887, %get3A_1002 : vector<16xf32>
        %add3A_1004 = arith.constant 0 : i32
        %add3A_1005 = arith.addi %add3A_1004, %add3A_989 : i32
        %get3A_1006 = arith.index_cast %add3A_1005 : i32 to index
        %get3A_1007 = arith.constant 32 : index
        %get3A_1008 = tpu.vector_load %arg12[%get3A_1006, %get3A_1007] {strides = array<i32>} : memref<100x128xf32, #tpu.memory_space<vmem>>, vector<1x16xf32>,
        %get3A_1009 = vector.shape_cast %get3A_1008 : vector<1x16xf32> to vector<16xf32>
        %add3A_1010 = arith.addf %add3A_894, %get3A_1009 : vector<16xf32>
        %add3A_1011 = arith.constant 0 : i32
        %add3A_1012 = arith.addi %add3A_1011, %add3A_989 : i32
        %get3A_1013 = arith.index_cast %add3A_1012 : i32 to index
        %get3A_1014 = arith.constant 48 : index
        %get3A_1015 = tpu.vector_load %arg12[%get3A_1013, %get3A_1014] {strides = array<i32>} : memref<100x128xf32, #tpu.memory_space<vmem>>, vector<1x16xf32>,
        %get3A_1016 = vector.shape_cast %get3A_1015 : vector<1x16xf32> to vector<16xf32>
        %add3A_1017 = arith.addf %add3A_901, %get3A_1016 : vector<16xf32>
        %add3A_1018 = arith.constant 0 : i32
        %add3A_1019 = arith.addi %add3A_1018, %add3A_989 : i32
        %get3A_1020 = arith.index_cast %add3A_1019 : i32 to index
        %get3A_1021 = arith.constant 64 : index
        %get3A_1022 = tpu.vector_load %arg12[%get3A_1020, %get3A_1021] {strides = array<i32>} : memref<100x128xf32, #tpu.memory_space<vmem>>, vector<1x16xf32>,
        %get3A_1023 = vector.shape_cast %get3A_1022 : vector<1x16xf32> to vector<16xf32>
        %add3A_1024 = arith.addf %add3A_908, %get3A_1023 : vector<16xf32>
        %add3A_1025 = arith.constant 0 : i32
        %add3A_1026 = arith.addi %add3A_1025, %add3A_989 : i32
        %get3A_1027 = arith.index_cast %add3A_1026 : i32 to index
        %get3A_1028 = arith.constant 80 : index
        %get3A_1029 = tpu.vector_load %arg12[%get3A_1027, %get3A_1028] {strides = array<i32>} : memref<100x128xf32, #tpu.memory_space<vmem>>, vector<1x16xf32>,
        %get3A_1030 = vector.shape_cast %get3A_1029 : vector<1x16xf32> to vector<16xf32>
        %add3A_1031 = arith.addf %add3A_915, %get3A_1030 : vector<16xf32>
        %add3A_1032 = arith.constant 0 : i32
        %add3A_1033 = arith.addi %add3A_1032, %add3A_989 : i32
        %get3A_1034 = arith.index_cast %add3A_1033 : i32 to index
        %get3A_1035 = arith.constant 96 : index
        %get3A_1036 = tpu.vector_load %arg12[%get3A_1034, %get3A_1035] {strides = array<i32>} : memref<100x128xf32, #tpu.memory_space<vmem>>, vector<1x16xf32>,
        %get3A_1037 = vector.shape_cast %get3A_1036 : vector<1x16xf32> to vector<16xf32>
        %add3A_1038 = arith.addf %add3A_922, %get3A_1037 : vector<16xf32>
        %add3A_1039 = arith.constant 0 : i32
        %add3A_1040 = arith.addi %add3A_1039, %add3A_989 : i32
        %get3A_1041 = arith.index_cast %add3A_1040 : i32 to index
        %get3A_1042 = arith.constant 112 : index
        %get3A_1043 = tpu.vector_load %arg12[%get3A_1041, %get3A_1042] {strides = array<i32>} : memref<100x128xf32, #tpu.memory_space<vmem>>, vector<1x16xf32>,
        %get3A_1044 = vector.shape_cast %get3A_1043 : vector<1x16xf32> to vector<16xf32>
        %add3A_1045 = arith.addf %add3A_929, %get3A_1044 : vector<16xf32>
        %add3A_1046 = arith.constant 50 : i32
        %add3A_1047 = arith.addi %add3A_1046, %add3A_989 : i32
        %get3A_1048 = arith.index_cast %add3A_1047 : i32 to index
        %get3A_1049 = arith.constant 0 : index
        %get3A_1050 = tpu.vector_load %arg12[%get3A_1048, %get3A_1049] {strides = array<i32>} : memref<100x128xf32, #tpu.memory_space<vmem>>, vector<1x16xf32>,
        %get3A_1051 = vector.shape_cast %get3A_1050 : vector<1x16xf32> to vector<16xf32>
        %add3A_1052 = arith.addf %add3A_936, %get3A_1051 : vector<16xf32>
        %add3A_1053 = arith.constant 50 : i32
        %add3A_1054 = arith.addi %add3A_1053, %add3A_989 : i32
        %get3A_1055 = arith.index_cast %add3A_1054 : i32 to index
        %get3A_1056 = arith.constant 16 : index
        %get3A_1057 = tpu.vector_load %arg12[%get3A_1055, %get3A_1056] {strides = array<i32>} : memref<100x128xf32, #tpu.memory_space<vmem>>, vector<1x16xf32>,
        %get3A_1058 = vector.shape_cast %get3A_1057 : vector<1x16xf32> to vector<16xf32>
        %add3A_1059 = arith.addf %add3A_943, %get3A_1058 : vector<16xf32>
        %add3A_1060 = arith.constant 50 : i32
        %add3A_1061 = arith.addi %add3A_1060, %add3A_989 : i32
        %get3A_1062 = arith.index_cast %add3A_1061 : i32 to index
        %get3A_1063 = arith.constant 32 : index
        %get3A_1064 = tpu.vector_load %arg12[%get3A_1062, %get3A_1063] {strides = array<i32>} : memref<100x128xf32, #tpu.memory_space<vmem>>, vector<1x16xf32>,
        %get3A_1065 = vector.shape_cast %get3A_1064 : vector<1x16xf32> to vector<16xf32>
        %add3A_1066 = arith.addf %add3A_950, %get3A_1065 : vector<16xf32>
        %add3A_1067 = arith.constant 50 : i32
        %add3A_1068 = arith.addi %add3A_1067, %add3A_989 : i32
        %get3A_1069 = arith.index_cast %add3A_1068 : i32 to index
        %get3A_1070 = arith.constant 48 : index
        %get3A_1071 = tpu.vector_load %arg12[%get3A_1069, %get3A_1070] {strides = array<i32>} : memref<100x128xf32, #tpu.memory_space<vmem>>, vector<1x16xf32>,
        %get3A_1072 = vector.shape_cast %get3A_1071 : vector<1x16xf32> to vector<16xf32>
        %add3A_1073 = arith.addf %add3A_957, %get3A_1072 : vector<16xf32>
        %add3A_1074 = arith.constant 50 : i32
        %add3A_1075 = arith.addi %add3A_1074, %add3A_989 : i32
        %get3A_1076 = arith.index_cast %add3A_1075 : i32 to index
        %get3A_1077 = arith.constant 64 : index
        %get3A_1078 = tpu.vector_load %arg12[%get3A_1076, %get3A_1077] {strides = array<i32>} : memref<100x128xf32, #tpu.memory_space<vmem>>, vector<1x16xf32>,
        %get3A_1079 = vector.shape_cast %get3A_1078 : vector<1x16xf32> to vector<16xf32>
        %add3A_1080 = arith.addf %add3A_964, %get3A_1079 : vector<16xf32>
        %add3A_1081 = arith.constant 50 : i32
        %add3A_1082 = arith.addi %add3A_1081, %add3A_989 : i32
        %get3A_1083 = arith.index_cast %add3A_1082 : i32 to index
        %get3A_1084 = arith.constant 80 : index
        %get3A_1085 = tpu.vector_load %arg12[%get3A_1083, %get3A_1084] {strides = array<i32>} : memref<100x128xf32, #tpu.memory_space<vmem>>, vector<1x16xf32>,
        %get3A_1086 = vector.shape_cast %get3A_1085 : vector<1x16xf32> to vector<16xf32>
        %add3A_1087 = arith.addf %add3A_971, %get3A_1086 : vector<16xf32>
        %add3A_1088 = arith.constant 50 : i32
        %add3A_1089 = arith.addi %add3A_1088, %add3A_989 : i32
        %get3A_1090 = arith.index_cast %add3A_1089 : i32 to index
        %get3A_1091 = arith.constant 96 : index
        %get3A_1092 = tpu.vector_load %arg12[%get3A_1090, %get3A_1091] {strides = array<i32>} : memref<100x128xf32, #tpu.memory_space<vmem>>, vector<1x16xf32>,
        %get3A_1093 = vector.shape_cast %get3A_1092 : vector<1x16xf32> to vector<16xf32>
        %add3A_1094 = arith.addf %add3A_978, %get3A_1093 : vector<16xf32>
        %add3A_1095 = arith.constant 50 : i32
        %add3A_1096 = arith.addi %add3A_1095, %add3A_989 : i32
        %get3A_1097 = arith.index_cast %add3A_1096 : i32 to index
        %get3A_1098 = arith.constant 112 : index
        %get3A_1099 = tpu.vector_load %arg12[%get3A_1097, %get3A_1098] {strides = array<i32>} : memref<100x128xf32, #tpu.memory_space<vmem>>, vector<1x16xf32>,
        %get3A_1100 = vector.shape_cast %get3A_1099 : vector<1x16xf32> to vector<16xf32>
        %add3A_1101 = arith.addf %add3A_985, %get3A_1100 : vector<16xf32>
        scf.yield %add3A_996, %add3A_1003, %add3A_1010, %add3A_1017, %add3A_1024, %add3A_1031, %add3A_1038, %add3A_1045, %add3A_1052, %add3A_1059, %add3A_1066, %add3A_1073, %add3A_1080, %add3A_1087, %add3A_1094, %add3A_1101 : vector<16xf32>, vector<16xf32>, vector<16xf32>, vector<16xf32>, vector<16xf32>, vector<16xf32>, vector<16xf32>, vector<16xf32>, vector<16xf32>, vector<16xf32>, vector<16xf32>, vector<16xf32>, vector<16xf32>, vector<16xf32>, vector<16xf32>, vector<16xf32>
      }
      %scan3A_710 = arith.constant 25 : i32
      %mul3A_711 = arith.constant 2 : i32
      %mul3A_712 = arith.muli %add3A_662, %mul3A_711 : i32
      %add3A_713 = arith.constant 0 : i32
      %add3A_714 = arith.addi %mul3A_712, %add3A_713 : i32
      %mul3A_715 = arith.constant 2.000000e-02 : f32
      %mul3A_716 = vector.broadcast %mul3A_715 : f32 to vector<16xf32>
      %mul3A_717 = arith.mulf %scan3A_709#0, %mul3A_716 : vector<16xf32>
      %swap3A_718 = arith.index_cast %add3A_714 : i32 to index
      %swap3A_719 = arith.constant 0 : index
      %swap3A_720 = tpu.vector_load %arg13[%swap3A_718, %swap3A_719] {strides = array<i32>} : memref<128x128xf32, #tpu.memory_space<vmem>>, vector<1x16xf32>,
      %swap3A_721 = vector.shape_cast %swap3A_720 : vector<1x16xf32> to vector<16xf32>
      %swap3A_722 = vector.shape_cast %mul3A_717 : vector<16xf32> to vector<1x16xf32>
      tpu.vector_store %arg13[%swap3A_718, %swap3A_719], %swap3A_722 {strides = array<i32>} : memref<128x128xf32, #tpu.memory_space<vmem>>, vector<1x16xf32>,
      %mul3A_723 = arith.constant 2.000000e-02 : f32
      %mul3A_724 = vector.broadcast %mul3A_723 : f32 to vector<16xf32>
      %mul3A_725 = arith.mulf %scan3A_709#1, %mul3A_724 : vector<16xf32>
      %swap3A_726 = arith.index_cast %add3A_714 : i32 to index
      %swap3A_727 = arith.constant 16 : index
      %swap3A_728 = tpu.vector_load %arg13[%swap3A_726, %swap3A_727] {strides = array<i32>} : memref<128x128xf32, #tpu.memory_space<vmem>>, vector<1x16xf32>,
      %swap3A_729 = vector.shape_cast %swap3A_728 : vector<1x16xf32> to vector<16xf32>
      %swap3A_730 = vector.shape_cast %mul3A_725 : vector<16xf32> to vector<1x16xf32>
      tpu.vector_store %arg13[%swap3A_726, %swap3A_727], %swap3A_730 {strides = array<i32>} : memref<128x128xf32, #tpu.memory_space<vmem>>, vector<1x16xf32>,
      %mul3A_731 = arith.constant 2.000000e-02 : f32
      %mul3A_732 = vector.broadcast %mul3A_731 : f32 to vector<16xf32>
      %mul3A_733 = arith.mulf %scan3A_709#2, %mul3A_732 : vector<16xf32>
      %swap3A_734 = arith.index_cast %add3A_714 : i32 to index
      %swap3A_735 = arith.constant 32 : index
      %swap3A_736 = tpu.vector_load %arg13[%swap3A_734, %swap3A_735] {strides = array<i32>} : memref<128x128xf32, #tpu.memory_space<vmem>>, vector<1x16xf32>,
      %swap3A_737 = vector.shape_cast %swap3A_736 : vector<1x16xf32> to vector<16xf32>
      %swap3A_738 = vector.shape_cast %mul3A_733 : vector<16xf32> to vector<1x16xf32>
      tpu.vector_store %arg13[%swap3A_734, %swap3A_735], %swap3A_738 {strides = array<i32>} : memref<128x128xf32, #tpu.memory_space<vmem>>, vector<1x16xf32>,
      %mul3A_739 = arith.constant 2.000000e-02 : f32
      %mul3A_740 = vector.broadcast %mul3A_739 : f32 to vector<16xf32>
      %mul3A_741 = arith.mulf %scan3A_709#3, %mul3A_740 : vector<16xf32>
      %swap3A_742 = arith.index_cast %add3A_714 : i32 to index
      %swap3A_743 = arith.constant 48 : index
      %swap3A_744 = tpu.vector_load %arg13[%swap3A_742, %swap3A_743] {strides = array<i32>} : memref<128x128xf32, #tpu.memory_space<vmem>>, vector<1x16xf32>,
      %swap3A_745 = vector.shape_cast %swap3A_744 : vector<1x16xf32> to vector<16xf32>
      %swap3A_746 = vector.shape_cast %mul3A_741 : vector<16xf32> to vector<1x16xf32>
      tpu.vector_store %arg13[%swap3A_742, %swap3A_743], %swap3A_746 {strides = array<i32>} : memref<128x128xf32, #tpu.memory_space<vmem>>, vector<1x16xf32>,
      %mul3A_747 = arith.constant 2.000000e-02 : f32
      %mul3A_748 = vector.broadcast %mul3A_747 : f32 to vector<16xf32>
      %mul3A_749 = arith.mulf %scan3A_709#4, %mul3A_748 : vector<16xf32>
      %swap3A_750 = arith.index_cast %add3A_714 : i32 to index
      %swap3A_751 = arith.constant 64 : index
      %swap3A_752 = tpu.vector_load %arg13[%swap3A_750, %swap3A_751] {strides = array<i32>} : memref<128x128xf32, #tpu.memory_space<vmem>>, vector<1x16xf32>,
      %swap3A_753 = vector.shape_cast %swap3A_752 : vector<1x16xf32> to vector<16xf32>
      %swap3A_754 = vector.shape_cast %mul3A_749 : vector<16xf32> to vector<1x16xf32>
      tpu.vector_store %arg13[%swap3A_750, %swap3A_751], %swap3A_754 {strides = array<i32>} : memref<128x128xf32, #tpu.memory_space<vmem>>, vector<1x16xf32>,
      %mul3A_755 = arith.constant 2.000000e-02 : f32
      %mul3A_756 = vector.broadcast %mul3A_755 : f32 to vector<16xf32>
      %mul3A_757 = arith.mulf %scan3A_709#5, %mul3A_756 : vector<16xf32>
      %swap3A_758 = arith.index_cast %add3A_714 : i32 to index
      %swap3A_759 = arith.constant 80 : index
      %swap3A_760 = tpu.vector_load %arg13[%swap3A_758, %swap3A_759] {strides = array<i32>} : memref<128x128xf32, #tpu.memory_space<vmem>>, vector<1x16xf32>,
      %swap3A_761 = vector.shape_cast %swap3A_760 : vector<1x16xf32> to vector<16xf32>
      %swap3A_762 = vector.shape_cast %mul3A_757 : vector<16xf32> to vector<1x16xf32>
      tpu.vector_store %arg13[%swap3A_758, %swap3A_759], %swap3A_762 {strides = array<i32>} : memref<128x128xf32, #tpu.memory_space<vmem>>, vector<1x16xf32>,
      %mul3A_763 = arith.constant 2.000000e-02 : f32
      %mul3A_764 = vector.broadcast %mul3A_763 : f32 to vector<16xf32>
      %mul3A_765 = arith.mulf %scan3A_709#6, %mul3A_764 : vector<16xf32>
      %swap3A_766 = arith.index_cast %add3A_714 : i32 to index
      %swap3A_767 = arith.constant 96 : index
      %swap3A_768 = tpu.vector_load %arg13[%swap3A_766, %swap3A_767] {strides = array<i32>} : memref<128x128xf32, #tpu.memory_space<vmem>>, vector<1x16xf32>,
      %swap3A_769 = vector.shape_cast %swap3A_768 : vector<1x16xf32> to vector<16xf32>
      %swap3A_770 = vector.shape_cast %mul3A_765 : vector<16xf32> to vector<1x16xf32>
      tpu.vector_store %arg13[%swap3A_766, %swap3A_767], %swap3A_770 {strides = array<i32>} : memref<128x128xf32, #tpu.memory_space<vmem>>, vector<1x16xf32>,
      %mul3A_771 = arith.constant 2.000000e-02 : f32
      %mul3A_772 = vector.broadcast %mul3A_771 : f32 to vector<16xf32>
      %mul3A_773 = arith.mulf %scan3A_709#7, %mul3A_772 : vector<16xf32>
      %swap3A_774 = arith.index_cast %add3A_714 : i32 to index
      %swap3A_775 = arith.constant 112 : index
      %swap3A_776 = tpu.vector_load %arg13[%swap3A_774, %swap3A_775] {strides = array<i32>} : memref<128x128xf32, #tpu.memory_space<vmem>>, vector<1x16xf32>,
      %swap3A_777 = vector.shape_cast %swap3A_776 : vector<1x16xf32> to vector<16xf32>
      %swap3A_778 = vector.shape_cast %mul3A_773 : vector<16xf32> to vector<1x16xf32>
      tpu.vector_store %arg13[%swap3A_774, %swap3A_775], %swap3A_778 {strides = array<i32>} : memref<128x128xf32, #tpu.memory_space<vmem>>, vector<1x16xf32>,
      %mul3A_779 = arith.constant 2 : i32
      %mul3A_780 = arith.muli %add3A_662, %mul3A_779 : i32
      %add3A_781 = arith.constant 1 : i32
      %add3A_782 = arith.addi %mul3A_780, %add3A_781 : i32
      %mul3A_783 = arith.constant 2.000000e-02 : f32
      %mul3A_784 = vector.broadcast %mul3A_783 : f32 to vector<16xf32>
      %mul3A_785 = arith.mulf %scan3A_709#8, %mul3A_784 : vector<16xf32>
      %swap3A_786 = arith.index_cast %add3A_782 : i32 to index
      %swap3A_787 = arith.constant 0 : index
      %swap3A_788 = tpu.vector_load %arg13[%swap3A_786, %swap3A_787] {strides = array<i32>} : memref<128x128xf32, #tpu.memory_space<vmem>>, vector<1x16xf32>,
      %swap3A_789 = vector.shape_cast %swap3A_788 : vector<1x16xf32> to vector<16xf32>
      %swap3A_790 = vector.shape_cast %mul3A_785 : vector<16xf32> to vector<1x16xf32>
      tpu.vector_store %arg13[%swap3A_786, %swap3A_787], %swap3A_790 {strides = array<i32>} : memref<128x128xf32, #tpu.memory_space<vmem>>, vector<1x16xf32>,
      %mul3A_791 = arith.constant 2.000000e-02 : f32
      %mul3A_792 = vector.broadcast %mul3A_791 : f32 to vector<16xf32>
      %mul3A_793 = arith.mulf %scan3A_709#9, %mul3A_792 : vector<16xf32>
      %swap3A_794 = arith.index_cast %add3A_782 : i32 to index
      %swap3A_795 = arith.constant 16 : index
      %swap3A_796 = tpu.vector_load %arg13[%swap3A_794, %swap3A_795] {strides = array<i32>} : memref<128x128xf32, #tpu.memory_space<vmem>>, vector<1x16xf32>,
      %swap3A_797 = vector.shape_cast %swap3A_796 : vector<1x16xf32> to vector<16xf32>
      %swap3A_798 = vector.shape_cast %mul3A_793 : vector<16xf32> to vector<1x16xf32>
      tpu.vector_store %arg13[%swap3A_794, %swap3A_795], %swap3A_798 {strides = array<i32>} : memref<128x128xf32, #tpu.memory_space<vmem>>, vector<1x16xf32>,
      %mul3A_799 = arith.constant 2.000000e-02 : f32
      %mul3A_800 = vector.broadcast %mul3A_799 : f32 to vector<16xf32>
      %mul3A_801 = arith.mulf %scan3A_709#10, %mul3A_800 : vector<16xf32>
      %swap3A_802 = arith.index_cast %add3A_782 : i32 to index
      %swap3A_803 = arith.constant 32 : index
      %swap3A_804 = tpu.vector_load %arg13[%swap3A_802, %swap3A_803] {strides = array<i32>} : memref<128x128xf32, #tpu.memory_space<vmem>>, vector<1x16xf32>,
      %swap3A_805 = vector.shape_cast %swap3A_804 : vector<1x16xf32> to vector<16xf32>
      %swap3A_806 = vector.shape_cast %mul3A_801 : vector<16xf32> to vector<1x16xf32>
      tpu.vector_store %arg13[%swap3A_802, %swap3A_803], %swap3A_806 {strides = array<i32>} : memref<128x128xf32, #tpu.memory_space<vmem>>, vector<1x16xf32>,
      %mul3A_807 = arith.constant 2.000000e-02 : f32
      %mul3A_808 = vector.broadcast %mul3A_807 : f32 to vector<16xf32>
      %mul3A_809 = arith.mulf %scan3A_709#11, %mul3A_808 : vector<16xf32>
      %swap3A_810 = arith.index_cast %add3A_782 : i32 to index
      %swap3A_811 = arith.constant 48 : index
      %swap3A_812 = tpu.vector_load %arg13[%swap3A_810, %swap3A_811] {strides = array<i32>} : memref<128x128xf32, #tpu.memory_space<vmem>>, vector<1x16xf32>,
      %swap3A_813 = vector.shape_cast %swap3A_812 : vector<1x16xf32> to vector<16xf32>
      %swap3A_814 = vector.shape_cast %mul3A_809 : vector<16xf32> to vector<1x16xf32>
      tpu.vector_store %arg13[%swap3A_810, %swap3A_811], %swap3A_814 {strides = array<i32>} : memref<128x128xf32, #tpu.memory_space<vmem>>, vector<1x16xf32>,
      %mul3A_815 = arith.constant 2.000000e-02 : f32
      %mul3A_816 = vector.broadcast %mul3A_815 : f32 to vector<16xf32>
      %mul3A_817 = arith.mulf %scan3A_709#12, %mul3A_816 : vector<16xf32>
      %swap3A_818 = arith.index_cast %add3A_782 : i32 to index
      %swap3A_819 = arith.constant 64 : index
      %swap3A_820 = tpu.vector_load %arg13[%swap3A_818, %swap3A_819] {strides = array<i32>} : memref<128x128xf32, #tpu.memory_space<vmem>>, vector<1x16xf32>,
      %swap3A_821 = vector.shape_cast %swap3A_820 : vector<1x16xf32> to vector<16xf32>
      %swap3A_822 = vector.shape_cast %mul3A_817 : vector<16xf32> to vector<1x16xf32>
      tpu.vector_store %arg13[%swap3A_818, %swap3A_819], %swap3A_822 {strides = array<i32>} : memref<128x128xf32, #tpu.memory_space<vmem>>, vector<1x16xf32>,
      %mul3A_823 = arith.constant 2.000000e-02 : f32
      %mul3A_824 = vector.broadcast %mul3A_823 : f32 to vector<16xf32>
      %mul3A_825 = arith.mulf %scan3A_709#13, %mul3A_824 : vector<16xf32>
      %swap3A_826 = arith.index_cast %add3A_782 : i32 to index
      %swap3A_827 = arith.constant 80 : index
      %swap3A_828 = tpu.vector_load %arg13[%swap3A_826, %swap3A_827] {strides = array<i32>} : memref<128x128xf32, #tpu.memory_space<vmem>>, vector<1x16xf32>,
      %swap3A_829 = vector.shape_cast %swap3A_828 : vector<1x16xf32> to vector<16xf32>
      %swap3A_830 = vector.shape_cast %mul3A_825 : vector<16xf32> to vector<1x16xf32>
      tpu.vector_store %arg13[%swap3A_826, %swap3A_827], %swap3A_830 {strides = array<i32>} : memref<128x128xf32, #tpu.memory_space<vmem>>, vector<1x16xf32>,
      %mul3A_831 = arith.constant 2.000000e-02 : f32
      %mul3A_832 = vector.broadcast %mul3A_831 : f32 to vector<16xf32>
      %mul3A_833 = arith.mulf %scan3A_709#14, %mul3A_832 : vector<16xf32>
      %swap3A_834 = arith.index_cast %add3A_782 : i32 to index
      %swap3A_835 = arith.constant 96 : index
      %swap3A_836 = tpu.vector_load %arg13[%swap3A_834, %swap3A_835] {strides = array<i32>} : memref<128x128xf32, #tpu.memory_space<vmem>>, vector<1x16xf32>,
      %swap3A_837 = vector.shape_cast %swap3A_836 : vector<1x16xf32> to vector<16xf32>
      %swap3A_838 = vector.shape_cast %mul3A_833 : vector<16xf32> to vector<1x16xf32>
      tpu.vector_store %arg13[%swap3A_834, %swap3A_835], %swap3A_838 {strides = array<i32>} : memref<128x128xf32, #tpu.memory_space<vmem>>, vector<1x16xf32>,
      %mul3A_839 = arith.constant 2.000000e-02 : f32
      %mul3A_840 = vector.broadcast %mul3A_839 : f32 to vector<16xf32>
      %mul3A_841 = arith.mulf %scan3A_709#15, %mul3A_840 : vector<16xf32>
      %swap3A_842 = arith.index_cast %add3A_782 : i32 to index
      %swap3A_843 = arith.constant 112 : index
      %swap3A_844 = tpu.vector_load %arg13[%swap3A_842, %swap3A_843] {strides = array<i32>} : memref<128x128xf32, #tpu.memory_space<vmem>>, vector<1x16xf32>,
      %swap3A_845 = vector.shape_cast %swap3A_844 : vector<1x16xf32> to vector<16xf32>
      %swap3A_846 = vector.shape_cast %mul3A_841 : vector<16xf32> to vector<1x16xf32>
      tpu.vector_store %arg13[%swap3A_842, %swap3A_843], %swap3A_846 {strides = array<i32>} : memref<128x128xf32, #tpu.memory_space<vmem>>, vector<1x16xf32>,
      %add3A_847 = arith.constant 4 : i32
      %add3A_848 = arith.addi %add3A_662, %add3A_847 : i32
      %lt3A_849 = arith.constant 64 : i32
      %lt3A_850 = arith.cmpi slt, %add3A_848, %lt3A_849 : i32
      %convert_element_type3A_851 = arith.extui %lt3A_850 : i1 to i32
      %cond3A_852 = arith.constant 0 : i32
      %cond3A_853 = arith.cmpi ne, %convert_element_type3A_851, %cond3A_852 : i32
      scf.if %cond3A_853 {
        %add3A_854 = arith.addi %mul3A_2, %add3A_662 : i32
        %add3A_855 = arith.constant 4 : i32
        %add3A_856 = arith.addi %add3A_854, %add3A_855 : i32
        %dma_wait3A_857 = arith.constant 0 : i32
        %dma_wait3A_858 = tpu.memref_slice %arg2[%add3A_856, %dma_wait3A_857] : memref<2048x100xi32, #tpu.memory_space<hbm>> -> memref<1x100xi32, #tpu.memory_space<hbm>>
        %dma_wait3A_859 = tpu.memref_squeeze %dma_wait3A_858 : memref<1x100xi32, #tpu.memory_space<hbm>> -> memref<100xi32, #tpu.memory_space<hbm>>
        %dma_wait3A_860 = arith.constant 0 : i32
        %dma_wait3A_861 = tpu.memref_slice %arg2[%add3A_856, %dma_wait3A_860] : memref<2048x100xi32, #tpu.memory_space<hbm>> -> memref<1x100xi32, #tpu.memory_space<hbm>>
        %dma_wait3A_862 = tpu.memref_squeeze %dma_wait3A_861 : memref<1x100xi32, #tpu.memory_space<hbm>> -> memref<100xi32, #tpu.memory_space<hbm>>
        tpu.wait_dma2 semaphore(%arg21 : memref<!tpu.dma_semaphore, #tpu.memory_space<semaphore_mem>>) src(%dma_wait3A_862 : memref<100xi32, #tpu.memory_space<hbm>>) dst(%arg8 : memref<100xi32, #tpu.memory_space<vmem>>)
        %dma_start3A_863 = arith.constant 0 : i32
        %dma_start3A_864 = arith.constant 0 : i32
        %dma_start3A_865 = tpu.memref_slice %arg3[%dma_start3A_863, %dma_start3A_864] : memref<100000x128xf32, #tpu.memory_space<hbm>> -> memref<100000x128xf32, #tpu.memory_space<hbm>>
        tpu.enqueue_indirect_dma source(%dma_start3A_865 : memref<100000x128xf32, #tpu.memory_space<hbm>>) target(%arg12 : memref<100x128xf32, #tpu.memory_space<vmem>>) offsets(%arg8 : memref<100xi32, #tpu.memory_space<vmem>>) semaphore(%arg17 : memref<!tpu.dma_semaphore, #tpu.memory_space<semaphore_mem>>)
      } else {
      }
    }
    %scan3A_81 = arith.constant 16 : i32
    %mul3A_82 = arith.constant 128 : i32
    %mul3A_83 = arith.muli %add3A, %mul3A_82 : i32
    "tpu.region"() ({
      %run_scoped3A = tpu.sem_alloc : memref<!tpu.dma_semaphore, #tpu.memory_space<semaphore_mem>>
      %dma_start3A_84 = arith.constant 0 : i32
      %dma_start3A_85 = tpu.memref_slice %arg4[%mul3A_83, %dma_start3A_84] : memref<4096x128xf32, #tpu.memory_space<hbm>> -> memref<128x128xf32, #tpu.memory_space<hbm>>
      %dma_start3A_86 = arith.constant 0 : i32
      %dma_start3A_87 = tpu.memref_slice %arg4[%mul3A_83, %dma_start3A_86] : memref<4096x128xf32, #tpu.memory_space<hbm>> -> memref<128x128xf32, #tpu.memory_space<hbm>>
      tpu.enqueue_dma source(%arg13 : memref<128x128xf32, #tpu.memory_space<vmem>>) target(%dma_start3A_87 : memref<128x128xf32, #tpu.memory_space<hbm>>) target_semaphore(%run_scoped3A : memref<!tpu.dma_semaphore, #tpu.memory_space<semaphore_mem>>)
      %dma_wait3A_88 = arith.constant 0 : i32
      %dma_wait3A_89 = tpu.memref_slice %arg4[%mul3A_83, %dma_wait3A_88] : memref<4096x128xf32, #tpu.memory_space<hbm>> -> memref<128x128xf32, #tpu.memory_space<hbm>>
      %dma_wait3A_90 = arith.constant 0 : i32
      %dma_wait3A_91 = tpu.memref_slice %arg4[%mul3A_83, %dma_wait3A_90] : memref<4096x128xf32, #tpu.memory_space<hbm>> -> memref<128x128xf32, #tpu.memory_space<hbm>>
      tpu.wait_dma2 semaphore(%run_scoped3A : memref<!tpu.dma_semaphore, #tpu.memory_space<semaphore_mem>>) src(%arg13 : memref<128x128xf32, #tpu.memory_space<vmem>>) dst(%dma_wait3A_91 : memref<128x128xf32, #tpu.memory_space<hbm>>)
      tpu.yield
    }) : () -> ()
    return
  }
}

module attributes {stable_mosaic.version = 14 : i64} {
  func.func @_mlp_body(%arg0: i32, %arg1: memref<512x128xf32, #tpu.memory_space<vmem>>, %arg2: memref<128x512xbf16, #tpu.memory_space<vmem>>, %arg3: memref<1x512xf32, #tpu.memory_space<vmem>>, %arg4: memref<512x1000xbf16, #tpu.memory_space<vmem>>, %arg5: memref<1x1000xf32, #tpu.memory_space<vmem>>, %arg6: memref<512x1000xf32, #tpu.memory_space<vmem>>) attributes {dimension_semantics = [#tpu.dimension_semantics<arbitrary>], iteration_bounds = array<i64: 8>, scalar_prefetch = 0 : i64, scratch_operands = 0 : i64, tpu.core_type = #tpu.core_type<tc>, window_params = [{transform_indices = @transform_0, window_bounds = array<i64: 512, 128>}, {pipeline_mode = #tpu.pipeline_mode<synchronous>, transform_indices = @transform_1, window_bounds = array<i64: 128, 512>}, {pipeline_mode = #tpu.pipeline_mode<synchronous>, transform_indices = @transform_2, window_bounds = array<i64: 1, 512>}, {pipeline_mode = #tpu.pipeline_mode<synchronous>, transform_indices = @transform_3, window_bounds = array<i64: 512, 1000>}, {pipeline_mode = #tpu.pipeline_mode<synchronous>, transform_indices = @transform_4, window_bounds = array<i64: 1, 1000>}, {transform_indices = @transform_5, window_bounds = array<i64: 512, 1000>}]} {
    %get3A = arith.constant 0 : index
    %get3A_0 = arith.constant 0 : index
    %get3A_1 = vector.load %arg1[%get3A, %get3A_0] : memref<512x128xf32, #tpu.memory_space<vmem>>, vector<512x128xf32>
    %convert_element_type3A = arith.truncf %get3A_1 : vector<512x128xf32> to vector<512x128xbf16>
    %get3A_2 = arith.constant 0 : index
    %get3A_3 = arith.constant 0 : index
    %get3A_4 = vector.load %arg2[%get3A_2, %get3A_3] : memref<128x512xbf16, #tpu.memory_space<vmem>>, vector<128x512xbf16>
    %dot_general3A = arith.constant dense<0.000000e+00> : vector<512x512xf32>
    %dot_general3A_5 = tpu.matmul %convert_element_type3A, %get3A_4, %dot_general3A {dimension_numbers = #tpu.dot_dimension_numbers<[1], [0], [0], [1], [0, 0, 1, 1], [], []>, transpose_lhs_hint = false} : vector<512x128xbf16>, vector<128x512xbf16>, vector<512x512xf32> -> vector<512x512xf32>
    %get3A_6 = arith.constant 0 : index
    %get3A_7 = arith.constant 0 : index
    %get3A_8 = vector.load %arg3[%get3A_6, %get3A_7] : memref<1x512xf32, #tpu.memory_space<vmem>>, vector<1x512xf32>
    %add3A = vector.broadcast %get3A_8 : vector<1x512xf32> to vector<512x512xf32>
    %add3A_9 = arith.addf %dot_general3A_5, %add3A : vector<512x512xf32>
    %max3A = arith.constant 0.000000e+00 : f32
    %max3A_10 = vector.broadcast %max3A : f32 to vector<512x512xf32>
    %max3A_11 = arith.maximumf %add3A_9, %max3A_10 : vector<512x512xf32>
    %convert_element_type3A_12 = arith.truncf %max3A_11 : vector<512x512xf32> to vector<512x512xbf16>
    %get3A_13 = arith.constant 0 : index
    %get3A_14 = arith.constant 0 : index
    %get3A_15 = vector.load %arg4[%get3A_13, %get3A_14] : memref<512x1000xbf16, #tpu.memory_space<vmem>>, vector<512x1000xbf16>
    %dot_general3A_16 = arith.constant dense<0.000000e+00> : vector<512x1000xf32>
    %dot_general3A_17 = tpu.matmul %convert_element_type3A_12, %get3A_15, %dot_general3A_16 {dimension_numbers = #tpu.dot_dimension_numbers<[1], [0], [0], [1], [0, 0, 1, 1], [], []>, transpose_lhs_hint = false} : vector<512x512xbf16>, vector<512x1000xbf16>, vector<512x1000xf32> -> vector<512x1000xf32>
    %get3A_18 = arith.constant 0 : index
    %get3A_19 = arith.constant 0 : index
    %get3A_20 = vector.load %arg5[%get3A_18, %get3A_19] : memref<1x1000xf32, #tpu.memory_space<vmem>>, vector<1x1000xf32>
    %add3A_21 = vector.broadcast %get3A_20 : vector<1x1000xf32> to vector<512x1000xf32>
    %add3A_22 = arith.addf %dot_general3A_17, %add3A_21 : vector<512x1000xf32>
    %swap3A = arith.constant 0 : index
    %swap3A_23 = arith.constant 0 : index
    %swap3A_24 = vector.load %arg6[%swap3A, %swap3A_23] : memref<512x1000xf32, #tpu.memory_space<vmem>>, vector<512x1000xf32>
    tpu.vector_store %arg6[%swap3A, %swap3A_23], %add3A_22 {strides = array<i32>} : memref<512x1000xf32, #tpu.memory_space<vmem>>, vector<512x1000xf32>,
    return
  }
  func.func @transform_0(%arg0: i32) -> (i32, i32) {
    %c0_i32 = arith.constant 0 : i32
    %c0_i32_0 = arith.constant 0 : i32
    return %arg0, %c0_i32 : i32, i32
  }
  func.func @transform_1(%arg0: i32) -> (i32, i32) {
    %c0_i32 = arith.constant 0 : i32
    %c0_i32_0 = arith.constant 0 : i32
    %c0_i32_1 = arith.constant 0 : i32
    return %c0_i32, %c0_i32_0 : i32, i32
  }
  func.func @transform_2(%arg0: i32) -> (i32, i32) {
    %c0_i32 = arith.constant 0 : i32
    %c0_i32_0 = arith.constant 0 : i32
    %c0_i32_1 = arith.constant 0 : i32
    return %c0_i32, %c0_i32_0 : i32, i32
  }
  func.func @transform_3(%arg0: i32) -> (i32, i32) {
    %c0_i32 = arith.constant 0 : i32
    %c0_i32_0 = arith.constant 0 : i32
    %c0_i32_1 = arith.constant 0 : i32
    return %c0_i32, %c0_i32_0 : i32, i32
  }
  func.func @transform_4(%arg0: i32) -> (i32, i32) {
    %c0_i32 = arith.constant 0 : i32
    %c0_i32_0 = arith.constant 0 : i32
    %c0_i32_1 = arith.constant 0 : i32
    return %c0_i32, %c0_i32_0 : i32, i32
  }
  func.func @transform_5(%arg0: i32) -> (i32, i32) {
    %c0_i32 = arith.constant 0 : i32
    %c0_i32_0 = arith.constant 0 : i32
    return %arg0, %c0_i32 : i32, i32
  }
}

</mosaic_0001>

<sc_bundles>
// kernel: kernel.4.cloned.1.call-start
scs
__scs_entry_jumppad:
0x0: {  	(pc) =	sbr.rel $0x88, $3  }
0x1: {  	(tag) =	ssettag $0x0;
	lr =	simm.s32 $0x1  }
0x2: {  	[smem:$0x3F9B] =	sst lr;
	_ =	strace $0xD0000000  }
0x3: {  	_ = 	snop  }
0x4: {  	_ = 	snop  }
0x5: {  	_ = 	snop  }
0x6: {  	_ = 	snop  }
0x7: {  	_ = 	snop  }
__scs_overlays_trampoline_lowered:
0x8: {  	[smem:$0x3FAA] =	sst s0  }
0x9: {  	[smem:$0x3FAB] =	sst s1  }
0xa: {  	[smem:$0x3FAC] =	sst s2  }
0xb: {  	[smem:$0x3FAD] =	sst s3  }
0xc: {  	[smem:$0x3FAE] =	sst s4  }
0xd: {  	[smem:$0x3FAF] =	sst s5  }
0xe: {  	[smem:$0x3FB0] =	sst s6  }
0xf: {  	[smem:$0x3FB1] =	sst s7  }
0x10: {  	[smem:$0x3FB2] =	sst s8  }
0x11: {  	[smem:$0x3FB3] =	sst s9;
	s0 =	simm.s32 @!p0 $0x0  }
0x12: {  	s1 =	sld [smem:$0x3F99];
	s0 =	simm.s32 @p0 $0x1  }
0x13: {  	[smem:$0x3FB4] =	sst s0;
	s0 =	simm.s32 @!p1 $0x0  }
0x14: {  	s2 =	sld [smem:$0x3F98];
	s0 =	simm.s32 @p1 $0x1  }
0x15: {  	[smem:$0x3FB5] =	sst s0;
	s0 =	simm.s32 @!p2 $0x0  }
0x16: {  	s3 =	sld [smem:$0x3FDB];
	s0 =	simm.s32 @p2 $0x1  }
0x17: {  	s4 =	simm.s32 $0x1BF5;
	[smem:$0x3FB7] =	sst s0  }
0x18: {  	s0 =	sld [smem:$0x3F9A];
	_ =	swait.ge [sflag:s4], $0x0  }
0x19: {  	s7 =	sld [smem:$0x3F9B]  }
0x1a: {  	s8 =	sadd.s32 $0xFFFFE003, lr  }
0x1b: {  	s9 =	sadd.s32 $0xFFFFFEF7, lr;
	s5 =	simm.s32 $0xFFFFFFFF;
	p2 =	slt.u32 s8, $0xFFFFF086  }
0x1c: {  	p1 =	slt.u32 s9, $0xF7A;
	s5 =	simm.s32 @!p2 $0x0  }
0x1d: {  	s5 =	simm.s32 @p1 $0x1;
	p0 =	seq.s32 s7, s2  }
0x1e: {  	s7 =	smul.u32 @!p0 $0xF7A, s2;
	p2 =	seq.s32 @!p0 s5, $0x0  }
0x1f: {  	s9 =	smul.u32 $0xF7A, s1;
	s8 =	simm.s32 @!p0 $0x1BF5;
	p2 =	por !p2, p0  }
0x20: {  	[sflag:s8] =	ssyncset.s32 @!p0 $0xFFFFF086;
	s6 =	sadd.s32 @!p0 s3, s7;
	s7 =	simm.s32 @!p0 $0x108  }
0x21: {  	s3 =	sadd.s32 s3, s9;
	s6 =	sadd.s32 @!p0 $0x88, s6;
	s7 =	simm.s32 @p2 $0x1082  }
0x22: {  	[simem:s7], [sflag:s8] =	dma.local @!p0 [hbm:s6], $0xF7A  }
0x23: {  	s9 =	sor.u32 $0xD0000000, s2;
	s6 =	simm.s32 $0x108;
	_ =	swait.ge @!p0 [sflag:s8], $0x0  }
0x24: {  	s3 =	sadd.s32 $0x88, s3;
	s6 =	simm.s32 @!p1 $0x1082;
	[sflag:s4] =	ssyncset.s32 $0xFFFFF086  }
0x25: {  	[simem:s6], [sflag:s4] =	dma.local [hbm:s3], $0xF7A  }
0x26: {  	[smem:$0x3F9B] =	sst s1;
	(tag) =	ssettag s2;
	_ =	strace s9  }
0x27: {  	s1 =	sld [smem:$0x3FAB]  }
0x28: {  	s2 =	sld [smem:$0x3FAC]  }
0x29: {  	s4 =	sld [smem:$0x3FAE]  }
0x2a: {  	p0 =	seq.s32 s5, $0x0;
	s5 =	sld [smem:$0x3FAF]  }
0x2b: {  	s6 =	sld [smem:$0x3FB0]  }
0x2c: {  	s7 =	sld [smem:$0x3FB1]  }
0x2d: {  	s3 =	simm.s32 $0x108;
	s8 =	sld [smem:$0x3FB2]  }
0x2e: {  	s3 =	simm.s32 @!p0 $0x1082;
	s9 =	sld [smem:$0x3FB3]  }
0x2f: {  	lr =	sadd.s32 s0, s3;
	s0 =	sld [smem:$0x3FAA]  }
0x30: {  	s3 =	sld [smem:$0x3FAD]  }
0x31: {  	[smem:$0x3FB6] =	sst s10  }
0x32: {  	s10 =	sld [smem:$0x3FB4];
	_ =	sdelay $0x3  }
0x33: {  	p0 =	seq.s32 s10, $0x1;
	s10 =	sld [smem:$0x3FB6];
	_ =	sdelay $0x3  }
0x34: {  	[smem:$0x3FB6] =	sst s10  }
0x35: {  	s10 =	sld [smem:$0x3FB5];
	_ =	sdelay $0x3  }
0x36: {  	p1 =	seq.s32 s10, $0x1;
	s10 =	sld [smem:$0x3FB6];
	_ =	sdelay $0x3  }
0x37: {  	[smem:$0x3FB6] =	sst s10  }
0x38: {  	s10 =	sld [smem:$0x3FB7]  }
0x39: {  	_ = 	snop;
	(pc) =	sbr.ind lr, $3  }
0x3a: {  	_ = 	snop  }
0x3b: {  	_ = 	snop  }
0x3c: {  	p2 =	seq.s32 s10, $0x1;
	s10 =	sld [smem:$0x3FB6]  }
0x3d: {  	_ =	shalt  }
0x3e: {  	_ =	shalt  }
0x3f: {  	_ =	shalt  }
0x40: {  	_ =	shalt  }
0x41: {  	_ =	shalt  }
0x42: {  	_ =	shalt  }
0x43: {  	_ =	shalt  }
0x44: {  	_ =	shalt  }
0x45: {  	_ =	shalt  }
0x46: {  	_ =	shalt  }
0x47: {  	_ =	shalt  }
0x48: {  	_ =	shalt  }
0x49: {  	_ =	shalt  }
0x4a: {  	_ =	shalt  }
0x4b: {  	_ =	shalt  }
0x4c: {  	_ =	shalt  }
0x4d: {  	_ =	shalt  }
0x4e: {  	_ =	shalt  }
0x4f: {  	_ =	shalt  }
0x50: {  	_ =	shalt  }
0x51: {  	_ =	shalt  }
0x52: {  	_ =	shalt  }
0x53: {  	_ =	shalt  }
0x54: {  	_ =	shalt  }
0x55: {  	_ =	shalt  }
0x56: {  	_ =	shalt  }
0x57: {  	_ =	shalt  }
0x58: {  	_ =	shalt  }
0x59: {  	_ =	shalt  }
0x5a: {  	_ =	shalt  }
0x5b: {  	_ =	shalt  }
0x5c: {  	_ =	shalt  }
0x5d: {  	_ =	shalt  }
0x5e: {  	_ =	shalt  }
0x5f: {  	_ =	shalt  }
0x60: {  	_ =	shalt  }
0x61: {  	_ =	shalt  }
0x62: {  	_ =	shalt  }
0x63: {  	_ =	shalt  }
0x64: {  	_ =	shalt  }
0x65: {  	_ =	shalt  }
0x66: {  	_ =	shalt  }
0x67: {  	_ =	shalt  }
0x68: {  	_ =	shalt  }
0x69: {  	_ =	shalt  }
0x6a: {  	_ =	shalt  }
0x6b: {  	_ =	shalt  }
0x6c: {  	_ =	shalt  }
0x6d: {  	_ =	shalt  }
0x6e: {  	_ =	shalt  }
0x6f: {  	_ =	shalt  }
0x70: {  	_ =	shalt  }
0x71: {  	_ =	shalt  }
0x72: {  	_ =	shalt  }
0x73: {  	_ =	shalt  }
0x74: {  	_ =	shalt  }
0x75: {  	_ =	shalt  }
0x76: {  	_ =	shalt  }
0x77: {  	_ =	shalt  }
0x78: {  	_ =	shalt  }
0x79: {  	_ =	shalt  }
0x7a: {  	_ =	shalt  }
0x7b: {  	_ =	shalt  }
0x7c: {  	_ =	shalt  }
0x7d: {  	_ =	shalt  }
0x7e: {  	_ =	shalt  }
0x7f: {  	_ =	shalt  }
0x80: {  	_ =	shalt  }
0x81: {  	_ =	shalt  }
0x82: {  	_ =	shalt  }
0x83: {  	_ =	shalt  }
0x84: {  	_ =	shalt  }
0x85: {  	_ =	shalt  }
0x86: {  	_ =	shalt  }
0x87: {  	_ =	shalt  }
.Lfunc_end0:
.L_simem_size_0:
called_computation_lowered:
.L_overlay_start_0:
0x88: {  	s2 =	sld [smem:$0x3FD9]  }
0x89: {  	s3 =	sld [smem:$0x3FFE];
	_ =	sdelay $0x1  }
0x8a: {  	s1 =	srdreg.scid  }
0x8b: {  	s0 =	sand.u32 $0x1, s1  }
0x8c: {  	s17 =	sshll.u32 s0, $0xA;
	s2 =	sadd.s32 s3, s2  }
0x8d: {  	s2 =	sadd.s32 s2, s17  }
0x8e: {  	[smem:$0x3FC2] =	sst s2  }
0x8f: {  	_ = 	snop  }
0x90: {  	s2 =	sld [smem:$0x3FC8]  }
0x91: {  	s18 =	sld [smem:$0x3FD0];
	(tm) =	ssettm $0x1  }
0x92: {  	s4 =	sld [smem:$0x3FFB];
	_ =	sdelay $0x3  }
0x93: {  	_ =	strace s4  }
0x94: {  	s4 =	sld [smem:$0x3FFC];
	_ =	sdelay $0x3  }
0x95: {  	_ =	strace s4  }
0x96: {  	s4 =	sld [smem:$0x3FFD];
	_ =	sdelay $0x3  }
0x97: {  	_ =	strace s4  }
0x98: {  	_ =	strace $0x8FFFFFFF  }
0x99: {  	s19 =	sld [smem:$0x3FDB];
	_ =	sdelay $0x1  }
0x9a: {  	s5 =	simm.s32 $_scs_section_size  }
0x9b: {  	s6 =	simm.s32 $_size__tile_overlayer_lowered;
	s7 =	simm.s32 $_tile_overlayer_lowered  }
0x9c: {  	s22 =	simm.s32 $0x1BFF;
	s21 =	sshll.u32 s7, $0x1;
	s4 =	sadd.s32 s5, s19  }
0x9d: {  	s8 =	simm.s32 $0x0;
	s20 =	sshll.u32 s6, $0x1;
	s6 =	sadd.s32 s21, s4  }
0x9e: {  	[timem:s8], [sflag:s22] =	dma.local [hbm:s6], s20  }
0x9f: {  	_ =	swait.ge [sflag:s22], s20  }
0xa0: {  	s5 =	ssub.s32 $0x0, s20;
	[sflag:s22] =	ssyncset.done $0x0  }
0xa1: {  	[sflag:s22] =	ssyncadd.s32 s5;
	_ =	sdelay $0x1  }
0xa2: {  	s23 =	simm.s32 $0x1B8B  }
0xa3: {  	_ =	swait.ge [sflag:s23], $0x1  }
0xa4: {  	[sflag:s23] =	ssyncset.done $0x0  }
0xa5: {  	s25 =	simm.s32 $0x1B8E;
	s24 =	sld [smem:$0x3FFE];
	[sflag:s23] =	ssyncadd.s32 $0xFFFFFFFF  }
0xa6: {  	s26 =	simm.s32 $execute0_lowered;
	[smem:$0x3FD2] =	sst s25  }
0xa7: {  	s6 =	sshll.u32 s26, $0x1;
	_ =	strace $0x80000046;
	[dreg:$0x1] =	wrdreg $0xFFFFFFFF  }
0xa8: {  	s28 =	simm.s32 $_size_execute0_lowered;
	s4 =	sadd.s32 s4, s6;
	[dreg:$0x0] =	wrdreg $0x0  }
0xa9: {  	s6 =	sshll.u32 s28, $0x1;
	[dreg:$0x2] =	wrdreg s4  }
0xaa: {  	[dreg:$0x3] =	wrdreg s6  }
0xab: {  	[dreg:$0x4] =	wrdreg $0xC0  }
0xac: {  	_ =	task [dreg:s8], $0x5FFFF  }
0xad: {  	[dreg:$0x1] =	wrdreg $0xFFFFFFFF  }
0xae: {  	[dreg:$0x0] =	wrdreg $0x60  }
0xaf: {  	[dreg:$0x2] =	wrdreg s24  }
0xb0: {  	[dreg:$0x3] =	wrdreg s2  }
0xb1: {  	[dreg:$0x4] =	wrdreg s18  }
0xb2: {  	[dreg:$0x5] =	wrdreg $0x9  }
0xb3: {  	_ =	task.clear_ibuf [dreg:s8], $0x6FFFF;
	_ =	strace $0x90000046  }
0xb4: {  	s29 =	simm.s32 $0x9;
	_ =	strace $0x80000048  }
0xb5: {  	_ =	swait.ge [sflag:s29], $0x1  }
0xb6: {  	[sflag:s29] =	ssyncadd.s32 $0xFFFFFFFF  }
0xb7: {  	_ =	strace $0x90000048  }
0xb8: {  	_ =	sfence  }
0xb9: {  	s30 =	sld [smem:$0x0];
	_ =	sdelay $0x2  }
0xba: {  	s31 =	sshll.u32 s1, $0xD;
	s1 =	sshrl.u32 s1, $0x2  }
0xbb: {  	s3 =	sand.u32 $0x4000, s31;
	s1 =	sadd.s32 s1, s30  }
0xbc: {  	s0 =	sor.u32 s3, s0;
	s1 =	sshll.u32 s1, $0x11  }
0xbd: {  	s0 =	sor.u32 s1, s0  }
0xbe: {  	s0 =	sadd.s32 $0x8F2B, s0  }
0xbf: {  	[sflag:s0] =	ssyncadd.remote.s32 $0x1  }
0xc0: {  	_ =	sfence.sel $0xFFFF  }
0xc1: {  	[dreg:$0x0] =	wrdreg $0xFFFFFFFF;
	(pc) =	sbr.abs _section_cstart, $3  }
0xc2: {  	[dreg:$0x1] =	wrdreg $0xFFFFFFFF  }
0xc3: {  	_ =	task.clear_ibuf [dreg:s8], $0x2FFFF;
	_ =	strace $0x9FFFFFFF  }
0xc4: {  	(tm) =	ssettm $0x7FFFFFFF  }
0xc5: {  	_ =	shalt  }
tec
execute0_lowered:
.L_overlay_start_1:
0x0: {  	(tag) =	ssettag $0x1  }
0x1: {  	s0 =	rddreg [dreg:$0x0]  }
0x2: {  	s2 =	rddreg [dreg:$0x1]  }
0x3: {  	s1 =	rddreg [dreg:$0x2]  }
0x4: {  	s4 =	srdreg.scid;
	s5 =	stileid.u32  }
0x5: {  	s3 =	simm.s32 $0x0;
	s12 =	simm.s32 $0x80;
	s13 =	simm.s32 $0x100  }
0x6: {  	s14 =	simm.s32 $0x180;
	s15 =	simm.s32 $0x5;
	s16 =	simm.s32 $0x64  }
0x7: {  	s18 =	simm.s32 $0x6;
	s20 =	simm.s32 $0x7;
	s22 =	simm.s32 $0x8  }
0x8: {  	s23 =	simm.s32 $0x9E00;
	s24 =	simm.s32 $0x1;
	s25 =	simm.s32 $0x2  }
0x9: {  	s26 =	simm.s32 $0x3;
	s28 =	simm.s32 $0x4;
	s30 =	simm.s32 $0x9  }
0xa: {  	s31 =	simm.s32 $0x0;
	s4 =	sand.u32 $0x1, s4;
	s5 =	sshll.u32 s5, $0x1  }
0xb: {  	[smem:$0x7FF] =	sst s3;
	s11 =	sadd.s32 $0xE40, s0;
	s7 =	sor.u32 s4, s5  }
.Ltmp0:
0xc: {  	s4 =	ssub.s32 $0x2, s4;
	_ =	strace $0x80000047;
	(pc) =	sbr.rel .LBB2_1-.Ltmp0, $4  }
0xd: {  	s5 =	sshll.u32 s7, $0xA;
	s6 =	sshrl.u32 s4, $0x1;
	s9 =	sshll.u32 s7, $0xB  }
0xe: {  	s8 =	sadd.s32 s5, s0;
	s10 =	ssub.s32 s4, s6;
	s4 =	sshll.u32 s7, $0x6  }
0xf: {  	s9 =	sadd.s32 s1, s9;
	s5 =	sadd.s32 $0xE00, s8;
	s6 =	sadd.s32 $0xE10, s8  }
0x10: {  	s7 =	sadd.s32 $0xE20, s8;
	s8 =	sadd.s32 $0xE30, s8;
	s10 =	smax.u32 s10, $0x1  }
.LBB2_12:
0x11: {  	s31 =	sadd.s32 $0x1, s31  }
0x12: {  	p0 =	sne.s32 s31, s10  }
.Ltmp1:
0x13: {  	s0 =	simm.s32 $0xD200;
	(pc) =	sbr.rel @!p0 .LBB2_13-.Ltmp1, $4  }
0x14: {  	[hbm4b:s9+s3] =	stream.linear.scatter [tilespmem:s0], [sflag:$0x9], $0x4000, $0x38;
	[tilespmem:$0x11200] =	vst v63  }
0x15: {  	_ =	swait.ge [sflag:s30], $0x4000  }
0x16: {  	[sflag:s30] =	ssyncset.done $0x0  }
0x17: {  	[sflag:s30] =	ssyncadd.s32 $0xFFFFC000  }
.LBB2_1:
0x18: {  	[tilespmem:s3], [sflag:$0x5] =	stream.linear.gather [hbm4b:s5+s3], $0x80, $0x38;
	[tilespmem:$0x11200] =	vst v63  }
0x19: {  	_ = 	snop  }
0x1a: {  	[tilespmem:s12], [sflag:$0x6] =	stream.linear.gather [hbm4b:s6+s3], $0x80, $0x38;
	[tilespmem:$0x11200] =	vst v63  }
0x1b: {  	_ = 	snop  }
0x1c: {  	[tilespmem:s13], [sflag:$0x7] =	stream.linear.gather [hbm4b:s7+s3], $0x80, $0x38;
	[tilespmem:$0x11200] =	vst v63  }
0x1d: {  	_ = 	snop  }
0x1e: {  	[tilespmem:s14], [sflag:$0x8] =	stream.linear.gather [hbm4b:s8+s3], $0x80, $0x38;
	[tilespmem:$0x11200] =	vst v63  }
0x1f: {  	_ =	swait.ge [sflag:s15], $0x80  }
0x20: {  	[sflag:s15] =	ssyncset.done $0x0  }
0x21: {  	s0 =	simm.s32 $0x200;
	[sflag:s15] =	ssyncadd.s32 $0xFFFFFF80  }
0x22: {  	[tilespmem:s0], [sflag:$0x1] =	stream.indirect.gather [hbm4b:s2+s16], $0x80, s3, s16, $0xb8;
	[tilespmem:$0x11200] =	vst v63  }
0x23: {  	_ =	swait.ge [sflag:s18], $0x80  }
0x24: {  	[sflag:s18] =	ssyncset.done $0x0  }
0x25: {  	s21 =	simm.s32 $0x3600;
	[sflag:s18] =	ssyncadd.s32 $0xFFFFFF80  }
0x26: {  	[tilespmem:s21], [sflag:$0x2] =	stream.indirect.gather [hbm4b:s2+s16], $0x80, s12, s16, $0xb8;
	[tilespmem:$0x11200] =	vst v63  }
0x27: {  	_ =	swait.ge [sflag:s20], $0x80  }
0x28: {  	[sflag:s20] =	ssyncset.done $0x0  }
0x29: {  	s29 =	simm.s32 $0x6A00;
	[sflag:s20] =	ssyncadd.s32 $0xFFFFFF80  }
0x2a: {  	[tilespmem:s29], [sflag:$0x3] =	stream.indirect.gather [hbm4b:s2+s16], $0x80, s13, s16, $0xb8;
	[tilespmem:$0x11200] =	vst v63  }
0x2b: {  	_ =	swait.ge [sflag:s22], $0x80  }
0x2c: {  	[sflag:s22] =	ssyncset.done $0x0  }
0x2d: {  	s0 =	simm.s32 $0x0;
	[sflag:s22] =	ssyncadd.s32 $0xFFFFFF80  }
0x2e: {  	[tilespmem:s23], [sflag:$0x4] =	stream.indirect.gather [hbm4b:s2+s16], $0x80, s14, s16, $0xb8;
	[tilespmem:$0x11200] =	vst v63  }
.LBB2_2:
0x2f: {  	s1 =	sshll.u32 s0, $0x2;
	p0 =	seq.s32 s0, $0xF  }
0x30: {  	_ =	swait.ge [sflag:s24], $0x3200;
	s17 =	sadd.s32 @!p0 s4, s1  }
0x31: {  	[sflag:s24] =	ssyncset.done $0x0;
	s17 =	sshll.u32 @!p0 s17, $0x4  }
0x32: {  	s19 =	simm.s32 @!p0 $0x0;
	[sflag:s24] =	ssyncadd.s32 $0xFFFFCE00;
	s17 =	sadd.s32 @!p0 s11, s17  }
0x33: {  	[tilespmem:s19], [sflag:$0x5] =	stream.linear.gather @!p0 [hbm4b:s17+s19], $0x80, $0x38;
	[tilespmem:$0x11200] =	vst v63  }
0x34: {  	s17 =	simm.s32 $0x80  }
0x35: {  	v7 =	vld [tilespmem:s17+$0x200]  }
0x36: {  	v8 =	vld [tilespmem:s17+$0x210]  }
0x37: {  	v9 =	vld [tilespmem:s17+$0x220]  }
0x38: {  	v10 =	vld [tilespmem:s17+$0x230]  }
0x39: {  	v11 =	vld [tilespmem:s17+$0x240]  }
0x3a: {  	v15 =	vld [tilespmem:s17+$0x250]  }
0x3b: {  	v19 =	vld [tilespmem:s17+$0x260]  }
0x3c: {  	v20 =	vld [tilespmem:s17+$0x270]  }
0x3d: {  	v6 =	vld [tilespmem:s17+$0x1B00]  }
0x3e: {  	v5 =	vld [tilespmem:s17+$0x1B10]  }
0x3f: {  	v3 =	vld [tilespmem:s17+$0x1B20]  }
0x40: {  	v2 =	vld [tilespmem:s17+$0x1B30]  }
0x41: {  	v0 =	vld [tilespmem:s17+$0x180]  }
0x42: {  	v1 =	vld [tilespmem:s17+$0x190]  }
0x43: {  	v12 =	vld [tilespmem:s17+$0x1A0]  }
0x44: {  	v13 =	vld [tilespmem:s17+$0x1B0]  }
0x45: {  	v16 =	vld [tilespmem:s17+$0x1C0]  }
0x46: {  	v18 =	vld [tilespmem:s17+$0x1D0]  }
0x47: {  	v4 =	vimm.f32 $0.0e+00;
	v21 =	vld [tilespmem:s17+$0x1E0]  }
0x48: {  	v23 =	vld [tilespmem:s17+$0x1F0];
	v14 =	vadd.f32 v0, v4;
	v22 =	vadd.f32 v1, v4  }
0x49: {  	v25 =	vld [tilespmem:s17+$0x1A80];
	v12 =	vadd.f32 v12, v4;
	v24 =	vadd.f32 v13, v4  }
0x4a: {  	v26 =	vld [tilespmem:s17+$0x1A90];
	v17 =	vadd.f32 v7, v14;
	v13 =	vadd.f32 v8, v22  }
0x4b: {  	v27 =	vld [tilespmem:s17+$0x1AA0];
	v14 =	vadd.f32 v9, v12;
	v12 =	vadd.f32 v10, v24  }
0x4c: {  	v28 =	vld [tilespmem:s17+$0x1AB0];
	v7 =	vadd.f32 v16, v4;
	v8 =	vadd.f32 v18, v4  }
0x4d: {  	v0 =	vld [tilespmem:s17+$0x1B40];
	v9 =	vadd.f32 v21, v4;
	v10 =	vadd.f32 v23, v4  }
0x4e: {  	v1 =	vld [tilespmem:s17+$0x1B50];
	v18 =	vadd.f32 v11, v7;
	v16 =	vadd.f32 v15, v8  }
0x4f: {  	v22 =	vld [tilespmem:s17+$0x1AC0];
	v21 =	vimm.f32 $0.0e+00;
	v15 =	vadd.f32 v19, v9;
	v9 =	vadd.f32 v20, v10  }
0x50: {  	v23 =	vld [tilespmem:s17+$0x1AD0];
	v20 =	vimm.f32 $0.0e+00;
	v19 =	vimm.f32 $0.0e+00;
	v11 =	vimm.f32 $0.0e+00  }
0x51: {  	s19 =	simm.s32 $0x600;
	v24 =	vld [tilespmem:s17+$0x1AE0];
	v10 =	vimm.f32 $0.0e+00;
	v8 =	vimm.f32 $0.0e+00;
	v7 =	vimm.f32 $0.0e+00  }
.LBB2_3:
0x52: {  	p1 =	sne.s32 s19, $0x6200;
	v4 =	vadd.f32 v25, v4;
	v20 =	vadd.f32 v26, v20;
	v25 =	vld [tilespmem:s17+$0x1AF0]  }
0x53: {  	v21 =	vadd.f32 v27, v21;
	v19 =	vadd.f32 v28, v19;
	v26 =	vld [tilespmem:s17+$0x1B60]  }
0x54: {  	v4 =	vadd.f32 v6, v4;
	v20 =	vadd.f32 v5, v20;
	v5 =	vld [tilespmem:s17+$0x1B70];
	s17 =	sshra.s32 s19, $0x2  }
0x55: {  	v21 =	vadd.f32 v3, v21;
	v27 =	vld [tilespmem:s17+$0x200];
	v19 =	vadd.f32 v2, v19  }
0x56: {  	v2 =	vadd.f32 v22, v11;
	v3 =	vadd.f32 v23, v10;
	v28 =	vld [tilespmem:s17+$0x210]  }
0x57: {  	v6 =	vadd.f32 v24, v8;
	v22 =	vld [tilespmem:s17+$0x220];
	v7 =	vadd.f32 v25, v7  }
0x58: {  	v11 =	vadd.f32 v0, v2;
	v10 =	vadd.f32 v1, v3;
	v23 =	vld [tilespmem:s17+$0x230]  }
0x59: {  	v8 =	vadd.f32 v26, v6;
	v24 =	vld [tilespmem:s17+$0x240];
	v7 =	vadd.f32 v5, v7  }
0x5a: {  	v29 =	vld [tilespmem:s17+$0x250]  }
0x5b: {  	v30 =	vld [tilespmem:s17+$0x260]  }
0x5c: {  	v31 =	vld [tilespmem:s17+$0x270]  }
0x5d: {  	v6 =	vld [tilespmem:s17+$0x1B00]  }
0x5e: {  	v5 =	vld [tilespmem:s17+$0x1B10]  }
0x5f: {  	v3 =	vld [tilespmem:s17+$0x1B20]  }
0x60: {  	v2 =	vld [tilespmem:s17+$0x1B30]  }
0x61: {  	v0 =	vld [tilespmem:s17+$0x1B40]  }
0x62: {  	v1 =	vld [tilespmem:s17+$0x1B50]  }
0x63: {  	v25 =	vld [tilespmem:s17+$0x180]  }
0x64: {  	v26 =	vld [tilespmem:s17+$0x190]  }
0x65: {  	v32 =	vld [tilespmem:s17+$0x1A0]  }
0x66: {  	v33 =	vld [tilespmem:s17+$0x1B0]  }
0x67: {  	v34 =	vld [tilespmem:s17+$0x1C0]  }
0x68: {  	v35 =	vld [tilespmem:s17+$0x1D0]  }
0x69: {  	v36 =	vld [tilespmem:s17+$0x1E0]  }
0x6a: {  	v17 =	vadd.f32 v25, v17;
	v13 =	vadd.f32 v26, v13;
	v37 =	vld [tilespmem:s17+$0x1F0]  }
0x6b: {  	v14 =	vadd.f32 v32, v14;
	v12 =	vadd.f32 v33, v12;
	v25 =	vld [tilespmem:s17+$0x1A80]  }
0x6c: {  	v17 =	vadd.f32 v27, v17;
	v13 =	vadd.f32 v28, v13;
	v26 =	vld [tilespmem:s17+$0x1A90]  }
.Ltmp2:
0x6d: {  	v14 =	vadd.f32 v22, v14;
	v27 =	vld [tilespmem:s17+$0x1AA0];
	v12 =	vadd.f32 v23, v12;
	(pc) =	sbr.rel @p1 .LBB2_3-.Ltmp2, $4  }
0x6e: {  	v18 =	vadd.f32 v34, v18;
	v16 =	vadd.f32 v35, v16;
	v28 =	vld [tilespmem:s17+$0x1AB0]  }
0x6f: {  	v15 =	vadd.f32 v36, v15;
	v9 =	vadd.f32 v37, v9;
	v22 =	vld [tilespmem:s17+$0x1AC0]  }
0x70: {  	v18 =	vadd.f32 v24, v18;
	v16 =	vadd.f32 v29, v16;
	v23 =	vld [tilespmem:s17+$0x1AD0]  }
0x71: {  	s19 =	sadd.s32 $0x400, s19;
	v15 =	vadd.f32 v30, v15;
	v24 =	vld [tilespmem:s17+$0x1AE0];
	v9 =	vadd.f32 v31, v9  }
0x72: {  	v29 =	vld [tilespmem:s17+$0x1AF0];
	v17 =	vmul.f32 $1.999999960e-02, v17;
	s19 =	sshll.u32 s0, $0xA  }
0x73: {  	v30 =	vld [tilespmem:s17+$0x1B60];
	v13 =	vmul.f32 $1.999999960e-02, v13;
	s29 =	sand.u32 $0x3FFFFC00, s19  }
0x74: {  	v31 =	vld [tilespmem:s17+$0x1B70];
	v14 =	vmul.f32 $1.999999960e-02, v14;
	[tilespmem:s29+$0xD200] =	vst v17  }
0x75: {  	v12 =	vmul.f32 $1.999999960e-02, v12;
	[tilespmem:s29+$0xD210] =	vst v13  }
0x76: {  	v4 =	vadd.f32 v25, v4;
	v9 =	vmul.f32 $1.999999960e-02, v9;
	[tilespmem:s29+$0xD220] =	vst v14  }
0x77: {  	v13 =	vmul.f32 $1.999999960e-02, v18;
	v14 =	vadd.f32 v26, v20;
	[tilespmem:s29+$0xD230] =	vst v12  }
0x78: {  	v12 =	vmul.f32 $1.999999960e-02, v16;
	v16 =	vadd.f32 v27, v21;
	v4 =	vadd.f32 v6, v4;
	[tilespmem:s29+$0xD270] =	vst v9  }
0x79: {  	v6 =	vmul.f32 $1.999999960e-02, v15;
	v11 =	vadd.f32 v22, v11;
	[tilespmem:s29+$0xD240] =	vst v13;
	v5 =	vadd.f32 v5, v14  }
0x7a: {  	v13 =	vadd.f32 v28, v19;
	[tilespmem:s29+$0xD250] =	vst v12;
	v3 =	vadd.f32 v3, v16;
	v4 =	vmul.f32 $1.999999960e-02, v4  }
0x7b: {  	[tilespmem:s29+$0xD260] =	vst v6;
	v6 =	vadd.f32 v23, v10;
	v0 =	vadd.f32 v0, v11;
	v5 =	vmul.f32 $1.999999960e-02, v5  }
0x7c: {  	v8 =	vadd.f32 v24, v8;
	v2 =	vadd.f32 v2, v13;
	[tilespmem:s29+$0xD280] =	vst v4;
	v3 =	vmul.f32 $1.999999960e-02, v3  }
0x7d: {  	v4 =	vadd.f32 v29, v7;
	v1 =	vadd.f32 v1, v6;
	v0 =	vmul.f32 $1.999999960e-02, v0;
	[tilespmem:s29+$0xD290] =	vst v5  }
0x7e: {  	v2 =	vmul.f32 $1.999999960e-02, v2;
	v5 =	vadd.f32 v30, v8;
	[tilespmem:s29+$0xD2A0] =	vst v3  }
0x7f: {  	v3 =	vadd.f32 v31, v4;
	v1 =	vmul.f32 $1.999999960e-02, v1;
	[tilespmem:s29+$0xD2C0] =	vst v0  }
0x80: {  	[tilespmem:s29+$0xD2B0] =	vst v2;
	v0 =	vmul.f32 $1.999999960e-02, v5  }
0x81: {  	[tilespmem:s29+$0xD2D0] =	vst v1;
	v1 =	vmul.f32 $1.999999960e-02, v3  }
0x82: {  	[tilespmem:s29+$0xD2E0] =	vst v0  }
0x83: {  	s17 =	simm.s32 @!p0 $0x5;
	[tilespmem:s29+$0xD2F0] =	vst v1  }
0x84: {  	_ =	swait.ge @!p0 [sflag:s17], $0x80  }
0x85: {  	s21 =	simm.s32 @!p0 $0x200;
	[sflag:s17] =	ssyncset.done @!p0 $0x0  }
0x86: {  	s19 =	simm.s32 @!p0 $0x0;
	[sflag:s17] =	ssyncadd.s32 @!p0 $0xFFFFFF80;
	s17 =	simm.s32 @!p0 $0x64  }
0x87: {  	[tilespmem:s21], [sflag:$0x1] =	stream.indirect.gather @!p0 [hbm4b:s2+s17], $0x80, s19, s17, $0xb8;
	[tilespmem:$0x11200] =	vst v63  }
0x88: {  	s17 =	sor.u32 $0x1, s1  }
0x89: {  	_ =	swait.ge [sflag:s25], $0x3200;
	s21 =	sadd.s32 @!p0 s4, s17  }
0x8a: {  	[sflag:s25] =	ssyncset.done $0x0;
	s21 =	sshll.u32 @!p0 s21, $0x4  }
0x8b: {  	s29 =	simm.s32 @!p0 $0x80;
	[sflag:s25] =	ssyncadd.s32 $0xFFFFCE00;
	s21 =	sadd.s32 @!p0 s11, s21  }
0x8c: {  	[tilespmem:s29], [sflag:$0x6] =	stream.linear.gather @!p0 [hbm4b:s21+s19], $0x80, $0x38;
	[tilespmem:$0x11200] =	vst v63  }
0x8d: {  	s19 =	simm.s32 $0x80  }
0x8e: {  	v7 =	vld [tilespmem:s19+$0x3600]  }
0x8f: {  	v8 =	vld [tilespmem:s19+$0x3610]  }
0x90: {  	v9 =	vld [tilespmem:s19+$0x3620]  }
0x91: {  	v10 =	vld [tilespmem:s19+$0x3630]  }
0x92: {  	v11 =	vld [tilespmem:s19+$0x3640]  }
0x93: {  	v15 =	vld [tilespmem:s19+$0x3650]  }
0x94: {  	v19 =	vld [tilespmem:s19+$0x3660]  }
0x95: {  	v20 =	vld [tilespmem:s19+$0x3670]  }
0x96: {  	v6 =	vld [tilespmem:s19+$0x4F00]  }
0x97: {  	v5 =	vld [tilespmem:s19+$0x4F10]  }
0x98: {  	v3 =	vld [tilespmem:s19+$0x4F20]  }
0x99: {  	v2 =	vld [tilespmem:s19+$0x4F30]  }
0x9a: {  	v0 =	vld [tilespmem:s19+$0x3580]  }
0x9b: {  	v1 =	vld [tilespmem:s19+$0x3590]  }
0x9c: {  	v12 =	vld [tilespmem:s19+$0x35A0]  }
0x9d: {  	v13 =	vld [tilespmem:s19+$0x35B0]  }
0x9e: {  	v16 =	vld [tilespmem:s19+$0x35C0]  }
0x9f: {  	v18 =	vld [tilespmem:s19+$0x35D0]  }
0xa0: {  	v4 =	vimm.f32 $0.0e+00;
	v21 =	vld [tilespmem:s19+$0x35E0]  }
0xa1: {  	v23 =	vld [tilespmem:s19+$0x35F0];
	v14 =	vadd.f32 v0, v4;
	v22 =	vadd.f32 v1, v4  }
0xa2: {  	v25 =	vld [tilespmem:s19+$0x4E80];
	v12 =	vadd.f32 v12, v4;
	v24 =	vadd.f32 v13, v4  }
0xa3: {  	v26 =	vld [tilespmem:s19+$0x4E90];
	v17 =	vadd.f32 v7, v14;
	v13 =	vadd.f32 v8, v22  }
0xa4: {  	v27 =	vld [tilespmem:s19+$0x4EA0];
	v14 =	vadd.f32 v9, v12;
	v12 =	vadd.f32 v10, v24  }
0xa5: {  	v28 =	vld [tilespmem:s19+$0x4EB0];
	v7 =	vadd.f32 v16, v4;
	v8 =	vadd.f32 v18, v4  }
0xa6: {  	v0 =	vld [tilespmem:s19+$0x4F40];
	v9 =	vadd.f32 v21, v4;
	v10 =	vadd.f32 v23, v4  }
0xa7: {  	v1 =	vld [tilespmem:s19+$0x4F50];
	v18 =	vadd.f32 v11, v7;
	v16 =	vadd.f32 v15, v8  }
0xa8: {  	v22 =	vld [tilespmem:s19+$0x4EC0];
	v21 =	vimm.f32 $0.0e+00;
	v15 =	vadd.f32 v19, v9;
	v9 =	vadd.f32 v20, v10  }
0xa9: {  	v23 =	vld [tilespmem:s19+$0x4ED0];
	v20 =	vimm.f32 $0.0e+00;
	v19 =	vimm.f32 $0.0e+00;
	v11 =	vimm.f32 $0.0e+00  }
0xaa: {  	s21 =	simm.s32 $0x600;
	v24 =	vld [tilespmem:s19+$0x4EE0];
	v10 =	vimm.f32 $0.0e+00;
	v8 =	vimm.f32 $0.0e+00;
	v7 =	vimm.f32 $0.0e+00  }
.LBB2_5:
0xab: {  	p1 =	sne.s32 s21, $0x6200;
	v4 =	vadd.f32 v25, v4;
	v20 =	vadd.f32 v26, v20;
	v25 =	vld [tilespmem:s19+$0x4EF0]  }
0xac: {  	v21 =	vadd.f32 v27, v21;
	v19 =	vadd.f32 v28, v19;
	v26 =	vld [tilespmem:s19+$0x4F60]  }
0xad: {  	v4 =	vadd.f32 v6, v4;
	v20 =	vadd.f32 v5, v20;
	v5 =	vld [tilespmem:s19+$0x4F70];
	s19 =	sshra.s32 s21, $0x2  }
0xae: {  	v21 =	vadd.f32 v3, v21;
	v27 =	vld [tilespmem:s19+$0x3600];
	v19 =	vadd.f32 v2, v19  }
0xaf: {  	v2 =	vadd.f32 v22, v11;
	v3 =	vadd.f32 v23, v10;
	v28 =	vld [tilespmem:s19+$0x3610]  }
0xb0: {  	v6 =	vadd.f32 v24, v8;
	v22 =	vld [tilespmem:s19+$0x3620];
	v7 =	vadd.f32 v25, v7  }
0xb1: {  	v11 =	vadd.f32 v0, v2;
	v10 =	vadd.f32 v1, v3;
	v23 =	vld [tilespmem:s19+$0x3630]  }
0xb2: {  	v8 =	vadd.f32 v26, v6;
	v24 =	vld [tilespmem:s19+$0x3640];
	v7 =	vadd.f32 v5, v7  }
0xb3: {  	v29 =	vld [tilespmem:s19+$0x3650]  }
0xb4: {  	v30 =	vld [tilespmem:s19+$0x3660]  }
0xb5: {  	v31 =	vld [tilespmem:s19+$0x3670]  }
0xb6: {  	v6 =	vld [tilespmem:s19+$0x4F00]  }
0xb7: {  	v5 =	vld [tilespmem:s19+$0x4F10]  }
0xb8: {  	v3 =	vld [tilespmem:s19+$0x4F20]  }
0xb9: {  	v2 =	vld [tilespmem:s19+$0x4F30]  }
0xba: {  	v0 =	vld [tilespmem:s19+$0x4F40]  }
0xbb: {  	v1 =	vld [tilespmem:s19+$0x4F50]  }
0xbc: {  	v25 =	vld [tilespmem:s19+$0x3580]  }
0xbd: {  	v26 =	vld [tilespmem:s19+$0x3590]  }
0xbe: {  	v32 =	vld [tilespmem:s19+$0x35A0]  }
0xbf: {  	v33 =	vld [tilespmem:s19+$0x35B0]  }
0xc0: {  	v34 =	vld [tilespmem:s19+$0x35C0]  }
0xc1: {  	v35 =	vld [tilespmem:s19+$0x35D0]  }
0xc2: {  	v36 =	vld [tilespmem:s19+$0x35E0]  }
0xc3: {  	v17 =	vadd.f32 v25, v17;
	v13 =	vadd.f32 v26, v13;
	v37 =	vld [tilespmem:s19+$0x35F0]  }
0xc4: {  	v14 =	vadd.f32 v32, v14;
	v12 =	vadd.f32 v33, v12;
	v25 =	vld [tilespmem:s19+$0x4E80]  }
0xc5: {  	v17 =	vadd.f32 v27, v17;
	v13 =	vadd.f32 v28, v13;
	v26 =	vld [tilespmem:s19+$0x4E90]  }
.Ltmp3:
0xc6: {  	v14 =	vadd.f32 v22, v14;
	v27 =	vld [tilespmem:s19+$0x4EA0];
	v12 =	vadd.f32 v23, v12;
	(pc) =	sbr.rel @p1 .LBB2_5-.Ltmp3, $4  }
0xc7: {  	v18 =	vadd.f32 v34, v18;
	v16 =	vadd.f32 v35, v16;
	v28 =	vld [tilespmem:s19+$0x4EB0]  }
0xc8: {  	v15 =	vadd.f32 v36, v15;
	v9 =	vadd.f32 v37, v9;
	v22 =	vld [tilespmem:s19+$0x4EC0]  }
0xc9: {  	v18 =	vadd.f32 v24, v18;
	v16 =	vadd.f32 v29, v16;
	v23 =	vld [tilespmem:s19+$0x4ED0]  }
0xca: {  	s21 =	sadd.s32 $0x400, s21;
	v15 =	vadd.f32 v30, v15;
	v24 =	vld [tilespmem:s19+$0x4EE0];
	v9 =	vadd.f32 v31, v9  }
0xcb: {  	v29 =	vld [tilespmem:s19+$0x4EF0];
	v17 =	vmul.f32 $1.999999960e-02, v17;
	s17 =	sshll.u32 s17, $0x8  }
0xcc: {  	v30 =	vld [tilespmem:s19+$0x4F60];
	v13 =	vmul.f32 $1.999999960e-02, v13;
	s17 =	sand.u32 $0x3FFFFF00, s17  }
0xcd: {  	v31 =	vld [tilespmem:s19+$0x4F70];
	v14 =	vmul.f32 $1.999999960e-02, v14;
	[tilespmem:s17+$0xD200] =	vst v17  }
0xce: {  	v12 =	vmul.f32 $1.999999960e-02, v12;
	[tilespmem:s17+$0xD210] =	vst v13  }
0xcf: {  	v4 =	vadd.f32 v25, v4;
	v9 =	vmul.f32 $1.999999960e-02, v9;
	[tilespmem:s17+$0xD220] =	vst v14  }
0xd0: {  	v13 =	vmul.f32 $1.999999960e-02, v18;
	v14 =	vadd.f32 v26, v20;
	[tilespmem:s17+$0xD230] =	vst v12  }
0xd1: {  	v12 =	vmul.f32 $1.999999960e-02, v16;
	v16 =	vadd.f32 v27, v21;
	v4 =	vadd.f32 v6, v4;
	[tilespmem:s17+$0xD270] =	vst v9  }
0xd2: {  	v6 =	vmul.f32 $1.999999960e-02, v15;
	v11 =	vadd.f32 v22, v11;
	[tilespmem:s17+$0xD240] =	vst v13;
	v5 =	vadd.f32 v5, v14  }
0xd3: {  	v13 =	vadd.f32 v28, v19;
	[tilespmem:s17+$0xD250] =	vst v12;
	v3 =	vadd.f32 v3, v16;
	v4 =	vmul.f32 $1.999999960e-02, v4  }
0xd4: {  	[tilespmem:s17+$0xD260] =	vst v6;
	v6 =	vadd.f32 v23, v10;
	v0 =	vadd.f32 v0, v11;
	v5 =	vmul.f32 $1.999999960e-02, v5  }
0xd5: {  	v8 =	vadd.f32 v24, v8;
	v2 =	vadd.f32 v2, v13;
	[tilespmem:s17+$0xD280] =	vst v4;
	v3 =	vmul.f32 $1.999999960e-02, v3  }
0xd6: {  	v4 =	vadd.f32 v29, v7;
	v1 =	vadd.f32 v1, v6;
	v0 =	vmul.f32 $1.999999960e-02, v0;
	[tilespmem:s17+$0xD290] =	vst v5  }
0xd7: {  	v2 =	vmul.f32 $1.999999960e-02, v2;
	v5 =	vadd.f32 v30, v8;
	[tilespmem:s17+$0xD2A0] =	vst v3  }
0xd8: {  	v3 =	vadd.f32 v31, v4;
	v1 =	vmul.f32 $1.999999960e-02, v1;
	[tilespmem:s17+$0xD2C0] =	vst v0  }
0xd9: {  	[tilespmem:s17+$0xD2B0] =	vst v2;
	v0 =	vmul.f32 $1.999999960e-02, v5  }
0xda: {  	[tilespmem:s17+$0xD2D0] =	vst v1;
	v1 =	vmul.f32 $1.999999960e-02, v3  }
0xdb: {  	[tilespmem:s17+$0xD2E0] =	vst v0  }
0xdc: {  	[tilespmem:s17+$0xD2F0] =	vst v1;
	s17 =	simm.s32 @!p0 $0x6  }
0xdd: {  	_ =	swait.ge @!p0 [sflag:s17], $0x80  }
0xde: {  	s19 =	simm.s32 @!p0 $0x80;
	[sflag:s17] =	ssyncset.done @!p0 $0x0  }
0xdf: {  	s21 =	simm.s32 @!p0 $0x3600;
	[sflag:s17] =	ssyncadd.s32 @!p0 $0xFFFFFF80;
	s17 =	simm.s32 @!p0 $0x64  }
0xe0: {  	[tilespmem:s21], [sflag:$0x2] =	stream.indirect.gather @!p0 [hbm4b:s2+s17], $0x80, s19, s17, $0xb8;
	[tilespmem:$0x11200] =	vst v63  }
0xe1: {  	s17 =	sor.u32 $0x2, s1  }
0xe2: {  	_ =	swait.ge [sflag:s26], $0x3200;
	s19 =	sadd.s32 @!p0 s4, s17  }
0xe3: {  	s29 =	simm.s32 @!p0 $0x100;
	[sflag:s26] =	ssyncset.done $0x0;
	s19 =	sshll.u32 @!p0 s19, $0x4  }
0xe4: {  	s21 =	simm.s32 @!p0 $0x0;
	[sflag:s26] =	ssyncadd.s32 $0xFFFFCE00;
	s19 =	sadd.s32 @!p0 s11, s19  }
0xe5: {  	[tilespmem:s29], [sflag:$0x7] =	stream.linear.gather @!p0 [hbm4b:s19+s21], $0x80, $0x38;
	[tilespmem:$0x11200] =	vst v63  }
0xe6: {  	s19 =	simm.s32 $0x80  }
0xe7: {  	v7 =	vld [tilespmem:s19+$0x6A00]  }
0xe8: {  	v8 =	vld [tilespmem:s19+$0x6A10]  }
0xe9: {  	v9 =	vld [tilespmem:s19+$0x6A20]  }
0xea: {  	v10 =	vld [tilespmem:s19+$0x6A30]  }
0xeb: {  	v11 =	vld [tilespmem:s19+$0x6A40]  }
0xec: {  	v15 =	vld [tilespmem:s19+$0x6A50]  }
0xed: {  	v19 =	vld [tilespmem:s19+$0x6A60]  }
0xee: {  	v20 =	vld [tilespmem:s19+$0x6A70]  }
0xef: {  	v6 =	vld [tilespmem:s19+$0x8300]  }
0xf0: {  	v5 =	vld [tilespmem:s19+$0x8310]  }
0xf1: {  	v3 =	vld [tilespmem:s19+$0x8320]  }
0xf2: {  	v2 =	vld [tilespmem:s19+$0x8330]  }
0xf3: {  	v0 =	vld [tilespmem:s19+$0x6980]  }
0xf4: {  	v1 =	vld [tilespmem:s19+$0x6990]  }
0xf5: {  	v12 =	vld [tilespmem:s19+$0x69A0]  }
0xf6: {  	v13 =	vld [tilespmem:s19+$0x69B0]  }
0xf7: {  	v16 =	vld [tilespmem:s19+$0x69C0]  }
0xf8: {  	v18 =	vld [tilespmem:s19+$0x69D0]  }
0xf9: {  	v4 =	vimm.f32 $0.0e+00;
	v21 =	vld [tilespmem:s19+$0x69E0]  }
0xfa: {  	v23 =	vld [tilespmem:s19+$0x69F0];
	v14 =	vadd.f32 v0, v4;
	v22 =	vadd.f32 v1, v4  }
0xfb: {  	v25 =	vld [tilespmem:s19+$0x8280];
	v12 =	vadd.f32 v12, v4;
	v24 =	vadd.f32 v13, v4  }
0xfc: {  	v26 =	vld [tilespmem:s19+$0x8290];
	v17 =	vadd.f32 v7, v14;
	v13 =	vadd.f32 v8, v22  }
0xfd: {  	v27 =	vld [tilespmem:s19+$0x82A0];
	v14 =	vadd.f32 v9, v12;
	v12 =	vadd.f32 v10, v24  }
0xfe: {  	v28 =	vld [tilespmem:s19+$0x82B0];
	v7 =	vadd.f32 v16, v4;
	v8 =	vadd.f32 v18, v4  }
0xff: {  	v0 =	vld [tilespmem:s19+$0x8340];
	v9 =	vadd.f32 v21, v4;
	v10 =	vadd.f32 v23, v4  }
0x100: {  	v1 =	vld [tilespmem:s19+$0x8350];
	v18 =	vadd.f32 v11, v7;
	v16 =	vadd.f32 v15, v8  }
0x101: {  	v22 =	vld [tilespmem:s19+$0x82C0];
	v21 =	vimm.f32 $0.0e+00;
	v15 =	vadd.f32 v19, v9;
	v9 =	vadd.f32 v20, v10  }
0x102: {  	v23 =	vld [tilespmem:s19+$0x82D0];
	v20 =	vimm.f32 $0.0e+00;
	v19 =	vimm.f32 $0.0e+00;
	v11 =	vimm.f32 $0.0e+00  }
0x103: {  	s21 =	simm.s32 $0x600;
	v24 =	vld [tilespmem:s19+$0x82E0];
	v10 =	vimm.f32 $0.0e+00;
	v8 =	vimm.f32 $0.0e+00;
	v7 =	vimm.f32 $0.0e+00  }
.LBB2_7:
0x104: {  	p1 =	sne.s32 s21, $0x6200;
	v4 =	vadd.f32 v25, v4;
	v20 =	vadd.f32 v26, v20;
	v25 =	vld [tilespmem:s19+$0x82F0]  }
0x105: {  	v21 =	vadd.f32 v27, v21;
	v19 =	vadd.f32 v28, v19;
	v26 =	vld [tilespmem:s19+$0x8360]  }
0x106: {  	v4 =	vadd.f32 v6, v4;
	v20 =	vadd.f32 v5, v20;
	v5 =	vld [tilespmem:s19+$0x8370];
	s19 =	sshra.s32 s21, $0x2  }
0x107: {  	v21 =	vadd.f32 v3, v21;
	v27 =	vld [tilespmem:s19+$0x6A00];
	v19 =	vadd.f32 v2, v19  }
0x108: {  	v2 =	vadd.f32 v22, v11;
	v3 =	vadd.f32 v23, v10;
	v28 =	vld [tilespmem:s19+$0x6A10]  }
0x109: {  	v6 =	vadd.f32 v24, v8;
	v22 =	vld [tilespmem:s19+$0x6A20];
	v7 =	vadd.f32 v25, v7  }
0x10a: {  	v11 =	vadd.f32 v0, v2;
	v10 =	vadd.f32 v1, v3;
	v23 =	vld [tilespmem:s19+$0x6A30]  }
0x10b: {  	v8 =	vadd.f32 v26, v6;
	v24 =	vld [tilespmem:s19+$0x6A40];
	v7 =	vadd.f32 v5, v7  }
0x10c: {  	v29 =	vld [tilespmem:s19+$0x6A50]  }
0x10d: {  	v30 =	vld [tilespmem:s19+$0x6A60]  }
0x10e: {  	v31 =	vld [tilespmem:s19+$0x6A70]  }
0x10f: {  	v6 =	vld [tilespmem:s19+$0x8300]  }
0x110: {  	v5 =	vld [tilespmem:s19+$0x8310]  }
0x111: {  	v3 =	vld [tilespmem:s19+$0x8320]  }
0x112: {  	v2 =	vld [tilespmem:s19+$0x8330]  }
0x113: {  	v0 =	vld [tilespmem:s19+$0x8340]  }
0x114: {  	v1 =	vld [tilespmem:s19+$0x8350]  }
0x115: {  	v25 =	vld [tilespmem:s19+$0x6980]  }
0x116: {  	v26 =	vld [tilespmem:s19+$0x6990]  }
0x117: {  	v32 =	vld [tilespmem:s19+$0x69A0]  }
0x118: {  	v33 =	vld [tilespmem:s19+$0x69B0]  }
0x119: {  	v34 =	vld [tilespmem:s19+$0x69C0]  }
0x11a: {  	v35 =	vld [tilespmem:s19+$0x69D0]  }
0x11b: {  	v36 =	vld [tilespmem:s19+$0x69E0]  }
0x11c: {  	v17 =	vadd.f32 v25, v17;
	v13 =	vadd.f32 v26, v13;
	v37 =	vld [tilespmem:s19+$0x69F0]  }
0x11d: {  	v14 =	vadd.f32 v32, v14;
	v12 =	vadd.f32 v33, v12;
	v25 =	vld [tilespmem:s19+$0x8280]  }
0x11e: {  	v17 =	vadd.f32 v27, v17;
	v13 =	vadd.f32 v28, v13;
	v26 =	vld [tilespmem:s19+$0x8290]  }
.Ltmp4:
0x11f: {  	v14 =	vadd.f32 v22, v14;
	v27 =	vld [tilespmem:s19+$0x82A0];
	v12 =	vadd.f32 v23, v12;
	(pc) =	sbr.rel @p1 .LBB2_7-.Ltmp4, $4  }
0x120: {  	v18 =	vadd.f32 v34, v18;
	v16 =	vadd.f32 v35, v16;
	v28 =	vld [tilespmem:s19+$0x82B0]  }
0x121: {  	v15 =	vadd.f32 v36, v15;
	v9 =	vadd.f32 v37, v9;
	v22 =	vld [tilespmem:s19+$0x82C0]  }
0x122: {  	v18 =	vadd.f32 v24, v18;
	v16 =	vadd.f32 v29, v16;
	v23 =	vld [tilespmem:s19+$0x82D0]  }
0x123: {  	s21 =	sadd.s32 $0x400, s21;
	v15 =	vadd.f32 v30, v15;
	v24 =	vld [tilespmem:s19+$0x82E0];
	v9 =	vadd.f32 v31, v9  }
0x124: {  	v29 =	vld [tilespmem:s19+$0x82F0];
	v17 =	vmul.f32 $1.999999960e-02, v17;
	s17 =	sshll.u32 s17, $0x8  }
0x125: {  	v30 =	vld [tilespmem:s19+$0x8360];
	v13 =	vmul.f32 $1.999999960e-02, v13;
	s17 =	sand.u32 $0x3FFFFF00, s17  }
0x126: {  	v31 =	vld [tilespmem:s19+$0x8370];
	v14 =	vmul.f32 $1.999999960e-02, v14;
	[tilespmem:s17+$0xD200] =	vst v17  }
0x127: {  	v12 =	vmul.f32 $1.999999960e-02, v12;
	[tilespmem:s17+$0xD210] =	vst v13  }
0x128: {  	v4 =	vadd.f32 v25, v4;
	v9 =	vmul.f32 $1.999999960e-02, v9;
	[tilespmem:s17+$0xD220] =	vst v14  }
0x129: {  	v13 =	vmul.f32 $1.999999960e-02, v18;
	v14 =	vadd.f32 v26, v20;
	[tilespmem:s17+$0xD230] =	vst v12  }
0x12a: {  	v12 =	vmul.f32 $1.999999960e-02, v16;
	v16 =	vadd.f32 v27, v21;
	v4 =	vadd.f32 v6, v4;
	[tilespmem:s17+$0xD270] =	vst v9  }
0x12b: {  	v6 =	vmul.f32 $1.999999960e-02, v15;
	v11 =	vadd.f32 v22, v11;
	[tilespmem:s17+$0xD240] =	vst v13;
	v5 =	vadd.f32 v5, v14  }
0x12c: {  	v13 =	vadd.f32 v28, v19;
	[tilespmem:s17+$0xD250] =	vst v12;
	v3 =	vadd.f32 v3, v16;
	v4 =	vmul.f32 $1.999999960e-02, v4  }
0x12d: {  	[tilespmem:s17+$0xD260] =	vst v6;
	v6 =	vadd.f32 v23, v10;
	v0 =	vadd.f32 v0, v11;
	v5 =	vmul.f32 $1.999999960e-02, v5  }
0x12e: {  	v8 =	vadd.f32 v24, v8;
	v2 =	vadd.f32 v2, v13;
	[tilespmem:s17+$0xD280] =	vst v4;
	v3 =	vmul.f32 $1.999999960e-02, v3  }
0x12f: {  	v4 =	vadd.f32 v29, v7;
	v1 =	vadd.f32 v1, v6;
	v0 =	vmul.f32 $1.999999960e-02, v0;
	[tilespmem:s17+$0xD290] =	vst v5  }
0x130: {  	v2 =	vmul.f32 $1.999999960e-02, v2;
	v5 =	vadd.f32 v30, v8;
	[tilespmem:s17+$0xD2A0] =	vst v3  }
0x131: {  	v3 =	vadd.f32 v31, v4;
	v1 =	vmul.f32 $1.999999960e-02, v1;
	[tilespmem:s17+$0xD2C0] =	vst v0  }
0x132: {  	[tilespmem:s17+$0xD2B0] =	vst v2;
	v0 =	vmul.f32 $1.999999960e-02, v5  }
0x133: {  	[tilespmem:s17+$0xD2D0] =	vst v1;
	v1 =	vmul.f32 $1.999999960e-02, v3  }
0x134: {  	[tilespmem:s17+$0xD2E0] =	vst v0  }
0x135: {  	[tilespmem:s17+$0xD2F0] =	vst v1;
	s17 =	simm.s32 @!p0 $0x7  }
0x136: {  	_ =	swait.ge @!p0 [sflag:s17], $0x80  }
0x137: {  	s19 =	simm.s32 @!p0 $0x100;
	s21 =	simm.s32 @!p0 $0x6A00;
	[sflag:s17] =	ssyncset.done @!p0 $0x0  }
0x138: {  	s1 =	sor.u32 $0x3, s1;
	[sflag:s17] =	ssyncadd.s32 @!p0 $0xFFFFFF80;
	s17 =	simm.s32 @!p0 $0x64  }
0x139: {  	[tilespmem:s21], [sflag:$0x3] =	stream.indirect.gather @!p0 [hbm4b:s2+s17], $0x80, s19, s17, $0xb8;
	[tilespmem:$0x11200] =	vst v63  }
0x13a: {  	s17 =	sadd.s32 @!p0 s4, s1;
	_ =	swait.ge [sflag:s28], $0x3200  }
0x13b: {  	s19 =	simm.s32 @!p0 $0x0;
	s17 =	sshll.u32 @!p0 s17, $0x4;
	[sflag:s28] =	ssyncset.done $0x0  }
0x13c: {  	s21 =	simm.s32 @!p0 $0x180;
	s17 =	sadd.s32 @!p0 s11, s17;
	[sflag:s28] =	ssyncadd.s32 $0xFFFFCE00  }
0x13d: {  	[tilespmem:s21], [sflag:$0x8] =	stream.linear.gather @!p0 [hbm4b:s17+s19], $0x80, $0x38;
	[tilespmem:$0x11200] =	vst v63  }
0x13e: {  	s17 =	simm.s32 $0x80  }
0x13f: {  	v7 =	vld [tilespmem:s17+$0x9E00]  }
0x140: {  	v8 =	vld [tilespmem:s17+$0x9E10]  }
0x141: {  	v9 =	vld [tilespmem:s17+$0x9E20]  }
0x142: {  	v10 =	vld [tilespmem:s17+$0x9E30]  }
0x143: {  	v11 =	vld [tilespmem:s17+$0x9E40]  }
0x144: {  	v15 =	vld [tilespmem:s17+$0x9E50]  }
0x145: {  	v19 =	vld [tilespmem:s17+$0x9E60]  }
0x146: {  	v20 =	vld [tilespmem:s17+$0x9E70]  }
0x147: {  	v6 =	vld [tilespmem:s17+$0xB700]  }
0x148: {  	v5 =	vld [tilespmem:s17+$0xB710]  }
0x149: {  	v3 =	vld [tilespmem:s17+$0xB720]  }
0x14a: {  	v2 =	vld [tilespmem:s17+$0xB730]  }
0x14b: {  	v0 =	vld [tilespmem:s17+$0x9D80]  }
0x14c: {  	v1 =	vld [tilespmem:s17+$0x9D90]  }
0x14d: {  	v12 =	vld [tilespmem:s17+$0x9DA0]  }
0x14e: {  	v13 =	vld [tilespmem:s17+$0x9DB0]  }
0x14f: {  	v16 =	vld [tilespmem:s17+$0x9DC0]  }
0x150: {  	v18 =	vld [tilespmem:s17+$0x9DD0]  }
0x151: {  	v4 =	vimm.f32 $0.0e+00;
	v21 =	vld [tilespmem:s17+$0x9DE0]  }
0x152: {  	v23 =	vld [tilespmem:s17+$0x9DF0];
	v14 =	vadd.f32 v0, v4;
	v22 =	vadd.f32 v1, v4  }
0x153: {  	v25 =	vld [tilespmem:s17+$0xB680];
	v12 =	vadd.f32 v12, v4;
	v24 =	vadd.f32 v13, v4  }
0x154: {  	v26 =	vld [tilespmem:s17+$0xB690];
	v17 =	vadd.f32 v7, v14;
	v13 =	vadd.f32 v8, v22  }
0x155: {  	v27 =	vld [tilespmem:s17+$0xB6A0];
	v14 =	vadd.f32 v9, v12;
	v12 =	vadd.f32 v10, v24  }
0x156: {  	v28 =	vld [tilespmem:s17+$0xB6B0];
	v7 =	vadd.f32 v16, v4;
	v8 =	vadd.f32 v18, v4  }
0x157: {  	v0 =	vld [tilespmem:s17+$0xB740];
	v9 =	vadd.f32 v21, v4;
	v10 =	vadd.f32 v23, v4  }
0x158: {  	v1 =	vld [tilespmem:s17+$0xB750];
	v18 =	vadd.f32 v11, v7;
	v16 =	vadd.f32 v15, v8  }
0x159: {  	v22 =	vld [tilespmem:s17+$0xB6C0];
	v21 =	vimm.f32 $0.0e+00;
	v15 =	vadd.f32 v19, v9;
	v9 =	vadd.f32 v20, v10  }
0x15a: {  	v23 =	vld [tilespmem:s17+$0xB6D0];
	v20 =	vimm.f32 $0.0e+00;
	v19 =	vimm.f32 $0.0e+00;
	v11 =	vimm.f32 $0.0e+00  }
0x15b: {  	s19 =	simm.s32 $0x600;
	v24 =	vld [tilespmem:s17+$0xB6E0];
	v10 =	vimm.f32 $0.0e+00;
	v8 =	vimm.f32 $0.0e+00;
	v7 =	vimm.f32 $0.0e+00  }
.LBB2_9:
0x15c: {  	p1 =	sne.s32 s19, $0x6200;
	v4 =	vadd.f32 v25, v4;
	v20 =	vadd.f32 v26, v20;
	v25 =	vld [tilespmem:s17+$0xB6F0]  }
0x15d: {  	v21 =	vadd.f32 v27, v21;
	v19 =	vadd.f32 v28, v19;
	v26 =	vld [tilespmem:s17+$0xB760]  }
0x15e: {  	v4 =	vadd.f32 v6, v4;
	v20 =	vadd.f32 v5, v20;
	v5 =	vld [tilespmem:s17+$0xB770];
	s17 =	sshra.s32 s19, $0x2  }
0x15f: {  	v21 =	vadd.f32 v3, v21;
	v27 =	vld [tilespmem:s17+$0x9E00];
	v19 =	vadd.f32 v2, v19  }
0x160: {  	v2 =	vadd.f32 v22, v11;
	v3 =	vadd.f32 v23, v10;
	v28 =	vld [tilespmem:s17+$0x9E10]  }
0x161: {  	v6 =	vadd.f32 v24, v8;
	v22 =	vld [tilespmem:s17+$0x9E20];
	v7 =	vadd.f32 v25, v7  }
0x162: {  	v11 =	vadd.f32 v0, v2;
	v10 =	vadd.f32 v1, v3;
	v23 =	vld [tilespmem:s17+$0x9E30]  }
0x163: {  	v8 =	vadd.f32 v26, v6;
	v24 =	vld [tilespmem:s17+$0x9E40];
	v7 =	vadd.f32 v5, v7  }
0x164: {  	v29 =	vld [tilespmem:s17+$0x9E50]  }
0x165: {  	v30 =	vld [tilespmem:s17+$0x9E60]  }
0x166: {  	v31 =	vld [tilespmem:s17+$0x9E70]  }
0x167: {  	v6 =	vld [tilespmem:s17+$0xB700]  }
0x168: {  	v5 =	vld [tilespmem:s17+$0xB710]  }
0x169: {  	v3 =	vld [tilespmem:s17+$0xB720]  }
0x16a: {  	v2 =	vld [tilespmem:s17+$0xB730]  }
0x16b: {  	v0 =	vld [tilespmem:s17+$0xB740]  }
0x16c: {  	v1 =	vld [tilespmem:s17+$0xB750]  }
0x16d: {  	v25 =	vld [tilespmem:s17+$0x9D80]  }
0x16e: {  	v26 =	vld [tilespmem:s17+$0x9D90]  }
0x16f: {  	v32 =	vld [tilespmem:s17+$0x9DA0]  }
0x170: {  	v33 =	vld [tilespmem:s17+$0x9DB0]  }
0x171: {  	v34 =	vld [tilespmem:s17+$0x9DC0]  }
0x172: {  	v35 =	vld [tilespmem:s17+$0x9DD0]  }
0x173: {  	v36 =	vld [tilespmem:s17+$0x9DE0]  }
0x174: {  	v17 =	vadd.f32 v25, v17;
	v13 =	vadd.f32 v26, v13;
	v37 =	vld [tilespmem:s17+$0x9DF0]  }
0x175: {  	v14 =	vadd.f32 v32, v14;
	v12 =	vadd.f32 v33, v12;
	v25 =	vld [tilespmem:s17+$0xB680]  }
0x176: {  	v17 =	vadd.f32 v27, v17;
	v13 =	vadd.f32 v28, v13;
	v26 =	vld [tilespmem:s17+$0xB690]  }
.Ltmp5:
0x177: {  	v14 =	vadd.f32 v22, v14;
	v27 =	vld [tilespmem:s17+$0xB6A0];
	v12 =	vadd.f32 v23, v12;
	(pc) =	sbr.rel @p1 .LBB2_9-.Ltmp5, $4  }
0x178: {  	v18 =	vadd.f32 v34, v18;
	v16 =	vadd.f32 v35, v16;
	v28 =	vld [tilespmem:s17+$0xB6B0]  }
0x179: {  	v15 =	vadd.f32 v36, v15;
	v9 =	vadd.f32 v37, v9;
	v22 =	vld [tilespmem:s17+$0xB6C0]  }
0x17a: {  	v18 =	vadd.f32 v24, v18;
	v16 =	vadd.f32 v29, v16;
	v23 =	vld [tilespmem:s17+$0xB6D0]  }
0x17b: {  	s19 =	sadd.s32 $0x400, s19;
	v15 =	vadd.f32 v30, v15;
	v24 =	vld [tilespmem:s17+$0xB6E0];
	v9 =	vadd.f32 v31, v9  }
0x17c: {  	v29 =	vld [tilespmem:s17+$0xB6F0];
	v17 =	vmul.f32 $1.999999960e-02, v17;
	s1 =	sshll.u32 s1, $0x8  }
0x17d: {  	v30 =	vld [tilespmem:s17+$0xB760];
	v13 =	vmul.f32 $1.999999960e-02, v13;
	s1 =	sand.u32 $0x3FFFFF00, s1  }
0x17e: {  	v31 =	vld [tilespmem:s17+$0xB770];
	v14 =	vmul.f32 $1.999999960e-02, v14;
	[tilespmem:s1+$0xD200] =	vst v17  }
0x17f: {  	v12 =	vmul.f32 $1.999999960e-02, v12;
	[tilespmem:s1+$0xD210] =	vst v13  }
0x180: {  	v4 =	vadd.f32 v25, v4;
	v52 =	vmul.f32 $1.999999960e-02, v18;
	[tilespmem:s1+$0xD220] =	vst v14  }
0x181: {  	v53 =	vadd.f32 v26, v20;
	v54 =	vmul.f32 $1.999999960e-02, v16;
	[tilespmem:s1+$0xD230] =	vst v12  }
0x182: {  	v55 =	vadd.f32 v27, v21;
	v56 =	vmul.f32 $1.999999960e-02, v15;
	v4 =	vadd.f32 v6, v4;
	[tilespmem:s1+$0xD240] =	vst v52  }
0x183: {  	v57 =	vadd.f32 v28, v19;
	v9 =	vmul.f32 $1.999999960e-02, v9;
	v5 =	vadd.f32 v5, v53;
	[tilespmem:s1+$0xD250] =	vst v54  }
0x184: {  	v3 =	vadd.f32 v3, v55;
	v11 =	vadd.f32 v22, v11;
	[tilespmem:s1+$0xD260] =	vst v56;
	v4 =	vmul.f32 $1.999999960e-02, v4  }
0x185: {  	v2 =	vadd.f32 v2, v57;
	v58 =	vadd.f32 v23, v10;
	[tilespmem:s1+$0xD270] =	vst v9;
	v5 =	vmul.f32 $1.999999960e-02, v5  }
0x186: {  	v8 =	vadd.f32 v24, v8;
	v0 =	vadd.f32 v0, v11;
	v3 =	vmul.f32 $1.999999960e-02, v3;
	[tilespmem:s1+$0xD280] =	vst v4  }
0x187: {  	v59 =	vadd.f32 v29, v7;
	v1 =	vadd.f32 v1, v58;
	v2 =	vmul.f32 $1.999999960e-02, v2;
	[tilespmem:s1+$0xD290] =	vst v5  }
0x188: {  	v60 =	vadd.f32 v30, v8;
	[tilespmem:s1+$0xD2A0] =	vst v3;
	v0 =	vmul.f32 $1.999999960e-02, v0  }
.Ltmp6:
0x189: {  	v61 =	vadd.f32 v31, v59;
	[tilespmem:s1+$0xD2B0] =	vst v2;
	v1 =	vmul.f32 $1.999999960e-02, v1;
	(pc) =	sbr.rel @p0 .LBB2_12-.Ltmp6, $4  }
0x18a: {  	[tilespmem:s1+$0xD2C0] =	vst v0;
	v62 =	vmul.f32 $1.999999960e-02, v60  }
0x18b: {  	[tilespmem:s1+$0xD2D0] =	vst v1;
	v63 =	vmul.f32 $1.999999960e-02, v61  }
0x18c: {  	[tilespmem:s1+$0xD2E0] =	vst v62  }
0x18d: {  	[tilespmem:s1+$0xD2F0] =	vst v63  }
.Ltmp7:
0x18e: {  	(pc) =	sbr.rel .LBB2_2-.Ltmp7, $4  }
0x18f: {  	_ =	swait.ge [sflag:s22], $0x80  }
0x190: {  	[sflag:s22] =	ssyncset.done $0x0  }
0x191: {  	s0 =	sadd.s32 $0x1, s0;
	[sflag:s22] =	ssyncadd.s32 $0xFFFFFF80  }
0x192: {  	[tilespmem:s23], [sflag:$0x4] =	stream.indirect.gather [hbm4b:s2+s16], $0x80, s14, s16, $0xb8;
	[tilespmem:$0x11200] =	vst v63  }
.LBB2_13:
0x193: {  	_ =	sfence.sel $0x180000  }
0x194: {  	[bflag:$0x0] =	sbarrier.arrive $0xFFFF  }
0x195: {  	_ =	strace $0x90000047  }
0x196: {  	s0 =	stileid.u32;
	[bflag:$0x2] =	sbarrier.arrive $0xFFFF  }
0x197: {  	p0 =	sne.s32 s0, $0x0;
	s0 =	rddreg [dreg:$0x3]  }
0x198: {  	s0 =	sadd.s32 @!p0 $0x100000, s0  }
0x199: {  	[sflag:s0] =	ssyncadd.tile.s32 @!p0 $0x1;
	_ =	shalt  }
.Lfunc_end2:
_tile_overlayer_lowered:
.L_overlay_start_2:
0x19a: {  	(tag) =	ssettag $0x2  }
0x19b: {  	s0 =	rddreg [dreg:$0x0];
	s2 =	stileid.u32  }
0x19c: {  	s1 =	rddreg [dreg:$0x1];
	p0 =	sne.s32 s2, $0x0  }
0x19d: {  	s3 =	rddreg [dreg:$0x2];
	[bflag:$0x3] =	sbarrier.arrive $0xFFFF;
	s2 =	simm.s32 @!p0 $0x1C09  }
0x19e: {  	[timem:s3], [sflag:s2] =	dma.local @!p0 [hbm:s0], s1  }
0x19f: {  	s0 =	simm.s32 @!p0 $0x9  }
0x1a0: {  	_ =	swait.ge @!p0 [sflag:s0], s1  }
0x1a1: {  	s1 =	ssub.s32 @!p0 $0x0, s1;
	[sflag:s0] =	ssyncset.done @!p0 $0x0  }
0x1a2: {  	[sflag:s0] =	ssyncadd.s32 @!p0 s1  }
0x1a3: {  	[bflag:$0x3] =	sbarrier.arrive $0xFFFF  }
0x1a4: {  	_ =	shalt  }

</sc_bundles>
